<compile_context>
chip_gen: v7x
topology: tpu7x:2x2x1
jax: 0.10.2.dev20260603
libtpu: 0.0.44.dev20260713+nightly
codegen_flags: <defaults>
</compile_context>

<pallas_src>
import functools

import jax
import jax.numpy as jnp
from jax import lax
from jax.experimental import pallas as pl
from jax.experimental.pallas import tpu as pltpu
from jax.experimental.pallas import tpu_sc as plsc

F, EDIM, HID = 26, 16, 32
VOCAB = 100000
NC, NS = 2, 16
NW = NC * NS
CHUNK = 128
G = 20
NB = 3


def _sc_gather(idx2, tbl3, n_rows):
    n_cols = idx2.shape[1]
    cpf = n_cols // CHUNK
    n_chunks = (idx2.shape[0] * n_cols) // CHUNK
    chunks_per_w = n_chunks // NW
    groups_per_w = chunks_per_w // G
    assert cpf % G == 0
    mesh = plsc.VectorSubcoreMesh(core_axis_name="c", subcore_axis_name="s",
                                  num_cores=NC, num_subcores=NS)

    dt = tbl3.dtype

    @functools.partial(
        pl.kernel,
        out_type=jax.ShapeDtypeStruct((n_rows, EDIM), dt),
        mesh=mesh,
        scratch_types=[
            pltpu.VMEM((2, G * CHUNK), jnp.int32),
            pltpu.VMEM((NB, G * CHUNK, EDIM), dt),
            pltpu.SemaphoreType.DMA((NB,)),
            pltpu.SemaphoreType.DMA((NB,)),
            pltpu.SemaphoreType.DMA,
        ],
        compiler_params=pltpu.CompilerParams(use_tc_tiling_on_sc=False),
    )
    def body(idx_hbm, tbl_hbm, out_hbm, idx_v, rows_v, sem_g, sem_w, sem_i):
        wid = lax.axis_index("s") * NC + lax.axis_index("c")
        cbase = wid * chunks_per_w
        ng = groups_per_w

        def load_idx(g):
            c0 = cbase + g * G
            f = c0 // cpf
            col = (c0 % cpf) * CHUNK
            pltpu.async_copy(idx_hbm.at[f, pl.ds(col, G * CHUNK)],
                             idx_v.at[lax.rem(g, 2)], sem_i)

        def wait_idx():
            pltpu.make_async_copy(idx_hbm.at[0, pl.ds(0, G * CHUNK)],
                                  idx_v.at[0], sem_i).wait()

        def fire(g, p):
            c0 = cbase + g * G
            f = c0 // cpf
            ip = lax.rem(g, 2)
            for j in range(G):
                pltpu.async_copy(
                    tbl_hbm.at[f].at[idx_v.at[ip].at[pl.ds(j * CHUNK, CHUNK)]],
                    rows_v.at[p].at[pl.ds(j * CHUNK, CHUNK)],
                    sem_g.at[p],
                )

        def drain(p):
            for j in range(G):
                pltpu.make_async_copy(
                    tbl_hbm.at[0].at[pl.ds(0, CHUNK)],
                    rows_v.at[p].at[pl.ds(j * CHUNK, CHUNK)],
                    sem_g.at[p],
                ).wait()

        def wait_write(p):
            pltpu.make_async_copy(
                rows_v.at[p],
                out_hbm.at[pl.ds(0, G * CHUNK)],
                sem_w.at[p],
            ).wait()

        load_idx(0)
        wait_idx()
        fire(0, 0)
        if groups_per_w > 1:
            load_idx(1)

        def task(g, carry):
            p = lax.rem(g, NB)
            pn = lax.rem(g + 1, NB)

            @pl.when(g + 1 < ng)
            def _():
                wait_idx()
                @pl.when(g + 1 >= NB)
                def _():
                    wait_write(pn)

                fire(g + 1, pn)

            drain(p)

            @pl.when(g + 2 < ng)
            def _():
                load_idx(g + 2)

            rb = (cbase + g * G) * CHUNK
            pltpu.async_copy(rows_v.at[p], out_hbm.at[pl.ds(rb, G * CHUNK)],
                             sem_w.at[p])
            return carry

        lax.fori_loop(0, ng, task, 0)
        for d in range(1, min(NB, groups_per_w + 1)):
            wait_write((groups_per_w - d) % NB)

    return body(idx2, tbl3)


def _mlp_fmajor(emb3, W1exp, b1t, W2exp, b2, n, block_r):
    rb = block_r // 8

    def body(e_ref, w1_ref, b1_ref, w2_ref, b2_ref, o_ref):
        acc = jnp.dot(e_ref[0], w1_ref[0], preferred_element_type=jnp.float32)
        for f in range(1, F):
            acc = acc + jnp.dot(e_ref[f], w1_ref[f],
                                preferred_element_type=jnp.float32)
        hh = acc + b1_ref[...]
        hh = jnp.where(hh > 0, hh, jnp.exp(hh) - 1.0)
        o = jnp.dot(hh, w2_ref[...], preferred_element_type=jnp.float32) \
            + b2_ref[0, 0]
        o_ref[...] = o.reshape(1, rb, 8)

    return pl.pallas_call(
        body,
        grid=(n // block_r,),
        in_specs=[
            pl.BlockSpec((F, rb, 128), lambda i: (0, i, 0)),
            pl.BlockSpec((F, 128, 8 * HID), lambda i: (0, 0, 0)),
            pl.BlockSpec((1, 8 * HID), lambda i: (0, 0)),
            pl.BlockSpec((8 * HID, 8), lambda i: (0, 0)),
            pl.BlockSpec((1, 1), lambda i: (0, 0)),
        ],
        out_specs=pl.BlockSpec((1, rb, 8), lambda i: (i, 0, 0)),
        out_shape=jax.ShapeDtypeStruct((n // block_r, rb, 8), jnp.float32),
        compiler_params=pltpu.CompilerParams(
            dimension_semantics=("arbitrary",),
        ),
    )(emb3, W1exp, b1t, W2exp, b2)


@jax.jit
def kernel(lp_query_doc_features, tables, W1, b1, W2, b2):
    x = lp_query_doc_features
    B, T = x.shape[0], x.shape[1]
    n = B * T
    n_rows = n * F
    idx2 = jnp.transpose(x, (2, 1, 0)).reshape(F, n).astype(jnp.int32)
    emb = _sc_gather(idx2, tables, n_rows)
    emb3 = emb.reshape(F, n * EDIM // 128, 128)

    W1r = W1.reshape(F, EDIM, HID)
    W1exp = jnp.zeros((F, 128, 8 * HID), jnp.float32)
    W2exp = jnp.zeros((8 * HID, 8), jnp.float32)
    for p in range(8):
        W1exp = W1exp.at[:, p * EDIM:(p + 1) * EDIM,
                         p * HID:(p + 1) * HID].set(W1r)
        W2exp = W2exp.at[p * HID:(p + 1) * HID, p].set(W2[:, 0])
    b1t = jnp.tile(b1, 8)[None, :]

    out = _mlp_fmajor(emb3, W1exp, b1t, W2exp, b2.reshape(1, 1), n,
                      block_r=8192)
    return out.reshape(T, B).T

# --- scband reference (transcript-rebuilt; emitter-appended) ---
"""Pipeline reference for scband-multi-embedding-bias-tower-82471962018216 (READ-ONLY COPY).

The authoritative reference and input builder live on the scoring server;
editing this copy changes nothing except your own understanding.
"""

import jax, jax.numpy as jnp
import numpy as np

B, T, F = 4096, 50, 26
VOCAB, EDIM, HID = 100000, 16, 32


def setup_inputs(seed: int = 0) -> dict:
    key = jax.random.key(seed)
    k = jax.random.split(key, 6)
    x = jax.random.randint(k[0], (B, T, F), 0, VOCAB)
    # 26 embedding tables, all same vocab size -> stack into one [F, VOCAB, EDIM] array
    tables = jax.random.normal(k[1], (F, VOCAB, EDIM), dtype=jnp.float32) * 0.02
    W1 = jax.random.normal(k[2], (F * EDIM, HID), dtype=jnp.float32) * (1.0 / np.sqrt(F * EDIM))
    b1 = jnp.zeros((HID,), dtype=jnp.float32)
    W2 = jax.random.normal(k[3], (HID, 1), dtype=jnp.float32) * (1.0 / np.sqrt(HID))
    b2 = jnp.zeros((1,), dtype=jnp.float32)
    return {"lp_query_doc_features": x, "tables": tables, "W1": W1, "b1": b1, "W2": W2, "b2": b2}


def reference(lp_query_doc_features, tables, W1, b1, W2, b2):
    # batch['lp_query_doc_features']: [B, T, F] integer IDs
    x = lp_query_doc_features
    # per-feature embedding lookup (gather)
    embedded_cols = [jnp.take(tables[i], x[:, :, i], axis=0) for i in range(F)]
    concat = jnp.concatenate(embedded_cols, axis=-1)  # [B, T, F*EDIM]
    flat = concat.reshape(-1, concat.shape[-1])       # [B*T, F*EDIM]
    h = jax.nn.elu(flat @ W1 + b1)
    out = h @ W2 + b2                                  # [B*T, 1]
    return out.reshape(concat.shape[:2]).squeeze()     # [B, T]

if __name__ == "__main__":
    import jax
    _d = setup_inputs()
    print(jax.jit(kernel)(*tuple(_d.values())))

</pallas_src>

<mosaic_0001>
#map = affine_map<(d0, d1) -> (0, 0)>
#map1 = affine_map<(d0, d1) -> (0, 0, 0)>
module attributes {stable_mosaic.version = 14 : i64} {
  func.func @body(%arg0: i32, %arg1: i32, %arg2: memref<26x204800xi32, #tpu.memory_space<hbm>>, %arg3: memref<26x100000x16xf32, #tpu.memory_space<hbm>>, %arg4: memref<5324800x16xf32, #tpu.memory_space<hbm>>, %arg5: memref<2x2560xi32, #tpu.memory_space<vmem>>, %arg6: memref<3x2560x16xf32, #tpu.memory_space<vmem>>, %arg7: memref<3x!tpu.dma_semaphore, #tpu.memory_space<semaphore_mem>>, %arg8: memref<3x!tpu.dma_semaphore, #tpu.memory_space<semaphore_mem>>, %arg9: memref<!tpu.dma_semaphore, #tpu.memory_space<semaphore_mem>>) attributes {dimension_semantics = [#tpu.dimension_semantics<core_parallel>, #tpu.dimension_semantics<subcore_parallel>], iteration_bounds = array<i64: 2, 16>, scalar_prefetch = 0 : i64, scratch_operands = 5 : i64, tpu.core_type = #tpu.core_type<sc_vector_subcore>, window_params = [{transform_indices = #map}, {transform_indices = #map1}, {transform_indices = #map}]} {
    %mul3A = arith.constant 2 : i32
    %mul3A_0 = arith.muli %arg1, %mul3A : i32
    %add3A = arith.addi %mul3A_0, %arg0 : i32
    %mul3A_1 = arith.constant 1300 : i32
    %mul3A_2 = arith.muli %add3A, %mul3A_1 : i32
    %add3A_3 = arith.constant 0 : i32
    %add3A_4 = arith.addi %mul3A_2, %add3A_3 : i32
    %jit3A = arith.constant 1600 : i32
    %div3A = arith.divsi %add3A_4, %jit3A : i32
    %sign3A = arith.constant 0 : i32
    %sign3A_5 = arith.cmpi sgt, %add3A_4, %sign3A : i32
    %sign3A_6 = arith.extui %sign3A_5 : i1 to i32
    %sign3A_7 = arith.constant 0 : i32
    %sign3A_8 = arith.cmpi slt, %add3A_4, %sign3A_7 : i32
    %sign3A_9 = arith.extui %sign3A_8 : i1 to i32
    %sign3A_10 = arith.subi %sign3A_6, %sign3A_9 : i32
    %sign3A_11 = arith.constant 0 : i32
    %sign3A_12 = arith.cmpi sgt, %jit3A, %sign3A_11 : i32
    %sign3A_13 = arith.extui %sign3A_12 : i1 to i32
    %sign3A_14 = arith.constant 0 : i32
    %sign3A_15 = arith.cmpi slt, %jit3A, %sign3A_14 : i32
    %sign3A_16 = arith.extui %sign3A_15 : i1 to i32
    %sign3A_17 = arith.subi %sign3A_13, %sign3A_16 : i32
    %ne3A = arith.cmpi ne, %sign3A_10, %sign3A_17 : i32
    %rem3A = arith.remsi %add3A_4, %jit3A : i32
    %ne3A_18 = arith.constant 0 : i32
    %ne3A_19 = arith.cmpi ne, %rem3A, %ne3A_18 : i32
    %and3A = arith.andi %ne3A, %ne3A_19 : i1
    %sub3A = arith.constant 1 : i32
    %sub3A_20 = arith.subi %div3A, %sub3A : i32
    %select_n3A = arith.select %and3A, %sub3A_20, %div3A : i32
    %jit3A_21 = arith.constant 1600 : i32
    %eq3A = arith.constant 0 : i32
    %eq3A_22 = arith.cmpi eq, %jit3A_21, %eq3A : i32
    %jit3A_23 = arith.constant 1 : i32
    %select_n3A_24 = arith.select %eq3A_22, %jit3A_23, %jit3A_21 : i32
    %rem3A_25 = arith.remsi %add3A_4, %select_n3A_24 : i32
    %ne3A_26 = arith.constant 0 : i32
    %ne3A_27 = arith.cmpi ne, %rem3A_25, %ne3A_26 : i32
    %lt3A = arith.constant 0 : i32
    %lt3A_28 = arith.cmpi slt, %rem3A_25, %lt3A : i32
    %lt3A_29 = arith.constant 0 : i32
    %lt3A_30 = arith.cmpi slt, %select_n3A_24, %lt3A_29 : i32
    %ne3A_31 = arith.xori %lt3A_28, %lt3A_30 : i1
    %and3A_32 = arith.andi %ne3A_31, %ne3A_27 : i1
    %add3A_33 = arith.addi %rem3A_25, %select_n3A_24 : i32
    %select_n3A_34 = arith.select %and3A_32, %add3A_33, %rem3A_25 : i32
    %mul3A_35 = arith.constant 128 : i32
    %mul3A_36 = arith.muli %select_n3A_34, %mul3A_35 : i32
    %rem3A_37 = arith.constant 0 : i32
    %rem3A_38 = arith.constant 2 : i32
    %rem3A_39 = arith.remsi %rem3A_37, %rem3A_38 : i32
    %dma_start3A = arith.constant 0 : i32
    %dma_start3A_40 = tpu.memref_slice %arg5[%rem3A_39, %dma_start3A] : memref<2x2560xi32, #tpu.memory_space<vmem>> -> memref<1x2560xi32, #tpu.memory_space<vmem>>
    %dma_start3A_41 = tpu.memref_squeeze %dma_start3A_40 : memref<1x2560xi32, #tpu.memory_space<vmem>> -> memref<2560xi32, #tpu.memory_space<vmem>>
    %dma_start3A_42 = tpu.memref_slice %arg2[%select_n3A, %mul3A_36] : memref<26x204800xi32, #tpu.memory_space<hbm>> -> memref<1x2560xi32, #tpu.memory_space<hbm>>
    %dma_start3A_43 = tpu.memref_squeeze %dma_start3A_42 : memref<1x2560xi32, #tpu.memory_space<hbm>> -> memref<2560xi32, #tpu.memory_space<hbm>>
    %dma_start3A_44 = arith.constant 0 : i32
    %dma_start3A_45 = tpu.memref_slice %arg5[%rem3A_39, %dma_start3A_44] : memref<2x2560xi32, #tpu.memory_space<vmem>> -> memref<1x2560xi32, #tpu.memory_space<vmem>>
    %dma_start3A_46 = tpu.memref_squeeze %dma_start3A_45 : memref<1x2560xi32, #tpu.memory_space<vmem>> -> memref<2560xi32, #tpu.memory_space<vmem>>
    %dma_start3A_47 = tpu.memref_slice %arg2[%select_n3A, %mul3A_36] : memref<26x204800xi32, #tpu.memory_space<hbm>> -> memref<1x2560xi32, #tpu.memory_space<hbm>>
    %dma_start3A_48 = tpu.memref_squeeze %dma_start3A_47 : memref<1x2560xi32, #tpu.memory_space<hbm>> -> memref<2560xi32, #tpu.memory_space<hbm>>
    tpu.enqueue_dma source(%dma_start3A_48 : memref<2560xi32, #tpu.memory_space<hbm>>) target(%dma_start3A_46 : memref<2560xi32, #tpu.memory_space<vmem>>) target_semaphore(%arg9 : memref<!tpu.dma_semaphore, #tpu.memory_space<semaphore_mem>>)
    %dma_wait3A = arith.constant 0 : i32
    %dma_wait3A_49 = arith.constant 0 : i32
    %dma_wait3A_50 = arith.constant 0 : i32
    %dma_wait3A_51 = tpu.memref_slice %arg5[%dma_wait3A_49, %dma_wait3A_50] : memref<2x2560xi32, #tpu.memory_space<vmem>> -> memref<1x2560xi32, #tpu.memory_space<vmem>>
    %dma_wait3A_52 = tpu.memref_squeeze %dma_wait3A_51 : memref<1x2560xi32, #tpu.memory_space<vmem>> -> memref<2560xi32, #tpu.memory_space<vmem>>
    %dma_wait3A_53 = arith.constant 0 : i32
    %dma_wait3A_54 = tpu.memref_slice %arg2[%dma_wait3A, %dma_wait3A_53] : memref<26x204800xi32, #tpu.memory_space<hbm>> -> memref<1x2560xi32, #tpu.memory_space<hbm>>
    %dma_wait3A_55 = tpu.memref_squeeze %dma_wait3A_54 : memref<1x2560xi32, #tpu.memory_space<hbm>> -> memref<2560xi32, #tpu.memory_space<hbm>>
    %dma_wait3A_56 = arith.constant 0 : i32
    %dma_wait3A_57 = tpu.memref_slice %arg5[%dma_wait3A_49, %dma_wait3A_56] : memref<2x2560xi32, #tpu.memory_space<vmem>> -> memref<1x2560xi32, #tpu.memory_space<vmem>>
    %dma_wait3A_58 = tpu.memref_squeeze %dma_wait3A_57 : memref<1x2560xi32, #tpu.memory_space<vmem>> -> memref<2560xi32, #tpu.memory_space<vmem>>
    %dma_wait3A_59 = arith.constant 0 : i32
    %dma_wait3A_60 = tpu.memref_slice %arg2[%dma_wait3A, %dma_wait3A_59] : memref<26x204800xi32, #tpu.memory_space<hbm>> -> memref<1x2560xi32, #tpu.memory_space<hbm>>
    %dma_wait3A_61 = tpu.memref_squeeze %dma_wait3A_60 : memref<1x2560xi32, #tpu.memory_space<hbm>> -> memref<2560xi32, #tpu.memory_space<hbm>>
    tpu.wait_dma2 semaphore(%arg9 : memref<!tpu.dma_semaphore, #tpu.memory_space<semaphore_mem>>) src(%dma_wait3A_61 : memref<2560xi32, #tpu.memory_space<hbm>>) dst(%dma_wait3A_58 : memref<2560xi32, #tpu.memory_space<vmem>>)
    %add3A_62 = arith.constant 0 : i32
    %add3A_63 = arith.addi %mul3A_2, %add3A_62 : i32
    %jit3A_64 = arith.constant 1600 : i32
    %div3A_65 = arith.divsi %add3A_63, %jit3A_64 : i32
    %sign3A_66 = arith.constant 0 : i32
    %sign3A_67 = arith.cmpi sgt, %add3A_63, %sign3A_66 : i32
    %sign3A_68 = arith.extui %sign3A_67 : i1 to i32
    %sign3A_69 = arith.constant 0 : i32
    %sign3A_70 = arith.cmpi slt, %add3A_63, %sign3A_69 : i32
    %sign3A_71 = arith.extui %sign3A_70 : i1 to i32
    %sign3A_72 = arith.subi %sign3A_68, %sign3A_71 : i32
    %sign3A_73 = arith.constant 0 : i32
    %sign3A_74 = arith.cmpi sgt, %jit3A_64, %sign3A_73 : i32
    %sign3A_75 = arith.extui %sign3A_74 : i1 to i32
    %sign3A_76 = arith.constant 0 : i32
    %sign3A_77 = arith.cmpi slt, %jit3A_64, %sign3A_76 : i32
    %sign3A_78 = arith.extui %sign3A_77 : i1 to i32
    %sign3A_79 = arith.subi %sign3A_75, %sign3A_78 : i32
    %ne3A_80 = arith.cmpi ne, %sign3A_72, %sign3A_79 : i32
    %rem3A_81 = arith.remsi %add3A_63, %jit3A_64 : i32
    %ne3A_82 = arith.constant 0 : i32
    %ne3A_83 = arith.cmpi ne, %rem3A_81, %ne3A_82 : i32
    %and3A_84 = arith.andi %ne3A_80, %ne3A_83 : i1
    %sub3A_85 = arith.constant 1 : i32
    %sub3A_86 = arith.subi %div3A_65, %sub3A_85 : i32
    %select_n3A_87 = arith.select %and3A_84, %sub3A_86, %div3A_65 : i32
    %rem3A_88 = arith.constant 0 : i32
    %rem3A_89 = arith.constant 2 : i32
    %rem3A_90 = arith.remsi %rem3A_88, %rem3A_89 : i32
    %dma_start3A_91 = arith.constant 0 : i32
    %dma_start3A_92 = arith.constant 0 : i32
    %dma_start3A_93 = arith.constant 0 : i32
    %dma_start3A_94 = arith.constant 0 : i32
    %dma_start3A_95 = tpu.memref_slice %arg6[%dma_start3A_91, %dma_start3A_93, %dma_start3A_94] : memref<3x2560x16xf32, #tpu.memory_space<vmem>> -> memref<1x2560x16xf32, #tpu.memory_space<vmem>>
    %dma_start3A_96 = tpu.memref_squeeze %dma_start3A_95 : memref<1x2560x16xf32, #tpu.memory_space<vmem>> -> memref<2560x16xf32, #tpu.memory_space<vmem>>
    %dma_start3A_97 = arith.constant 0 : i32
    %dma_start3A_98 = arith.constant 0 : i32
    %dma_start3A_99 = tpu.memref_slice %dma_start3A_96[%dma_start3A_97, %dma_start3A_98] : memref<2560x16xf32, #tpu.memory_space<vmem>> -> memref<128x16xf32, #tpu.memory_space<vmem>>
    %dma_start3A_100 = arith.constant 0 : i32
    %dma_start3A_101 = tpu.memref_slice %arg5[%rem3A_90, %dma_start3A_100] : memref<2x2560xi32, #tpu.memory_space<vmem>> -> memref<1x2560xi32, #tpu.memory_space<vmem>>
    %dma_start3A_102 = tpu.memref_squeeze %dma_start3A_101 : memref<1x2560xi32, #tpu.memory_space<vmem>> -> memref<2560xi32, #tpu.memory_space<vmem>>
    %dma_start3A_103 = arith.constant 0 : i32
    %dma_start3A_104 = tpu.memref_slice %dma_start3A_102[%dma_start3A_103] : memref<2560xi32, #tpu.memory_space<vmem>> -> memref<128xi32, #tpu.memory_space<vmem>>
    %dma_start3A_105 = arith.constant 0 : i32
    %dma_start3A_106 = arith.constant 0 : i32
    %dma_start3A_107 = tpu.memref_slice %arg3[%select_n3A_87, %dma_start3A_105, %dma_start3A_106] : memref<26x100000x16xf32, #tpu.memory_space<hbm>> -> memref<1x100000x16xf32, #tpu.memory_space<hbm>>
    %dma_start3A_108 = tpu.memref_squeeze %dma_start3A_107 : memref<1x100000x16xf32, #tpu.memory_space<hbm>> -> memref<100000x16xf32, #tpu.memory_space<hbm>>
    %dma_start3A_109 = arith.constant 0 : i32
    %dma_start3A_110 = arith.constant 0 : i32
    %dma_start3A_111 = tpu.memref_slice %dma_start3A_108[%dma_start3A_109, %dma_start3A_110] : memref<100000x16xf32, #tpu.memory_space<hbm>> -> memref<100000x16xf32, #tpu.memory_space<hbm>>
    %dma_start3A_112 = tpu.memref_slice %arg7[%dma_start3A_92] : memref<3x!tpu.dma_semaphore, #tpu.memory_space<semaphore_mem>> -> memref<1x!tpu.dma_semaphore, #tpu.memory_space<semaphore_mem>>
    %dma_start3A_113 = tpu.memref_squeeze %dma_start3A_112 : memref<1x!tpu.dma_semaphore, #tpu.memory_space<semaphore_mem>> -> memref<!tpu.dma_semaphore, #tpu.memory_space<semaphore_mem>>
    tpu.enqueue_indirect_dma source(%dma_start3A_111 : memref<100000x16xf32, #tpu.memory_space<hbm>>) target(%dma_start3A_99 : memref<128x16xf32, #tpu.memory_space<vmem>>) offsets(%dma_start3A_104 : memref<128xi32, #tpu.memory_space<vmem>>) semaphore(%dma_start3A_113 : memref<!tpu.dma_semaphore, #tpu.memory_space<semaphore_mem>>)
    %dma_start3A_114 = arith.constant 0 : i32
    %dma_start3A_115 = arith.constant 0 : i32
    %dma_start3A_116 = arith.constant 0 : i32
    %dma_start3A_117 = arith.constant 0 : i32
    %dma_start3A_118 = tpu.memref_slice %arg6[%dma_start3A_114, %dma_start3A_116, %dma_start3A_117] : memref<3x2560x16xf32, #tpu.memory_space<vmem>> -> memref<1x2560x16xf32, #tpu.memory_space<vmem>>
    %dma_start3A_119 = tpu.memref_squeeze %dma_start3A_118 : memref<1x2560x16xf32, #tpu.memory_space<vmem>> -> memref<2560x16xf32, #tpu.memory_space<vmem>>
    %dma_start3A_120 = arith.constant 128 : i32
    %dma_start3A_121 = arith.constant 0 : i32
    %dma_start3A_122 = tpu.memref_slice %dma_start3A_119[%dma_start3A_120, %dma_start3A_121] : memref<2560x16xf32, #tpu.memory_space<vmem>> -> memref<128x16xf32, #tpu.memory_space<vmem>>
    %dma_start3A_123 = arith.constant 0 : i32
    %dma_start3A_124 = tpu.memref_slice %arg5[%rem3A_90, %dma_start3A_123] : memref<2x2560xi32, #tpu.memory_space<vmem>> -> memref<1x2560xi32, #tpu.memory_space<vmem>>
    %dma_start3A_125 = tpu.memref_squeeze %dma_start3A_124 : memref<1x2560xi32, #tpu.memory_space<vmem>> -> memref<2560xi32, #tpu.memory_space<vmem>>
    %dma_start3A_126 = arith.constant 128 : i32
    %dma_start3A_127 = tpu.memref_slice %dma_start3A_125[%dma_start3A_126] : memref<2560xi32, #tpu.memory_space<vmem>> -> memref<128xi32, #tpu.memory_space<vmem>>
    %dma_start3A_128 = arith.constant 0 : i32
    %dma_start3A_129 = arith.constant 0 : i32
    %dma_start3A_130 = tpu.memref_slice %arg3[%select_n3A_87, %dma_start3A_128, %dma_start3A_129] : memref<26x100000x16xf32, #tpu.memory_space<hbm>> -> memref<1x100000x16xf32, #tpu.memory_space<hbm>>
    %dma_start3A_131 = tpu.memref_squeeze %dma_start3A_130 : memref<1x100000x16xf32, #tpu.memory_space<hbm>> -> memref<100000x16xf32, #tpu.memory_space<hbm>>
    %dma_start3A_132 = arith.constant 0 : i32
    %dma_start3A_133 = arith.constant 0 : i32
    %dma_start3A_134 = tpu.memref_slice %dma_start3A_131[%dma_start3A_132, %dma_start3A_133] : memref<100000x16xf32, #tpu.memory_space<hbm>> -> memref<100000x16xf32, #tpu.memory_space<hbm>>
    %dma_start3A_135 = tpu.memref_slice %arg7[%dma_start3A_115] : memref<3x!tpu.dma_semaphore, #tpu.memory_space<semaphore_mem>> -> memref<1x!tpu.dma_semaphore, #tpu.memory_space<semaphore_mem>>
    %dma_start3A_136 = tpu.memref_squeeze %dma_start3A_135 : memref<1x!tpu.dma_semaphore, #tpu.memory_space<semaphore_mem>> -> memref<!tpu.dma_semaphore, #tpu.memory_space<semaphore_mem>>
    tpu.enqueue_indirect_dma source(%dma_start3A_134 : memref<100000x16xf32, #tpu.memory_space<hbm>>) target(%dma_start3A_122 : memref<128x16xf32, #tpu.memory_space<vmem>>) offsets(%dma_start3A_127 : memref<128xi32, #tpu.memory_space<vmem>>) semaphore(%dma_start3A_136 : memref<!tpu.dma_semaphore, #tpu.memory_space<semaphore_mem>>)
    %dma_start3A_137 = arith.constant 0 : i32
    %dma_start3A_138 = arith.constant 0 : i32
    %dma_start3A_139 = arith.constant 0 : i32
    %dma_start3A_140 = arith.constant 0 : i32
    %dma_start3A_141 = tpu.memref_slice %arg6[%dma_start3A_137, %dma_start3A_139, %dma_start3A_140] : memref<3x2560x16xf32, #tpu.memory_space<vmem>> -> memref<1x2560x16xf32, #tpu.memory_space<vmem>>
    %dma_start3A_142 = tpu.memref_squeeze %dma_start3A_141 : memref<1x2560x16xf32, #tpu.memory_space<vmem>> -> memref<2560x16xf32, #tpu.memory_space<vmem>>
    %dma_start3A_143 = arith.constant 256 : i32
    %dma_start3A_144 = arith.constant 0 : i32
    %dma_start3A_145 = tpu.memref_slice %dma_start3A_142[%dma_start3A_143, %dma_start3A_144] : memref<2560x16xf32, #tpu.memory_space<vmem>> -> memref<128x16xf32, #tpu.memory_space<vmem>>
    %dma_start3A_146 = arith.constant 0 : i32
    %dma_start3A_147 = tpu.memref_slice %arg5[%rem3A_90, %dma_start3A_146] : memref<2x2560xi32, #tpu.memory_space<vmem>> -> memref<1x2560xi32, #tpu.memory_space<vmem>>
    %dma_start3A_148 = tpu.memref_squeeze %dma_start3A_147 : memref<1x2560xi32, #tpu.memory_space<vmem>> -> memref<2560xi32, #tpu.memory_space<vmem>>
    %dma_start3A_149 = arith.constant 256 : i32
    %dma_start3A_150 = tpu.memref_slice %dma_start3A_148[%dma_start3A_149] : memref<2560xi32, #tpu.memory_space<vmem>> -> memref<128xi32, #tpu.memory_space<vmem>>
    %dma_start3A_151 = arith.constant 0 : i32
    %dma_start3A_152 = arith.constant 0 : i32
    %dma_start3A_153 = tpu.memref_slice %arg3[%select_n3A_87, %dma_start3A_151, %dma_start3A_152] : memref<26x100000x16xf32, #tpu.memory_space<hbm>> -> memref<1x100000x16xf32, #tpu.memory_space<hbm>>
    %dma_start3A_154 = tpu.memref_squeeze %dma_start3A_153 : memref<1x100000x16xf32, #tpu.memory_space<hbm>> -> memref<100000x16xf32, #tpu.memory_space<hbm>>
    %dma_start3A_155 = arith.constant 0 : i32
    %dma_start3A_156 = arith.constant 0 : i32
    %dma_start3A_157 = tpu.memref_slice %dma_start3A_154[%dma_start3A_155, %dma_start3A_156] : memref<100000x16xf32, #tpu.memory_space<hbm>> -> memref<100000x16xf32, #tpu.memory_space<hbm>>
    %dma_start3A_158 = tpu.memref_slice %arg7[%dma_start3A_138] : memref<3x!tpu.dma_semaphore, #tpu.memory_space<semaphore_mem>> -> memref<1x!tpu.dma_semaphore, #tpu.memory_space<semaphore_mem>>
    %dma_start3A_159 = tpu.memref_squeeze %dma_start3A_158 : memref<1x!tpu.dma_semaphore, #tpu.memory_space<semaphore_mem>> -> memref<!tpu.dma_semaphore, #tpu.memory_space<semaphore_mem>>
    tpu.enqueue_indirect_dma source(%dma_start3A_157 : memref<100000x16xf32, #tpu.memory_space<hbm>>) target(%dma_start3A_145 : memref<128x16xf32, #tpu.memory_space<vmem>>) offsets(%dma_start3A_150 : memref<128xi32, #tpu.memory_space<vmem>>) semaphore(%dma_start3A_159 : memref<!tpu.dma_semaphore, #tpu.memory_space<semaphore_mem>>)
    %dma_start3A_160 = arith.constant 0 : i32
    %dma_start3A_161 = arith.constant 0 : i32
    %dma_start3A_162 = arith.constant 0 : i32
    %dma_start3A_163 = arith.constant 0 : i32
    %dma_start3A_164 = tpu.memref_slice %arg6[%dma_start3A_160, %dma_start3A_162, %dma_start3A_163] : memref<3x2560x16xf32, #tpu.memory_space<vmem>> -> memref<1x2560x16xf32, #tpu.memory_space<vmem>>
    %dma_start3A_165 = tpu.memref_squeeze %dma_start3A_164 : memref<1x2560x16xf32, #tpu.memory_space<vmem>> -> memref<2560x16xf32, #tpu.memory_space<vmem>>
    %dma_start3A_166 = arith.constant 384 : i32
    %dma_start3A_167 = arith.constant 0 : i32
    %dma_start3A_168 = tpu.memref_slice %dma_start3A_165[%dma_start3A_166, %dma_start3A_167] : memref<2560x16xf32, #tpu.memory_space<vmem>> -> memref<128x16xf32, #tpu.memory_space<vmem>>
    %dma_start3A_169 = arith.constant 0 : i32
    %dma_start3A_170 = tpu.memref_slice %arg5[%rem3A_90, %dma_start3A_169] : memref<2x2560xi32, #tpu.memory_space<vmem>> -> memref<1x2560xi32, #tpu.memory_space<vmem>>
    %dma_start3A_171 = tpu.memref_squeeze %dma_start3A_170 : memref<1x2560xi32, #tpu.memory_space<vmem>> -> memref<2560xi32, #tpu.memory_space<vmem>>
    %dma_start3A_172 = arith.constant 384 : i32
    %dma_start3A_173 = tpu.memref_slice %dma_start3A_171[%dma_start3A_172] : memref<2560xi32, #tpu.memory_space<vmem>> -> memref<128xi32, #tpu.memory_space<vmem>>
    %dma_start3A_174 = arith.constant 0 : i32
    %dma_start3A_175 = arith.constant 0 : i32
    %dma_start3A_176 = tpu.memref_slice %arg3[%select_n3A_87, %dma_start3A_174, %dma_start3A_175] : memref<26x100000x16xf32, #tpu.memory_space<hbm>> -> memref<1x100000x16xf32, #tpu.memory_space<hbm>>
    %dma_start3A_177 = tpu.memref_squeeze %dma_start3A_176 : memref<1x100000x16xf32, #tpu.memory_space<hbm>> -> memref<100000x16xf32, #tpu.memory_space<hbm>>
    %dma_start3A_178 = arith.constant 0 : i32
    %dma_start3A_179 = arith.constant 0 : i32
    %dma_start3A_180 = tpu.memref_slice %dma_start3A_177[%dma_start3A_178, %dma_start3A_179] : memref<100000x16xf32, #tpu.memory_space<hbm>> -> memref<100000x16xf32, #tpu.memory_space<hbm>>
    %dma_start3A_181 = tpu.memref_slice %arg7[%dma_start3A_161] : memref<3x!tpu.dma_semaphore, #tpu.memory_space<semaphore_mem>> -> memref<1x!tpu.dma_semaphore, #tpu.memory_space<semaphore_mem>>
    %dma_start3A_182 = tpu.memref_squeeze %dma_start3A_181 : memref<1x!tpu.dma_semaphore, #tpu.memory_space<semaphore_mem>> -> memref<!tpu.dma_semaphore, #tpu.memory_space<semaphore_mem>>
    tpu.enqueue_indirect_dma source(%dma_start3A_180 : memref<100000x16xf32, #tpu.memory_space<hbm>>) target(%dma_start3A_168 : memref<128x16xf32, #tpu.memory_space<vmem>>) offsets(%dma_start3A_173 : memref<128xi32, #tpu.memory_space<vmem>>) semaphore(%dma_start3A_182 : memref<!tpu.dma_semaphore, #tpu.memory_space<semaphore_mem>>)
    %dma_start3A_183 = arith.constant 0 : i32
    %dma_start3A_184 = arith.constant 0 : i32
    %dma_start3A_185 = arith.constant 0 : i32
    %dma_start3A_186 = arith.constant 0 : i32
    %dma_start3A_187 = tpu.memref_slice %arg6[%dma_start3A_183, %dma_start3A_185, %dma_start3A_186] : memref<3x2560x16xf32, #tpu.memory_space<vmem>> -> memref<1x2560x16xf32, #tpu.memory_space<vmem>>
    %dma_start3A_188 = tpu.memref_squeeze %dma_start3A_187 : memref<1x2560x16xf32, #tpu.memory_space<vmem>> -> memref<2560x16xf32, #tpu.memory_space<vmem>>
    %dma_start3A_189 = arith.constant 512 : i32
    %dma_start3A_190 = arith.constant 0 : i32
    %dma_start3A_191 = tpu.memref_slice %dma_start3A_188[%dma_start3A_189, %dma_start3A_190] : memref<2560x16xf32, #tpu.memory_space<vmem>> -> memref<128x16xf32, #tpu.memory_space<vmem>>
    %dma_start3A_192 = arith.constant 0 : i32
    %dma_start3A_193 = tpu.memref_slice %arg5[%rem3A_90, %dma_start3A_192] : memref<2x2560xi32, #tpu.memory_space<vmem>> -> memref<1x2560xi32, #tpu.memory_space<vmem>>
    %dma_start3A_194 = tpu.memref_squeeze %dma_start3A_193 : memref<1x2560xi32, #tpu.memory_space<vmem>> -> memref<2560xi32, #tpu.memory_space<vmem>>
    %dma_start3A_195 = arith.constant 512 : i32
    %dma_start3A_196 = tpu.memref_slice %dma_start3A_194[%dma_start3A_195] : memref<2560xi32, #tpu.memory_space<vmem>> -> memref<128xi32, #tpu.memory_space<vmem>>
    %dma_start3A_197 = arith.constant 0 : i32
    %dma_start3A_198 = arith.constant 0 : i32
    %dma_start3A_199 = tpu.memref_slice %arg3[%select_n3A_87, %dma_start3A_197, %dma_start3A_198] : memref<26x100000x16xf32, #tpu.memory_space<hbm>> -> memref<1x100000x16xf32, #tpu.memory_space<hbm>>
    %dma_start3A_200 = tpu.memref_squeeze %dma_start3A_199 : memref<1x100000x16xf32, #tpu.memory_space<hbm>> -> memref<100000x16xf32, #tpu.memory_space<hbm>>
    %dma_start3A_201 = arith.constant 0 : i32
    %dma_start3A_202 = arith.constant 0 : i32
    %dma_start3A_203 = tpu.memref_slice %dma_start3A_200[%dma_start3A_201, %dma_start3A_202] : memref<100000x16xf32, #tpu.memory_space<hbm>> -> memref<100000x16xf32, #tpu.memory_space<hbm>>
    %dma_start3A_204 = tpu.memref_slice %arg7[%dma_start3A_184] : memref<3x!tpu.dma_semaphore, #tpu.memory_space<semaphore_mem>> -> memref<1x!tpu.dma_semaphore, #tpu.memory_space<semaphore_mem>>
    %dma_start3A_205 = tpu.memref_squeeze %dma_start3A_204 : memref<1x!tpu.dma_semaphore, #tpu.memory_space<semaphore_mem>> -> memref<!tpu.dma_semaphore, #tpu.memory_space<semaphore_mem>>
    tpu.enqueue_indirect_dma source(%dma_start3A_203 : memref<100000x16xf32, #tpu.memory_space<hbm>>) target(%dma_start3A_191 : memref<128x16xf32, #tpu.memory_space<vmem>>) offsets(%dma_start3A_196 : memref<128xi32, #tpu.memory_space<vmem>>) semaphore(%dma_start3A_205 : memref<!tpu.dma_semaphore, #tpu.memory_space<semaphore_mem>>)
    %dma_start3A_206 = arith.constant 0 : i32
    %dma_start3A_207 = arith.constant 0 : i32
    %dma_start3A_208 = arith.constant 0 : i32
    %dma_start3A_209 = arith.constant 0 : i32
    %dma_start3A_210 = tpu.memref_slice %arg6[%dma_start3A_206, %dma_start3A_208, %dma_start3A_209] : memref<3x2560x16xf32, #tpu.memory_space<vmem>> -> memref<1x2560x16xf32, #tpu.memory_space<vmem>>
    %dma_start3A_211 = tpu.memref_squeeze %dma_start3A_210 : memref<1x2560x16xf32, #tpu.memory_space<vmem>> -> memref<2560x16xf32, #tpu.memory_space<vmem>>
    %dma_start3A_212 = arith.constant 640 : i32
    %dma_start3A_213 = arith.constant 0 : i32
    %dma_start3A_214 = tpu.memref_slice %dma_start3A_211[%dma_start3A_212, %dma_start3A_213] : memref<2560x16xf32, #tpu.memory_space<vmem>> -> memref<128x16xf32, #tpu.memory_space<vmem>>
    %dma_start3A_215 = arith.constant 0 : i32
    %dma_start3A_216 = tpu.memref_slice %arg5[%rem3A_90, %dma_start3A_215] : memref<2x2560xi32, #tpu.memory_space<vmem>> -> memref<1x2560xi32, #tpu.memory_space<vmem>>
    %dma_start3A_217 = tpu.memref_squeeze %dma_start3A_216 : memref<1x2560xi32, #tpu.memory_space<vmem>> -> memref<2560xi32, #tpu.memory_space<vmem>>
    %dma_start3A_218 = arith.constant 640 : i32
    %dma_start3A_219 = tpu.memref_slice %dma_start3A_217[%dma_start3A_218] : memref<2560xi32, #tpu.memory_space<vmem>> -> memref<128xi32, #tpu.memory_space<vmem>>
    %dma_start3A_220 = arith.constant 0 : i32
    %dma_start3A_221 = arith.constant 0 : i32
    %dma_start3A_222 = tpu.memref_slice %arg3[%select_n3A_87, %dma_start3A_220, %dma_start3A_221] : memref<26x100000x16xf32, #tpu.memory_space<hbm>> -> memref<1x100000x16xf32, #tpu.memory_space<hbm>>
    %dma_start3A_223 = tpu.memref_squeeze %dma_start3A_222 : memref<1x100000x16xf32, #tpu.memory_space<hbm>> -> memref<100000x16xf32, #tpu.memory_space<hbm>>
    %dma_start3A_224 = arith.constant 0 : i32
    %dma_start3A_225 = arith.constant 0 : i32
    %dma_start3A_226 = tpu.memref_slice %dma_start3A_223[%dma_start3A_224, %dma_start3A_225] : memref<100000x16xf32, #tpu.memory_space<hbm>> -> memref<100000x16xf32, #tpu.memory_space<hbm>>
    %dma_start3A_227 = tpu.memref_slice %arg7[%dma_start3A_207] : memref<3x!tpu.dma_semaphore, #tpu.memory_space<semaphore_mem>> -> memref<1x!tpu.dma_semaphore, #tpu.memory_space<semaphore_mem>>
    %dma_start3A_228 = tpu.memref_squeeze %dma_start3A_227 : memref<1x!tpu.dma_semaphore, #tpu.memory_space<semaphore_mem>> -> memref<!tpu.dma_semaphore, #tpu.memory_space<semaphore_mem>>
    tpu.enqueue_indirect_dma source(%dma_start3A_226 : memref<100000x16xf32, #tpu.memory_space<hbm>>) target(%dma_start3A_214 : memref<128x16xf32, #tpu.memory_space<vmem>>) offsets(%dma_start3A_219 : memref<128xi32, #tpu.memory_space<vmem>>) semaphore(%dma_start3A_228 : memref<!tpu.dma_semaphore, #tpu.memory_space<semaphore_mem>>)
    %dma_start3A_229 = arith.constant 0 : i32
    %dma_start3A_230 = arith.constant 0 : i32
    %dma_start3A_231 = arith.constant 0 : i32
    %dma_start3A_232 = arith.constant 0 : i32
    %dma_start3A_233 = tpu.memref_slice %arg6[%dma_start3A_229, %dma_start3A_231, %dma_start3A_232] : memref<3x2560x16xf32, #tpu.memory_space<vmem>> -> memref<1x2560x16xf32, #tpu.memory_space<vmem>>
    %dma_start3A_234 = tpu.memref_squeeze %dma_start3A_233 : memref<1x2560x16xf32, #tpu.memory_space<vmem>> -> memref<2560x16xf32, #tpu.memory_space<vmem>>
    %dma_start3A_235 = arith.constant 768 : i32
    %dma_start3A_236 = arith.constant 0 : i32
    %dma_start3A_237 = tpu.memref_slice %dma_start3A_234[%dma_start3A_235, %dma_start3A_236] : memref<2560x16xf32, #tpu.memory_space<vmem>> -> memref<128x16xf32, #tpu.memory_space<vmem>>
    %dma_start3A_238 = arith.constant 0 : i32
    %dma_start3A_239 = tpu.memref_slice %arg5[%rem3A_90, %dma_start3A_238] : memref<2x2560xi32, #tpu.memory_space<vmem>> -> memref<1x2560xi32, #tpu.memory_space<vmem>>
    %dma_start3A_240 = tpu.memref_squeeze %dma_start3A_239 : memref<1x2560xi32, #tpu.memory_space<vmem>> -> memref<2560xi32, #tpu.memory_space<vmem>>
    %dma_start3A_241 = arith.constant 768 : i32
    %dma_start3A_242 = tpu.memref_slice %dma_start3A_240[%dma_start3A_241] : memref<2560xi32, #tpu.memory_space<vmem>> -> memref<128xi32, #tpu.memory_space<vmem>>
    %dma_start3A_243 = arith.constant 0 : i32
    %dma_start3A_244 = arith.constant 0 : i32
    %dma_start3A_245 = tpu.memref_slice %arg3[%select_n3A_87, %dma_start3A_243, %dma_start3A_244] : memref<26x100000x16xf32, #tpu.memory_space<hbm>> -> memref<1x100000x16xf32, #tpu.memory_space<hbm>>
    %dma_start3A_246 = tpu.memref_squeeze %dma_start3A_245 : memref<1x100000x16xf32, #tpu.memory_space<hbm>> -> memref<100000x16xf32, #tpu.memory_space<hbm>>
    %dma_start3A_247 = arith.constant 0 : i32
    %dma_start3A_248 = arith.constant 0 : i32
    %dma_start3A_249 = tpu.memref_slice %dma_start3A_246[%dma_start3A_247, %dma_start3A_248] : memref<100000x16xf32, #tpu.memory_space<hbm>> -> memref<100000x16xf32, #tpu.memory_space<hbm>>
    %dma_start3A_250 = tpu.memref_slice %arg7[%dma_start3A_230] : memref<3x!tpu.dma_semaphore, #tpu.memory_space<semaphore_mem>> -> memref<1x!tpu.dma_semaphore, #tpu.memory_space<semaphore_mem>>
    %dma_start3A_251 = tpu.memref_squeeze %dma_start3A_250 : memref<1x!tpu.dma_semaphore, #tpu.memory_space<semaphore_mem>> -> memref<!tpu.dma_semaphore, #tpu.memory_space<semaphore_mem>>
    tpu.enqueue_indirect_dma source(%dma_start3A_249 : memref<100000x16xf32, #tpu.memory_space<hbm>>) target(%dma_start3A_237 : memref<128x16xf32, #tpu.memory_space<vmem>>) offsets(%dma_start3A_242 : memref<128xi32, #tpu.memory_space<vmem>>) semaphore(%dma_start3A_251 : memref<!tpu.dma_semaphore, #tpu.memory_space<semaphore_mem>>)
    %dma_start3A_252 = arith.constant 0 : i32
    %dma_start3A_253 = arith.constant 0 : i32
    %dma_start3A_254 = arith.constant 0 : i32
    %dma_start3A_255 = arith.constant 0 : i32
    %dma_start3A_256 = tpu.memref_slice %arg6[%dma_start3A_252, %dma_start3A_254, %dma_start3A_255] : memref<3x2560x16xf32, #tpu.memory_space<vmem>> -> memref<1x2560x16xf32, #tpu.memory_space<vmem>>
    %dma_start3A_257 = tpu.memref_squeeze %dma_start3A_256 : memref<1x2560x16xf32, #tpu.memory_space<vmem>> -> memref<2560x16xf32, #tpu.memory_space<vmem>>
    %dma_start3A_258 = arith.constant 896 : i32
    %dma_start3A_259 = arith.constant 0 : i32
    %dma_start3A_260 = tpu.memref_slice %dma_start3A_257[%dma_start3A_258, %dma_start3A_259] : memref<2560x16xf32, #tpu.memory_space<vmem>> -> memref<128x16xf32, #tpu.memory_space<vmem>>
    %dma_start3A_261 = arith.constant 0 : i32
    %dma_start3A_262 = tpu.memref_slice %arg5[%rem3A_90, %dma_start3A_261] : memref<2x2560xi32, #tpu.memory_space<vmem>> -> memref<1x2560xi32, #tpu.memory_space<vmem>>
    %dma_start3A_263 = tpu.memref_squeeze %dma_start3A_262 : memref<1x2560xi32, #tpu.memory_space<vmem>> -> memref<2560xi32, #tpu.memory_space<vmem>>
    %dma_start3A_264 = arith.constant 896 : i32
    %dma_start3A_265 = tpu.memref_slice %dma_start3A_263[%dma_start3A_264] : memref<2560xi32, #tpu.memory_space<vmem>> -> memref<128xi32, #tpu.memory_space<vmem>>
    %dma_start3A_266 = arith.constant 0 : i32
    %dma_start3A_267 = arith.constant 0 : i32
    %dma_start3A_268 = tpu.memref_slice %arg3[%select_n3A_87, %dma_start3A_266, %dma_start3A_267] : memref<26x100000x16xf32, #tpu.memory_space<hbm>> -> memref<1x100000x16xf32, #tpu.memory_space<hbm>>
    %dma_start3A_269 = tpu.memref_squeeze %dma_start3A_268 : memref<1x100000x16xf32, #tpu.memory_space<hbm>> -> memref<100000x16xf32, #tpu.memory_space<hbm>>
    %dma_start3A_270 = arith.constant 0 : i32
    %dma_start3A_271 = arith.constant 0 : i32
    %dma_start3A_272 = tpu.memref_slice %dma_start3A_269[%dma_start3A_270, %dma_start3A_271] : memref<100000x16xf32, #tpu.memory_space<hbm>> -> memref<100000x16xf32, #tpu.memory_space<hbm>>
    %dma_start3A_273 = tpu.memref_slice %arg7[%dma_start3A_253] : memref<3x!tpu.dma_semaphore, #tpu.memory_space<semaphore_mem>> -> memref<1x!tpu.dma_semaphore, #tpu.memory_space<semaphore_mem>>
    %dma_start3A_274 = tpu.memref_squeeze %dma_start3A_273 : memref<1x!tpu.dma_semaphore, #tpu.memory_space<semaphore_mem>> -> memref<!tpu.dma_semaphore, #tpu.memory_space<semaphore_mem>>
    tpu.enqueue_indirect_dma source(%dma_start3A_272 : memref<100000x16xf32, #tpu.memory_space<hbm>>) target(%dma_start3A_260 : memref<128x16xf32, #tpu.memory_space<vmem>>) offsets(%dma_start3A_265 : memref<128xi32, #tpu.memory_space<vmem>>) semaphore(%dma_start3A_274 : memref<!tpu.dma_semaphore, #tpu.memory_space<semaphore_mem>>)
    %dma_start3A_275 = arith.constant 0 : i32
    %dma_start3A_276 = arith.constant 0 : i32
    %dma_start3A_277 = arith.constant 0 : i32
    %dma_start3A_278 = arith.constant 0 : i32
    %dma_start3A_279 = tpu.memref_slice %arg6[%dma_start3A_275, %dma_start3A_277, %dma_start3A_278] : memref<3x2560x16xf32, #tpu.memory_space<vmem>> -> memref<1x2560x16xf32, #tpu.memory_space<vmem>>
    %dma_start3A_280 = tpu.memref_squeeze %dma_start3A_279 : memref<1x2560x16xf32, #tpu.memory_space<vmem>> -> memref<2560x16xf32, #tpu.memory_space<vmem>>
    %dma_start3A_281 = arith.constant 1024 : i32
    %dma_start3A_282 = arith.constant 0 : i32
    %dma_start3A_283 = tpu.memref_slice %dma_start3A_280[%dma_start3A_281, %dma_start3A_282] : memref<2560x16xf32, #tpu.memory_space<vmem>> -> memref<128x16xf32, #tpu.memory_space<vmem>>
    %dma_start3A_284 = arith.constant 0 : i32
    %dma_start3A_285 = tpu.memref_slice %arg5[%rem3A_90, %dma_start3A_284] : memref<2x2560xi32, #tpu.memory_space<vmem>> -> memref<1x2560xi32, #tpu.memory_space<vmem>>
    %dma_start3A_286 = tpu.memref_squeeze %dma_start3A_285 : memref<1x2560xi32, #tpu.memory_space<vmem>> -> memref<2560xi32, #tpu.memory_space<vmem>>
    %dma_start3A_287 = arith.constant 1024 : i32
    %dma_start3A_288 = tpu.memref_slice %dma_start3A_286[%dma_start3A_287] : memref<2560xi32, #tpu.memory_space<vmem>> -> memref<128xi32, #tpu.memory_space<vmem>>
    %dma_start3A_289 = arith.constant 0 : i32
    %dma_start3A_290 = arith.constant 0 : i32
    %dma_start3A_291 = tpu.memref_slice %arg3[%select_n3A_87, %dma_start3A_289, %dma_start3A_290] : memref<26x100000x16xf32, #tpu.memory_space<hbm>> -> memref<1x100000x16xf32, #tpu.memory_space<hbm>>
    %dma_start3A_292 = tpu.memref_squeeze %dma_start3A_291 : memref<1x100000x16xf32, #tpu.memory_space<hbm>> -> memref<100000x16xf32, #tpu.memory_space<hbm>>
    %dma_start3A_293 = arith.constant 0 : i32
    %dma_start3A_294 = arith.constant 0 : i32
    %dma_start3A_295 = tpu.memref_slice %dma_start3A_292[%dma_start3A_293, %dma_start3A_294] : memref<100000x16xf32, #tpu.memory_space<hbm>> -> memref<100000x16xf32, #tpu.memory_space<hbm>>
    %dma_start3A_296 = tpu.memref_slice %arg7[%dma_start3A_276] : memref<3x!tpu.dma_semaphore, #tpu.memory_space<semaphore_mem>> -> memref<1x!tpu.dma_semaphore, #tpu.memory_space<semaphore_mem>>
    %dma_start3A_297 = tpu.memref_squeeze %dma_start3A_296 : memref<1x!tpu.dma_semaphore, #tpu.memory_space<semaphore_mem>> -> memref<!tpu.dma_semaphore, #tpu.memory_space<semaphore_mem>>
    tpu.enqueue_indirect_dma source(%dma_start3A_295 : memref<100000x16xf32, #tpu.memory_space<hbm>>) target(%dma_start3A_283 : memref<128x16xf32, #tpu.memory_space<vmem>>) offsets(%dma_start3A_288 : memref<128xi32, #tpu.memory_space<vmem>>) semaphore(%dma_start3A_297 : memref<!tpu.dma_semaphore, #tpu.memory_space<semaphore_mem>>)
    %dma_start3A_298 = arith.constant 0 : i32
    %dma_start3A_299 = arith.constant 0 : i32
    %dma_start3A_300 = arith.constant 0 : i32
    %dma_start3A_301 = arith.constant 0 : i32
    %dma_start3A_302 = tpu.memref_slice %arg6[%dma_start3A_298, %dma_start3A_300, %dma_start3A_301] : memref<3x2560x16xf32, #tpu.memory_space<vmem>> -> memref<1x2560x16xf32, #tpu.memory_space<vmem>>
    %dma_start3A_303 = tpu.memref_squeeze %dma_start3A_302 : memref<1x2560x16xf32, #tpu.memory_space<vmem>> -> memref<2560x16xf32, #tpu.memory_space<vmem>>
    %dma_start3A_304 = arith.constant 1152 : i32
    %dma_start3A_305 = arith.constant 0 : i32
    %dma_start3A_306 = tpu.memref_slice %dma_start3A_303[%dma_start3A_304, %dma_start3A_305] : memref<2560x16xf32, #tpu.memory_space<vmem>> -> memref<128x16xf32, #tpu.memory_space<vmem>>
    %dma_start3A_307 = arith.constant 0 : i32
    %dma_start3A_308 = tpu.memref_slice %arg5[%rem3A_90, %dma_start3A_307] : memref<2x2560xi32, #tpu.memory_space<vmem>> -> memref<1x2560xi32, #tpu.memory_space<vmem>>
    %dma_start3A_309 = tpu.memref_squeeze %dma_start3A_308 : memref<1x2560xi32, #tpu.memory_space<vmem>> -> memref<2560xi32, #tpu.memory_space<vmem>>
    %dma_start3A_310 = arith.constant 1152 : i32
    %dma_start3A_311 = tpu.memref_slice %dma_start3A_309[%dma_start3A_310] : memref<2560xi32, #tpu.memory_space<vmem>> -> memref<128xi32, #tpu.memory_space<vmem>>
    %dma_start3A_312 = arith.constant 0 : i32
    %dma_start3A_313 = arith.constant 0 : i32
    %dma_start3A_314 = tpu.memref_slice %arg3[%select_n3A_87, %dma_start3A_312, %dma_start3A_313] : memref<26x100000x16xf32, #tpu.memory_space<hbm>> -> memref<1x100000x16xf32, #tpu.memory_space<hbm>>
    %dma_start3A_315 = tpu.memref_squeeze %dma_start3A_314 : memref<1x100000x16xf32, #tpu.memory_space<hbm>> -> memref<100000x16xf32, #tpu.memory_space<hbm>>
    %dma_start3A_316 = arith.constant 0 : i32
    %dma_start3A_317 = arith.constant 0 : i32
    %dma_start3A_318 = tpu.memref_slice %dma_start3A_315[%dma_start3A_316, %dma_start3A_317] : memref<100000x16xf32, #tpu.memory_space<hbm>> -> memref<100000x16xf32, #tpu.memory_space<hbm>>
    %dma_start3A_319 = tpu.memref_slice %arg7[%dma_start3A_299] : memref<3x!tpu.dma_semaphore, #tpu.memory_space<semaphore_mem>> -> memref<1x!tpu.dma_semaphore, #tpu.memory_space<semaphore_mem>>
    %dma_start3A_320 = tpu.memref_squeeze %dma_start3A_319 : memref<1x!tpu.dma_semaphore, #tpu.memory_space<semaphore_mem>> -> memref<!tpu.dma_semaphore, #tpu.memory_space<semaphore_mem>>
    tpu.enqueue_indirect_dma source(%dma_start3A_318 : memref<100000x16xf32, #tpu.memory_space<hbm>>) target(%dma_start3A_306 : memref<128x16xf32, #tpu.memory_space<vmem>>) offsets(%dma_start3A_311 : memref<128xi32, #tpu.memory_space<vmem>>) semaphore(%dma_start3A_320 : memref<!tpu.dma_semaphore, #tpu.memory_space<semaphore_mem>>)
    %dma_start3A_321 = arith.constant 0 : i32
    %dma_start3A_322 = arith.constant 0 : i32
    %dma_start3A_323 = arith.constant 0 : i32
    %dma_start3A_324 = arith.constant 0 : i32
    %dma_start3A_325 = tpu.memref_slice %arg6[%dma_start3A_321, %dma_start3A_323, %dma_start3A_324] : memref<3x2560x16xf32, #tpu.memory_space<vmem>> -> memref<1x2560x16xf32, #tpu.memory_space<vmem>>
    %dma_start3A_326 = tpu.memref_squeeze %dma_start3A_325 : memref<1x2560x16xf32, #tpu.memory_space<vmem>> -> memref<2560x16xf32, #tpu.memory_space<vmem>>
    %dma_start3A_327 = arith.constant 1280 : i32
    %dma_start3A_328 = arith.constant 0 : i32
    %dma_start3A_329 = tpu.memref_slice %dma_start3A_326[%dma_start3A_327, %dma_start3A_328] : memref<2560x16xf32, #tpu.memory_space<vmem>> -> memref<128x16xf32, #tpu.memory_space<vmem>>
    %dma_start3A_330 = arith.constant 0 : i32
    %dma_start3A_331 = tpu.memref_slice %arg5[%rem3A_90, %dma_start3A_330] : memref<2x2560xi32, #tpu.memory_space<vmem>> -> memref<1x2560xi32, #tpu.memory_space<vmem>>
    %dma_start3A_332 = tpu.memref_squeeze %dma_start3A_331 : memref<1x2560xi32, #tpu.memory_space<vmem>> -> memref<2560xi32, #tpu.memory_space<vmem>>
    %dma_start3A_333 = arith.constant 1280 : i32
    %dma_start3A_334 = tpu.memref_slice %dma_start3A_332[%dma_start3A_333] : memref<2560xi32, #tpu.memory_space<vmem>> -> memref<128xi32, #tpu.memory_space<vmem>>
    %dma_start3A_335 = arith.constant 0 : i32
    %dma_start3A_336 = arith.constant 0 : i32
    %dma_start3A_337 = tpu.memref_slice %arg3[%select_n3A_87, %dma_start3A_335, %dma_start3A_336] : memref<26x100000x16xf32, #tpu.memory_space<hbm>> -> memref<1x100000x16xf32, #tpu.memory_space<hbm>>
    %dma_start3A_338 = tpu.memref_squeeze %dma_start3A_337 : memref<1x100000x16xf32, #tpu.memory_space<hbm>> -> memref<100000x16xf32, #tpu.memory_space<hbm>>
    %dma_start3A_339 = arith.constant 0 : i32
    %dma_start3A_340 = arith.constant 0 : i32
    %dma_start3A_341 = tpu.memref_slice %dma_start3A_338[%dma_start3A_339, %dma_start3A_340] : memref<100000x16xf32, #tpu.memory_space<hbm>> -> memref<100000x16xf32, #tpu.memory_space<hbm>>
    %dma_start3A_342 = tpu.memref_slice %arg7[%dma_start3A_322] : memref<3x!tpu.dma_semaphore, #tpu.memory_space<semaphore_mem>> -> memref<1x!tpu.dma_semaphore, #tpu.memory_space<semaphore_mem>>
    %dma_start3A_343 = tpu.memref_squeeze %dma_start3A_342 : memref<1x!tpu.dma_semaphore, #tpu.memory_space<semaphore_mem>> -> memref<!tpu.dma_semaphore, #tpu.memory_space<semaphore_mem>>
    tpu.enqueue_indirect_dma source(%dma_start3A_341 : memref<100000x16xf32, #tpu.memory_space<hbm>>) target(%dma_start3A_329 : memref<128x16xf32, #tpu.memory_space<vmem>>) offsets(%dma_start3A_334 : memref<128xi32, #tpu.memory_space<vmem>>) semaphore(%dma_start3A_343 : memref<!tpu.dma_semaphore, #tpu.memory_space<semaphore_mem>>)
    %dma_start3A_344 = arith.constant 0 : i32
    %dma_start3A_345 = arith.constant 0 : i32
    %dma_start3A_346 = arith.constant 0 : i32
    %dma_start3A_347 = arith.constant 0 : i32
    %dma_start3A_348 = tpu.memref_slice %arg6[%dma_start3A_344, %dma_start3A_346, %dma_start3A_347] : memref<3x2560x16xf32, #tpu.memory_space<vmem>> -> memref<1x2560x16xf32, #tpu.memory_space<vmem>>
    %dma_start3A_349 = tpu.memref_squeeze %dma_start3A_348 : memref<1x2560x16xf32, #tpu.memory_space<vmem>> -> memref<2560x16xf32, #tpu.memory_space<vmem>>
    %dma_start3A_350 = arith.constant 1408 : i32
    %dma_start3A_351 = arith.constant 0 : i32
    %dma_start3A_352 = tpu.memref_slice %dma_start3A_349[%dma_start3A_350, %dma_start3A_351] : memref<2560x16xf32, #tpu.memory_space<vmem>> -> memref<128x16xf32, #tpu.memory_space<vmem>>
    %dma_start3A_353 = arith.constant 0 : i32
    %dma_start3A_354 = tpu.memref_slice %arg5[%rem3A_90, %dma_start3A_353] : memref<2x2560xi32, #tpu.memory_space<vmem>> -> memref<1x2560xi32, #tpu.memory_space<vmem>>
    %dma_start3A_355 = tpu.memref_squeeze %dma_start3A_354 : memref<1x2560xi32, #tpu.memory_space<vmem>> -> memref<2560xi32, #tpu.memory_space<vmem>>
    %dma_start3A_356 = arith.constant 1408 : i32
    %dma_start3A_357 = tpu.memref_slice %dma_start3A_355[%dma_start3A_356] : memref<2560xi32, #tpu.memory_space<vmem>> -> memref<128xi32, #tpu.memory_space<vmem>>
    %dma_start3A_358 = arith.constant 0 : i32
    %dma_start3A_359 = arith.constant 0 : i32
    %dma_start3A_360 = tpu.memref_slice %arg3[%select_n3A_87, %dma_start3A_358, %dma_start3A_359] : memref<26x100000x16xf32, #tpu.memory_space<hbm>> -> memref<1x100000x16xf32, #tpu.memory_space<hbm>>
    %dma_start3A_361 = tpu.memref_squeeze %dma_start3A_360 : memref<1x100000x16xf32, #tpu.memory_space<hbm>> -> memref<100000x16xf32, #tpu.memory_space<hbm>>
    %dma_start3A_362 = arith.constant 0 : i32
    %dma_start3A_363 = arith.constant 0 : i32
    %dma_start3A_364 = tpu.memref_slice %dma_start3A_361[%dma_start3A_362, %dma_start3A_363] : memref<100000x16xf32, #tpu.memory_space<hbm>> -> memref<100000x16xf32, #tpu.memory_space<hbm>>
    %dma_start3A_365 = tpu.memref_slice %arg7[%dma_start3A_345] : memref<3x!tpu.dma_semaphore, #tpu.memory_space<semaphore_mem>> -> memref<1x!tpu.dma_semaphore, #tpu.memory_space<semaphore_mem>>
    %dma_start3A_366 = tpu.memref_squeeze %dma_start3A_365 : memref<1x!tpu.dma_semaphore, #tpu.memory_space<semaphore_mem>> -> memref<!tpu.dma_semaphore, #tpu.memory_space<semaphore_mem>>
    tpu.enqueue_indirect_dma source(%dma_start3A_364 : memref<100000x16xf32, #tpu.memory_space<hbm>>) target(%dma_start3A_352 : memref<128x16xf32, #tpu.memory_space<vmem>>) offsets(%dma_start3A_357 : memref<128xi32, #tpu.memory_space<vmem>>) semaphore(%dma_start3A_366 : memref<!tpu.dma_semaphore, #tpu.memory_space<semaphore_mem>>)
    %dma_start3A_367 = arith.constant 0 : i32
    %dma_start3A_368 = arith.constant 0 : i32
    %dma_start3A_369 = arith.constant 0 : i32
    %dma_start3A_370 = arith.constant 0 : i32
    %dma_start3A_371 = tpu.memref_slice %arg6[%dma_start3A_367, %dma_start3A_369, %dma_start3A_370] : memref<3x2560x16xf32, #tpu.memory_space<vmem>> -> memref<1x2560x16xf32, #tpu.memory_space<vmem>>
    %dma_start3A_372 = tpu.memref_squeeze %dma_start3A_371 : memref<1x2560x16xf32, #tpu.memory_space<vmem>> -> memref<2560x16xf32, #tpu.memory_space<vmem>>
    %dma_start3A_373 = arith.constant 1536 : i32
    %dma_start3A_374 = arith.constant 0 : i32
    %dma_start3A_375 = tpu.memref_slice %dma_start3A_372[%dma_start3A_373, %dma_start3A_374] : memref<2560x16xf32, #tpu.memory_space<vmem>> -> memref<128x16xf32, #tpu.memory_space<vmem>>
    %dma_start3A_376 = arith.constant 0 : i32
    %dma_start3A_377 = tpu.memref_slice %arg5[%rem3A_90, %dma_start3A_376] : memref<2x2560xi32, #tpu.memory_space<vmem>> -> memref<1x2560xi32, #tpu.memory_space<vmem>>
    %dma_start3A_378 = tpu.memref_squeeze %dma_start3A_377 : memref<1x2560xi32, #tpu.memory_space<vmem>> -> memref<2560xi32, #tpu.memory_space<vmem>>
    %dma_start3A_379 = arith.constant 1536 : i32
    %dma_start3A_380 = tpu.memref_slice %dma_start3A_378[%dma_start3A_379] : memref<2560xi32, #tpu.memory_space<vmem>> -> memref<128xi32, #tpu.memory_space<vmem>>
    %dma_start3A_381 = arith.constant 0 : i32
    %dma_start3A_382 = arith.constant 0 : i32
    %dma_start3A_383 = tpu.memref_slice %arg3[%select_n3A_87, %dma_start3A_381, %dma_start3A_382] : memref<26x100000x16xf32, #tpu.memory_space<hbm>> -> memref<1x100000x16xf32, #tpu.memory_space<hbm>>
    %dma_start3A_384 = tpu.memref_squeeze %dma_start3A_383 : memref<1x100000x16xf32, #tpu.memory_space<hbm>> -> memref<100000x16xf32, #tpu.memory_space<hbm>>
    %dma_start3A_385 = arith.constant 0 : i32
    %dma_start3A_386 = arith.constant 0 : i32
    %dma_start3A_387 = tpu.memref_slice %dma_start3A_384[%dma_start3A_385, %dma_start3A_386] : memref<100000x16xf32, #tpu.memory_space<hbm>> -> memref<100000x16xf32, #tpu.memory_space<hbm>>
    %dma_start3A_388 = tpu.memref_slice %arg7[%dma_start3A_368] : memref<3x!tpu.dma_semaphore, #tpu.memory_space<semaphore_mem>> -> memref<1x!tpu.dma_semaphore, #tpu.memory_space<semaphore_mem>>
    %dma_start3A_389 = tpu.memref_squeeze %dma_start3A_388 : memref<1x!tpu.dma_semaphore, #tpu.memory_space<semaphore_mem>> -> memref<!tpu.dma_semaphore, #tpu.memory_space<semaphore_mem>>
    tpu.enqueue_indirect_dma source(%dma_start3A_387 : memref<100000x16xf32, #tpu.memory_space<hbm>>) target(%dma_start3A_375 : memref<128x16xf32, #tpu.memory_space<vmem>>) offsets(%dma_start3A_380 : memref<128xi32, #tpu.memory_space<vmem>>) semaphore(%dma_start3A_389 : memref<!tpu.dma_semaphore, #tpu.memory_space<semaphore_mem>>)
    %dma_start3A_390 = arith.constant 0 : i32
    %dma_start3A_391 = arith.constant 0 : i32
    %dma_start3A_392 = arith.constant 0 : i32
    %dma_start3A_393 = arith.constant 0 : i32
    %dma_start3A_394 = tpu.memref_slice %arg6[%dma_start3A_390, %dma_start3A_392, %dma_start3A_393] : memref<3x2560x16xf32, #tpu.memory_space<vmem>> -> memref<1x2560x16xf32, #tpu.memory_space<vmem>>
    %dma_start3A_395 = tpu.memref_squeeze %dma_start3A_394 : memref<1x2560x16xf32, #tpu.memory_space<vmem>> -> memref<2560x16xf32, #tpu.memory_space<vmem>>
    %dma_start3A_396 = arith.constant 1664 : i32
    %dma_start3A_397 = arith.constant 0 : i32
    %dma_start3A_398 = tpu.memref_slice %dma_start3A_395[%dma_start3A_396, %dma_start3A_397] : memref<2560x16xf32, #tpu.memory_space<vmem>> -> memref<128x16xf32, #tpu.memory_space<vmem>>
    %dma_start3A_399 = arith.constant 0 : i32
    %dma_start3A_400 = tpu.memref_slice %arg5[%rem3A_90, %dma_start3A_399] : memref<2x2560xi32, #tpu.memory_space<vmem>> -> memref<1x2560xi32, #tpu.memory_space<vmem>>
    %dma_start3A_401 = tpu.memref_squeeze %dma_start3A_400 : memref<1x2560xi32, #tpu.memory_space<vmem>> -> memref<2560xi32, #tpu.memory_space<vmem>>
    %dma_start3A_402 = arith.constant 1664 : i32
    %dma_start3A_403 = tpu.memref_slice %dma_start3A_401[%dma_start3A_402] : memref<2560xi32, #tpu.memory_space<vmem>> -> memref<128xi32, #tpu.memory_space<vmem>>
    %dma_start3A_404 = arith.constant 0 : i32
    %dma_start3A_405 = arith.constant 0 : i32
    %dma_start3A_406 = tpu.memref_slice %arg3[%select_n3A_87, %dma_start3A_404, %dma_start3A_405] : memref<26x100000x16xf32, #tpu.memory_space<hbm>> -> memref<1x100000x16xf32, #tpu.memory_space<hbm>>
    %dma_start3A_407 = tpu.memref_squeeze %dma_start3A_406 : memref<1x100000x16xf32, #tpu.memory_space<hbm>> -> memref<100000x16xf32, #tpu.memory_space<hbm>>
    %dma_start3A_408 = arith.constant 0 : i32
    %dma_start3A_409 = arith.constant 0 : i32
    %dma_start3A_410 = tpu.memref_slice %dma_start3A_407[%dma_start3A_408, %dma_start3A_409] : memref<100000x16xf32, #tpu.memory_space<hbm>> -> memref<100000x16xf32, #tpu.memory_space<hbm>>
    %dma_start3A_411 = tpu.memref_slice %arg7[%dma_start3A_391] : memref<3x!tpu.dma_semaphore, #tpu.memory_space<semaphore_mem>> -> memref<1x!tpu.dma_semaphore, #tpu.memory_space<semaphore_mem>>
    %dma_start3A_412 = tpu.memref_squeeze %dma_start3A_411 : memref<1x!tpu.dma_semaphore, #tpu.memory_space<semaphore_mem>> -> memref<!tpu.dma_semaphore, #tpu.memory_space<semaphore_mem>>
    tpu.enqueue_indirect_dma source(%dma_start3A_410 : memref<100000x16xf32, #tpu.memory_space<hbm>>) target(%dma_start3A_398 : memref<128x16xf32, #tpu.memory_space<vmem>>) offsets(%dma_start3A_403 : memref<128xi32, #tpu.memory_space<vmem>>) semaphore(%dma_start3A_412 : memref<!tpu.dma_semaphore, #tpu.memory_space<semaphore_mem>>)
    %dma_start3A_413 = arith.constant 0 : i32
    %dma_start3A_414 = arith.constant 0 : i32
    %dma_start3A_415 = arith.constant 0 : i32
    %dma_start3A_416 = arith.constant 0 : i32
    %dma_start3A_417 = tpu.memref_slice %arg6[%dma_start3A_413, %dma_start3A_415, %dma_start3A_416] : memref<3x2560x16xf32, #tpu.memory_space<vmem>> -> memref<1x2560x16xf32, #tpu.memory_space<vmem>>
    %dma_start3A_418 = tpu.memref_squeeze %dma_start3A_417 : memref<1x2560x16xf32, #tpu.memory_space<vmem>> -> memref<2560x16xf32, #tpu.memory_space<vmem>>
    %dma_start3A_419 = arith.constant 1792 : i32
    %dma_start3A_420 = arith.constant 0 : i32
    %dma_start3A_421 = tpu.memref_slice %dma_start3A_418[%dma_start3A_419, %dma_start3A_420] : memref<2560x16xf32, #tpu.memory_space<vmem>> -> memref<128x16xf32, #tpu.memory_space<vmem>>
    %dma_start3A_422 = arith.constant 0 : i32
    %dma_start3A_423 = tpu.memref_slice %arg5[%rem3A_90, %dma_start3A_422] : memref<2x2560xi32, #tpu.memory_space<vmem>> -> memref<1x2560xi32, #tpu.memory_space<vmem>>
    %dma_start3A_424 = tpu.memref_squeeze %dma_start3A_423 : memref<1x2560xi32, #tpu.memory_space<vmem>> -> memref<2560xi32, #tpu.memory_space<vmem>>
    %dma_start3A_425 = arith.constant 1792 : i32
    %dma_start3A_426 = tpu.memref_slice %dma_start3A_424[%dma_start3A_425] : memref<2560xi32, #tpu.memory_space<vmem>> -> memref<128xi32, #tpu.memory_space<vmem>>
    %dma_start3A_427 = arith.constant 0 : i32
    %dma_start3A_428 = arith.constant 0 : i32
    %dma_start3A_429 = tpu.memref_slice %arg3[%select_n3A_87, %dma_start3A_427, %dma_start3A_428] : memref<26x100000x16xf32, #tpu.memory_space<hbm>> -> memref<1x100000x16xf32, #tpu.memory_space<hbm>>
    %dma_start3A_430 = tpu.memref_squeeze %dma_start3A_429 : memref<1x100000x16xf32, #tpu.memory_space<hbm>> -> memref<100000x16xf32, #tpu.memory_space<hbm>>
    %dma_start3A_431 = arith.constant 0 : i32
    %dma_start3A_432 = arith.constant 0 : i32
    %dma_start3A_433 = tpu.memref_slice %dma_start3A_430[%dma_start3A_431, %dma_start3A_432] : memref<100000x16xf32, #tpu.memory_space<hbm>> -> memref<100000x16xf32, #tpu.memory_space<hbm>>
    %dma_start3A_434 = tpu.memref_slice %arg7[%dma_start3A_414] : memref<3x!tpu.dma_semaphore, #tpu.memory_space<semaphore_mem>> -> memref<1x!tpu.dma_semaphore, #tpu.memory_space<semaphore_mem>>
    %dma_start3A_435 = tpu.memref_squeeze %dma_start3A_434 : memref<1x!tpu.dma_semaphore, #tpu.memory_space<semaphore_mem>> -> memref<!tpu.dma_semaphore, #tpu.memory_space<semaphore_mem>>
    tpu.enqueue_indirect_dma source(%dma_start3A_433 : memref<100000x16xf32, #tpu.memory_space<hbm>>) target(%dma_start3A_421 : memref<128x16xf32, #tpu.memory_space<vmem>>) offsets(%dma_start3A_426 : memref<128xi32, #tpu.memory_space<vmem>>) semaphore(%dma_start3A_435 : memref<!tpu.dma_semaphore, #tpu.memory_space<semaphore_mem>>)
    %dma_start3A_436 = arith.constant 0 : i32
    %dma_start3A_437 = arith.constant 0 : i32
    %dma_start3A_438 = arith.constant 0 : i32
    %dma_start3A_439 = arith.constant 0 : i32
    %dma_start3A_440 = tpu.memref_slice %arg6[%dma_start3A_436, %dma_start3A_438, %dma_start3A_439] : memref<3x2560x16xf32, #tpu.memory_space<vmem>> -> memref<1x2560x16xf32, #tpu.memory_space<vmem>>
    %dma_start3A_441 = tpu.memref_squeeze %dma_start3A_440 : memref<1x2560x16xf32, #tpu.memory_space<vmem>> -> memref<2560x16xf32, #tpu.memory_space<vmem>>
    %dma_start3A_442 = arith.constant 1920 : i32
    %dma_start3A_443 = arith.constant 0 : i32
    %dma_start3A_444 = tpu.memref_slice %dma_start3A_441[%dma_start3A_442, %dma_start3A_443] : memref<2560x16xf32, #tpu.memory_space<vmem>> -> memref<128x16xf32, #tpu.memory_space<vmem>>
    %dma_start3A_445 = arith.constant 0 : i32
    %dma_start3A_446 = tpu.memref_slice %arg5[%rem3A_90, %dma_start3A_445] : memref<2x2560xi32, #tpu.memory_space<vmem>> -> memref<1x2560xi32, #tpu.memory_space<vmem>>
    %dma_start3A_447 = tpu.memref_squeeze %dma_start3A_446 : memref<1x2560xi32, #tpu.memory_space<vmem>> -> memref<2560xi32, #tpu.memory_space<vmem>>
    %dma_start3A_448 = arith.constant 1920 : i32
    %dma_start3A_449 = tpu.memref_slice %dma_start3A_447[%dma_start3A_448] : memref<2560xi32, #tpu.memory_space<vmem>> -> memref<128xi32, #tpu.memory_space<vmem>>
    %dma_start3A_450 = arith.constant 0 : i32
    %dma_start3A_451 = arith.constant 0 : i32
    %dma_start3A_452 = tpu.memref_slice %arg3[%select_n3A_87, %dma_start3A_450, %dma_start3A_451] : memref<26x100000x16xf32, #tpu.memory_space<hbm>> -> memref<1x100000x16xf32, #tpu.memory_space<hbm>>
    %dma_start3A_453 = tpu.memref_squeeze %dma_start3A_452 : memref<1x100000x16xf32, #tpu.memory_space<hbm>> -> memref<100000x16xf32, #tpu.memory_space<hbm>>
    %dma_start3A_454 = arith.constant 0 : i32
    %dma_start3A_455 = arith.constant 0 : i32
    %dma_start3A_456 = tpu.memref_slice %dma_start3A_453[%dma_start3A_454, %dma_start3A_455] : memref<100000x16xf32, #tpu.memory_space<hbm>> -> memref<100000x16xf32, #tpu.memory_space<hbm>>
    %dma_start3A_457 = tpu.memref_slice %arg7[%dma_start3A_437] : memref<3x!tpu.dma_semaphore, #tpu.memory_space<semaphore_mem>> -> memref<1x!tpu.dma_semaphore, #tpu.memory_space<semaphore_mem>>
    %dma_start3A_458 = tpu.memref_squeeze %dma_start3A_457 : memref<1x!tpu.dma_semaphore, #tpu.memory_space<semaphore_mem>> -> memref<!tpu.dma_semaphore, #tpu.memory_space<semaphore_mem>>
    tpu.enqueue_indirect_dma source(%dma_start3A_456 : memref<100000x16xf32, #tpu.memory_space<hbm>>) target(%dma_start3A_444 : memref<128x16xf32, #tpu.memory_space<vmem>>) offsets(%dma_start3A_449 : memref<128xi32, #tpu.memory_space<vmem>>) semaphore(%dma_start3A_458 : memref<!tpu.dma_semaphore, #tpu.memory_space<semaphore_mem>>)
    %dma_start3A_459 = arith.constant 0 : i32
    %dma_start3A_460 = arith.constant 0 : i32
    %dma_start3A_461 = arith.constant 0 : i32
    %dma_start3A_462 = arith.constant 0 : i32
    %dma_start3A_463 = tpu.memref_slice %arg6[%dma_start3A_459, %dma_start3A_461, %dma_start3A_462] : memref<3x2560x16xf32, #tpu.memory_space<vmem>> -> memref<1x2560x16xf32, #tpu.memory_space<vmem>>
    %dma_start3A_464 = tpu.memref_squeeze %dma_start3A_463 : memref<1x2560x16xf32, #tpu.memory_space<vmem>> -> memref<2560x16xf32, #tpu.memory_space<vmem>>
    %dma_start3A_465 = arith.constant 2048 : i32
    %dma_start3A_466 = arith.constant 0 : i32
    %dma_start3A_467 = tpu.memref_slice %dma_start3A_464[%dma_start3A_465, %dma_start3A_466] : memref<2560x16xf32, #tpu.memory_space<vmem>> -> memref<128x16xf32, #tpu.memory_space<vmem>>
    %dma_start3A_468 = arith.constant 0 : i32
    %dma_start3A_469 = tpu.memref_slice %arg5[%rem3A_90, %dma_start3A_468] : memref<2x2560xi32, #tpu.memory_space<vmem>> -> memref<1x2560xi32, #tpu.memory_space<vmem>>
    %dma_start3A_470 = tpu.memref_squeeze %dma_start3A_469 : memref<1x2560xi32, #tpu.memory_space<vmem>> -> memref<2560xi32, #tpu.memory_space<vmem>>
    %dma_start3A_471 = arith.constant 2048 : i32
    %dma_start3A_472 = tpu.memref_slice %dma_start3A_470[%dma_start3A_471] : memref<2560xi32, #tpu.memory_space<vmem>> -> memref<128xi32, #tpu.memory_space<vmem>>
    %dma_start3A_473 = arith.constant 0 : i32
    %dma_start3A_474 = arith.constant 0 : i32
    %dma_start3A_475 = tpu.memref_slice %arg3[%select_n3A_87, %dma_start3A_473, %dma_start3A_474] : memref<26x100000x16xf32, #tpu.memory_space<hbm>> -> memref<1x100000x16xf32, #tpu.memory_space<hbm>>
    %dma_start3A_476 = tpu.memref_squeeze %dma_start3A_475 : memref<1x100000x16xf32, #tpu.memory_space<hbm>> -> memref<100000x16xf32, #tpu.memory_space<hbm>>
    %dma_start3A_477 = arith.constant 0 : i32
    %dma_start3A_478 = arith.constant 0 : i32
    %dma_start3A_479 = tpu.memref_slice %dma_start3A_476[%dma_start3A_477, %dma_start3A_478] : memref<100000x16xf32, #tpu.memory_space<hbm>> -> memref<100000x16xf32, #tpu.memory_space<hbm>>
    %dma_start3A_480 = tpu.memref_slice %arg7[%dma_start3A_460] : memref<3x!tpu.dma_semaphore, #tpu.memory_space<semaphore_mem>> -> memref<1x!tpu.dma_semaphore, #tpu.memory_space<semaphore_mem>>
    %dma_start3A_481 = tpu.memref_squeeze %dma_start3A_480 : memref<1x!tpu.dma_semaphore, #tpu.memory_space<semaphore_mem>> -> memref<!tpu.dma_semaphore, #tpu.memory_space<semaphore_mem>>
    tpu.enqueue_indirect_dma source(%dma_start3A_479 : memref<100000x16xf32, #tpu.memory_space<hbm>>) target(%dma_start3A_467 : memref<128x16xf32, #tpu.memory_space<vmem>>) offsets(%dma_start3A_472 : memref<128xi32, #tpu.memory_space<vmem>>) semaphore(%dma_start3A_481 : memref<!tpu.dma_semaphore, #tpu.memory_space<semaphore_mem>>)
    %dma_start3A_482 = arith.constant 0 : i32
    %dma_start3A_483 = arith.constant 0 : i32
    %dma_start3A_484 = arith.constant 0 : i32
    %dma_start3A_485 = arith.constant 0 : i32
    %dma_start3A_486 = tpu.memref_slice %arg6[%dma_start3A_482, %dma_start3A_484, %dma_start3A_485] : memref<3x2560x16xf32, #tpu.memory_space<vmem>> -> memref<1x2560x16xf32, #tpu.memory_space<vmem>>
    %dma_start3A_487 = tpu.memref_squeeze %dma_start3A_486 : memref<1x2560x16xf32, #tpu.memory_space<vmem>> -> memref<2560x16xf32, #tpu.memory_space<vmem>>
    %dma_start3A_488 = arith.constant 2176 : i32
    %dma_start3A_489 = arith.constant 0 : i32
    %dma_start3A_490 = tpu.memref_slice %dma_start3A_487[%dma_start3A_488, %dma_start3A_489] : memref<2560x16xf32, #tpu.memory_space<vmem>> -> memref<128x16xf32, #tpu.memory_space<vmem>>
    %dma_start3A_491 = arith.constant 0 : i32
    %dma_start3A_492 = tpu.memref_slice %arg5[%rem3A_90, %dma_start3A_491] : memref<2x2560xi32, #tpu.memory_space<vmem>> -> memref<1x2560xi32, #tpu.memory_space<vmem>>
    %dma_start3A_493 = tpu.memref_squeeze %dma_start3A_492 : memref<1x2560xi32, #tpu.memory_space<vmem>> -> memref<2560xi32, #tpu.memory_space<vmem>>
    %dma_start3A_494 = arith.constant 2176 : i32
    %dma_start3A_495 = tpu.memref_slice %dma_start3A_493[%dma_start3A_494] : memref<2560xi32, #tpu.memory_space<vmem>> -> memref<128xi32, #tpu.memory_space<vmem>>
    %dma_start3A_496 = arith.constant 0 : i32
    %dma_start3A_497 = arith.constant 0 : i32
    %dma_start3A_498 = tpu.memref_slice %arg3[%select_n3A_87, %dma_start3A_496, %dma_start3A_497] : memref<26x100000x16xf32, #tpu.memory_space<hbm>> -> memref<1x100000x16xf32, #tpu.memory_space<hbm>>
    %dma_start3A_499 = tpu.memref_squeeze %dma_start3A_498 : memref<1x100000x16xf32, #tpu.memory_space<hbm>> -> memref<100000x16xf32, #tpu.memory_space<hbm>>
    %dma_start3A_500 = arith.constant 0 : i32
    %dma_start3A_501 = arith.constant 0 : i32
    %dma_start3A_502 = tpu.memref_slice %dma_start3A_499[%dma_start3A_500, %dma_start3A_501] : memref<100000x16xf32, #tpu.memory_space<hbm>> -> memref<100000x16xf32, #tpu.memory_space<hbm>>
    %dma_start3A_503 = tpu.memref_slice %arg7[%dma_start3A_483] : memref<3x!tpu.dma_semaphore, #tpu.memory_space<semaphore_mem>> -> memref<1x!tpu.dma_semaphore, #tpu.memory_space<semaphore_mem>>
    %dma_start3A_504 = tpu.memref_squeeze %dma_start3A_503 : memref<1x!tpu.dma_semaphore, #tpu.memory_space<semaphore_mem>> -> memref<!tpu.dma_semaphore, #tpu.memory_space<semaphore_mem>>
    tpu.enqueue_indirect_dma source(%dma_start3A_502 : memref<100000x16xf32, #tpu.memory_space<hbm>>) target(%dma_start3A_490 : memref<128x16xf32, #tpu.memory_space<vmem>>) offsets(%dma_start3A_495 : memref<128xi32, #tpu.memory_space<vmem>>) semaphore(%dma_start3A_504 : memref<!tpu.dma_semaphore, #tpu.memory_space<semaphore_mem>>)
    %dma_start3A_505 = arith.constant 0 : i32
    %dma_start3A_506 = arith.constant 0 : i32
    %dma_start3A_507 = arith.constant 0 : i32
    %dma_start3A_508 = arith.constant 0 : i32
    %dma_start3A_509 = tpu.memref_slice %arg6[%dma_start3A_505, %dma_start3A_507, %dma_start3A_508] : memref<3x2560x16xf32, #tpu.memory_space<vmem>> -> memref<1x2560x16xf32, #tpu.memory_space<vmem>>
    %dma_start3A_510 = tpu.memref_squeeze %dma_start3A_509 : memref<1x2560x16xf32, #tpu.memory_space<vmem>> -> memref<2560x16xf32, #tpu.memory_space<vmem>>
    %dma_start3A_511 = arith.constant 2304 : i32
    %dma_start3A_512 = arith.constant 0 : i32
    %dma_start3A_513 = tpu.memref_slice %dma_start3A_510[%dma_start3A_511, %dma_start3A_512] : memref<2560x16xf32, #tpu.memory_space<vmem>> -> memref<128x16xf32, #tpu.memory_space<vmem>>
    %dma_start3A_514 = arith.constant 0 : i32
    %dma_start3A_515 = tpu.memref_slice %arg5[%rem3A_90, %dma_start3A_514] : memref<2x2560xi32, #tpu.memory_space<vmem>> -> memref<1x2560xi32, #tpu.memory_space<vmem>>
    %dma_start3A_516 = tpu.memref_squeeze %dma_start3A_515 : memref<1x2560xi32, #tpu.memory_space<vmem>> -> memref<2560xi32, #tpu.memory_space<vmem>>
    %dma_start3A_517 = arith.constant 2304 : i32
    %dma_start3A_518 = tpu.memref_slice %dma_start3A_516[%dma_start3A_517] : memref<2560xi32, #tpu.memory_space<vmem>> -> memref<128xi32, #tpu.memory_space<vmem>>
    %dma_start3A_519 = arith.constant 0 : i32
    %dma_start3A_520 = arith.constant 0 : i32
    %dma_start3A_521 = tpu.memref_slice %arg3[%select_n3A_87, %dma_start3A_519, %dma_start3A_520] : memref<26x100000x16xf32, #tpu.memory_space<hbm>> -> memref<1x100000x16xf32, #tpu.memory_space<hbm>>
    %dma_start3A_522 = tpu.memref_squeeze %dma_start3A_521 : memref<1x100000x16xf32, #tpu.memory_space<hbm>> -> memref<100000x16xf32, #tpu.memory_space<hbm>>
    %dma_start3A_523 = arith.constant 0 : i32
    %dma_start3A_524 = arith.constant 0 : i32
    %dma_start3A_525 = tpu.memref_slice %dma_start3A_522[%dma_start3A_523, %dma_start3A_524] : memref<100000x16xf32, #tpu.memory_space<hbm>> -> memref<100000x16xf32, #tpu.memory_space<hbm>>
    %dma_start3A_526 = tpu.memref_slice %arg7[%dma_start3A_506] : memref<3x!tpu.dma_semaphore, #tpu.memory_space<semaphore_mem>> -> memref<1x!tpu.dma_semaphore, #tpu.memory_space<semaphore_mem>>
    %dma_start3A_527 = tpu.memref_squeeze %dma_start3A_526 : memref<1x!tpu.dma_semaphore, #tpu.memory_space<semaphore_mem>> -> memref<!tpu.dma_semaphore, #tpu.memory_space<semaphore_mem>>
    tpu.enqueue_indirect_dma source(%dma_start3A_525 : memref<100000x16xf32, #tpu.memory_space<hbm>>) target(%dma_start3A_513 : memref<128x16xf32, #tpu.memory_space<vmem>>) offsets(%dma_start3A_518 : memref<128xi32, #tpu.memory_space<vmem>>) semaphore(%dma_start3A_527 : memref<!tpu.dma_semaphore, #tpu.memory_space<semaphore_mem>>)
    %dma_start3A_528 = arith.constant 0 : i32
    %dma_start3A_529 = arith.constant 0 : i32
    %dma_start3A_530 = arith.constant 0 : i32
    %dma_start3A_531 = arith.constant 0 : i32
    %dma_start3A_532 = tpu.memref_slice %arg6[%dma_start3A_528, %dma_start3A_530, %dma_start3A_531] : memref<3x2560x16xf32, #tpu.memory_space<vmem>> -> memref<1x2560x16xf32, #tpu.memory_space<vmem>>
    %dma_start3A_533 = tpu.memref_squeeze %dma_start3A_532 : memref<1x2560x16xf32, #tpu.memory_space<vmem>> -> memref<2560x16xf32, #tpu.memory_space<vmem>>
    %dma_start3A_534 = arith.constant 2432 : i32
    %dma_start3A_535 = arith.constant 0 : i32
    %dma_start3A_536 = tpu.memref_slice %dma_start3A_533[%dma_start3A_534, %dma_start3A_535] : memref<2560x16xf32, #tpu.memory_space<vmem>> -> memref<128x16xf32, #tpu.memory_space<vmem>>
    %dma_start3A_537 = arith.constant 0 : i32
    %dma_start3A_538 = tpu.memref_slice %arg5[%rem3A_90, %dma_start3A_537] : memref<2x2560xi32, #tpu.memory_space<vmem>> -> memref<1x2560xi32, #tpu.memory_space<vmem>>
    %dma_start3A_539 = tpu.memref_squeeze %dma_start3A_538 : memref<1x2560xi32, #tpu.memory_space<vmem>> -> memref<2560xi32, #tpu.memory_space<vmem>>
    %dma_start3A_540 = arith.constant 2432 : i32
    %dma_start3A_541 = tpu.memref_slice %dma_start3A_539[%dma_start3A_540] : memref<2560xi32, #tpu.memory_space<vmem>> -> memref<128xi32, #tpu.memory_space<vmem>>
    %dma_start3A_542 = arith.constant 0 : i32
    %dma_start3A_543 = arith.constant 0 : i32
    %dma_start3A_544 = tpu.memref_slice %arg3[%select_n3A_87, %dma_start3A_542, %dma_start3A_543] : memref<26x100000x16xf32, #tpu.memory_space<hbm>> -> memref<1x100000x16xf32, #tpu.memory_space<hbm>>
    %dma_start3A_545 = tpu.memref_squeeze %dma_start3A_544 : memref<1x100000x16xf32, #tpu.memory_space<hbm>> -> memref<100000x16xf32, #tpu.memory_space<hbm>>
    %dma_start3A_546 = arith.constant 0 : i32
    %dma_start3A_547 = arith.constant 0 : i32
    %dma_start3A_548 = tpu.memref_slice %dma_start3A_545[%dma_start3A_546, %dma_start3A_547] : memref<100000x16xf32, #tpu.memory_space<hbm>> -> memref<100000x16xf32, #tpu.memory_space<hbm>>
    %dma_start3A_549 = tpu.memref_slice %arg7[%dma_start3A_529] : memref<3x!tpu.dma_semaphore, #tpu.memory_space<semaphore_mem>> -> memref<1x!tpu.dma_semaphore, #tpu.memory_space<semaphore_mem>>
    %dma_start3A_550 = tpu.memref_squeeze %dma_start3A_549 : memref<1x!tpu.dma_semaphore, #tpu.memory_space<semaphore_mem>> -> memref<!tpu.dma_semaphore, #tpu.memory_space<semaphore_mem>>
    tpu.enqueue_indirect_dma source(%dma_start3A_548 : memref<100000x16xf32, #tpu.memory_space<hbm>>) target(%dma_start3A_536 : memref<128x16xf32, #tpu.memory_space<vmem>>) offsets(%dma_start3A_541 : memref<128xi32, #tpu.memory_space<vmem>>) semaphore(%dma_start3A_550 : memref<!tpu.dma_semaphore, #tpu.memory_space<semaphore_mem>>)
    %add3A_551 = arith.constant 20 : i32
    %add3A_552 = arith.addi %mul3A_2, %add3A_551 : i32
    %jit3A_553 = arith.constant 1600 : i32
    %div3A_554 = arith.divsi %add3A_552, %jit3A_553 : i32
    %sign3A_555 = arith.constant 0 : i32
    %sign3A_556 = arith.cmpi sgt, %add3A_552, %sign3A_555 : i32
    %sign3A_557 = arith.extui %sign3A_556 : i1 to i32
    %sign3A_558 = arith.constant 0 : i32
    %sign3A_559 = arith.cmpi slt, %add3A_552, %sign3A_558 : i32
    %sign3A_560 = arith.extui %sign3A_559 : i1 to i32
    %sign3A_561 = arith.subi %sign3A_557, %sign3A_560 : i32
    %sign3A_562 = arith.constant 0 : i32
    %sign3A_563 = arith.cmpi sgt, %jit3A_553, %sign3A_562 : i32
    %sign3A_564 = arith.extui %sign3A_563 : i1 to i32
    %sign3A_565 = arith.constant 0 : i32
    %sign3A_566 = arith.cmpi slt, %jit3A_553, %sign3A_565 : i32
    %sign3A_567 = arith.extui %sign3A_566 : i1 to i32
    %sign3A_568 = arith.subi %sign3A_564, %sign3A_567 : i32
    %ne3A_569 = arith.cmpi ne, %sign3A_561, %sign3A_568 : i32
    %rem3A_570 = arith.remsi %add3A_552, %jit3A_553 : i32
    %ne3A_571 = arith.constant 0 : i32
    %ne3A_572 = arith.cmpi ne, %rem3A_570, %ne3A_571 : i32
    %and3A_573 = arith.andi %ne3A_569, %ne3A_572 : i1
    %sub3A_574 = arith.constant 1 : i32
    %sub3A_575 = arith.subi %div3A_554, %sub3A_574 : i32
    %select_n3A_576 = arith.select %and3A_573, %sub3A_575, %div3A_554 : i32
    %jit3A_577 = arith.constant 1600 : i32
    %eq3A_578 = arith.constant 0 : i32
    %eq3A_579 = arith.cmpi eq, %jit3A_577, %eq3A_578 : i32
    %jit3A_580 = arith.constant 1 : i32
    %select_n3A_581 = arith.select %eq3A_579, %jit3A_580, %jit3A_577 : i32
    %rem3A_582 = arith.remsi %add3A_552, %select_n3A_581 : i32
    %ne3A_583 = arith.constant 0 : i32
    %ne3A_584 = arith.cmpi ne, %rem3A_582, %ne3A_583 : i32
    %lt3A_585 = arith.constant 0 : i32
    %lt3A_586 = arith.cmpi slt, %rem3A_582, %lt3A_585 : i32
    %lt3A_587 = arith.constant 0 : i32
    %lt3A_588 = arith.cmpi slt, %select_n3A_581, %lt3A_587 : i32
    %ne3A_589 = arith.xori %lt3A_586, %lt3A_588 : i1
    %and3A_590 = arith.andi %ne3A_589, %ne3A_584 : i1
    %add3A_591 = arith.addi %rem3A_582, %select_n3A_581 : i32
    %select_n3A_592 = arith.select %and3A_590, %add3A_591, %rem3A_582 : i32
    %mul3A_593 = arith.constant 128 : i32
    %mul3A_594 = arith.muli %select_n3A_592, %mul3A_593 : i32
    %rem3A_595 = arith.constant 1 : i32
    %rem3A_596 = arith.constant 2 : i32
    %rem3A_597 = arith.remsi %rem3A_595, %rem3A_596 : i32
    %dma_start3A_598 = arith.constant 0 : i32
    %dma_start3A_599 = tpu.memref_slice %arg5[%rem3A_597, %dma_start3A_598] : memref<2x2560xi32, #tpu.memory_space<vmem>> -> memref<1x2560xi32, #tpu.memory_space<vmem>>
    %dma_start3A_600 = tpu.memref_squeeze %dma_start3A_599 : memref<1x2560xi32, #tpu.memory_space<vmem>> -> memref<2560xi32, #tpu.memory_space<vmem>>
    %dma_start3A_601 = tpu.memref_slice %arg2[%select_n3A_576, %mul3A_594] : memref<26x204800xi32, #tpu.memory_space<hbm>> -> memref<1x2560xi32, #tpu.memory_space<hbm>>
    %dma_start3A_602 = tpu.memref_squeeze %dma_start3A_601 : memref<1x2560xi32, #tpu.memory_space<hbm>> -> memref<2560xi32, #tpu.memory_space<hbm>>
    %dma_start3A_603 = arith.constant 0 : i32
    %dma_start3A_604 = tpu.memref_slice %arg5[%rem3A_597, %dma_start3A_603] : memref<2x2560xi32, #tpu.memory_space<vmem>> -> memref<1x2560xi32, #tpu.memory_space<vmem>>
    %dma_start3A_605 = tpu.memref_squeeze %dma_start3A_604 : memref<1x2560xi32, #tpu.memory_space<vmem>> -> memref<2560xi32, #tpu.memory_space<vmem>>
    %dma_start3A_606 = tpu.memref_slice %arg2[%select_n3A_576, %mul3A_594] : memref<26x204800xi32, #tpu.memory_space<hbm>> -> memref<1x2560xi32, #tpu.memory_space<hbm>>
    %dma_start3A_607 = tpu.memref_squeeze %dma_start3A_606 : memref<1x2560xi32, #tpu.memory_space<hbm>> -> memref<2560xi32, #tpu.memory_space<hbm>>
    tpu.enqueue_dma source(%dma_start3A_607 : memref<2560xi32, #tpu.memory_space<hbm>>) target(%dma_start3A_605 : memref<2560xi32, #tpu.memory_space<vmem>>) target_semaphore(%arg9 : memref<!tpu.dma_semaphore, #tpu.memory_space<semaphore_mem>>)
    %scan3A = arith.constant 0 : i32
    %scan3A_608 = arith.constant 0 : i32
    %scan3A_609 = arith.constant 65 : i32
    %scan3A_610 = arith.addi %scan3A_608, %scan3A_609 : i32
    %scan3A_611 = arith.constant 1 : i32
    scf.for %scan3A_649 = %scan3A_608 to %scan3A_610 step %scan3A_611  : i32 {
      %rem3A_650 = arith.constant 3 : i32
      %rem3A_651 = arith.remsi %scan3A_649, %rem3A_650 : i32
      %add3A_652 = arith.constant 1 : i32
      %add3A_653 = arith.addi %scan3A_649, %add3A_652 : i32
      %rem3A_654 = arith.constant 3 : i32
      %rem3A_655 = arith.remsi %add3A_653, %rem3A_654 : i32
      %add3A_656 = arith.constant 1 : i32
      %add3A_657 = arith.addi %scan3A_649, %add3A_656 : i32
      %lt3A_658 = arith.constant 65 : i32
      %lt3A_659 = arith.cmpi slt, %add3A_657, %lt3A_658 : i32
      %convert_element_type3A = arith.extui %lt3A_659 : i1 to i32
      %cond3A = arith.constant 0 : i32
      %cond3A_660 = arith.cmpi ne, %convert_element_type3A, %cond3A : i32
      scf.if %cond3A_660 {
        %dma_wait3A_1307 = arith.constant 0 : i32
        %dma_wait3A_1308 = arith.constant 0 : i32
        %dma_wait3A_1309 = arith.constant 0 : i32
        %dma_wait3A_1310 = tpu.memref_slice %arg5[%dma_wait3A_1308, %dma_wait3A_1309] : memref<2x2560xi32, #tpu.memory_space<vmem>> -> memref<1x2560xi32, #tpu.memory_space<vmem>>
        %dma_wait3A_1311 = tpu.memref_squeeze %dma_wait3A_1310 : memref<1x2560xi32, #tpu.memory_space<vmem>> -> memref<2560xi32, #tpu.memory_space<vmem>>
        %dma_wait3A_1312 = arith.constant 0 : i32
        %dma_wait3A_1313 = tpu.memref_slice %arg2[%dma_wait3A_1307, %dma_wait3A_1312] : memref<26x204800xi32, #tpu.memory_space<hbm>> -> memref<1x2560xi32, #tpu.memory_space<hbm>>
        %dma_wait3A_1314 = tpu.memref_squeeze %dma_wait3A_1313 : memref<1x2560xi32, #tpu.memory_space<hbm>> -> memref<2560xi32, #tpu.memory_space<hbm>>
        %dma_wait3A_1315 = arith.constant 0 : i32
        %dma_wait3A_1316 = tpu.memref_slice %arg5[%dma_wait3A_1308, %dma_wait3A_1315] : memref<2x2560xi32, #tpu.memory_space<vmem>> -> memref<1x2560xi32, #tpu.memory_space<vmem>>
        %dma_wait3A_1317 = tpu.memref_squeeze %dma_wait3A_1316 : memref<1x2560xi32, #tpu.memory_space<vmem>> -> memref<2560xi32, #tpu.memory_space<vmem>>
        %dma_wait3A_1318 = arith.constant 0 : i32
        %dma_wait3A_1319 = tpu.memref_slice %arg2[%dma_wait3A_1307, %dma_wait3A_1318] : memref<26x204800xi32, #tpu.memory_space<hbm>> -> memref<1x2560xi32, #tpu.memory_space<hbm>>
        %dma_wait3A_1320 = tpu.memref_squeeze %dma_wait3A_1319 : memref<1x2560xi32, #tpu.memory_space<hbm>> -> memref<2560xi32, #tpu.memory_space<hbm>>
        tpu.wait_dma2 semaphore(%arg9 : memref<!tpu.dma_semaphore, #tpu.memory_space<semaphore_mem>>) src(%dma_wait3A_1320 : memref<2560xi32, #tpu.memory_space<hbm>>) dst(%dma_wait3A_1317 : memref<2560xi32, #tpu.memory_space<vmem>>)
        %add3A_1321 = arith.constant 1 : i32
        %add3A_1322 = arith.addi %scan3A_649, %add3A_1321 : i32
        %ge3A = arith.constant 3 : i32
        %ge3A_1323 = arith.cmpi sge, %add3A_1322, %ge3A : i32
        %convert_element_type3A_1324 = arith.extui %ge3A_1323 : i1 to i32
        %cond3A_1325 = arith.constant 0 : i32
        %cond3A_1326 = arith.cmpi ne, %convert_element_type3A_1324, %cond3A_1325 : i32
        scf.if %cond3A_1326 {
          %dma_wait3A_1778 = arith.constant 0 : i32
          %dma_wait3A_1779 = arith.constant 0 : i32
          %dma_wait3A_1780 = tpu.memref_slice %arg6[%rem3A_655, %dma_wait3A_1778, %dma_wait3A_1779] : memref<3x2560x16xf32, #tpu.memory_space<vmem>> -> memref<1x2560x16xf32, #tpu.memory_space<vmem>>
          %dma_wait3A_1781 = tpu.memref_squeeze %dma_wait3A_1780 : memref<1x2560x16xf32, #tpu.memory_space<vmem>> -> memref<2560x16xf32, #tpu.memory_space<vmem>>
          %dma_wait3A_1782 = arith.constant 0 : i32
          %dma_wait3A_1783 = arith.constant 0 : i32
          %dma_wait3A_1784 = tpu.memref_slice %arg4[%dma_wait3A_1782, %dma_wait3A_1783] : memref<5324800x16xf32, #tpu.memory_space<hbm>> -> memref<2560x16xf32, #tpu.memory_space<hbm>>
          %dma_wait3A_1785 = tpu.memref_slice %arg8[%rem3A_655] : memref<3x!tpu.dma_semaphore, #tpu.memory_space<semaphore_mem>> -> memref<1x!tpu.dma_semaphore, #tpu.memory_space<semaphore_mem>>
          %dma_wait3A_1786 = tpu.memref_squeeze %dma_wait3A_1785 : memref<1x!tpu.dma_semaphore, #tpu.memory_space<semaphore_mem>> -> memref<!tpu.dma_semaphore, #tpu.memory_space<semaphore_mem>>
          %dma_wait3A_1787 = arith.constant 0 : i32
          %dma_wait3A_1788 = arith.constant 0 : i32
          %dma_wait3A_1789 = tpu.memref_slice %arg4[%dma_wait3A_1787, %dma_wait3A_1788] : memref<5324800x16xf32, #tpu.memory_space<hbm>> -> memref<2560x16xf32, #tpu.memory_space<hbm>>
          %dma_wait3A_1790 = arith.constant 0 : i32
          %dma_wait3A_1791 = arith.constant 0 : i32
          %dma_wait3A_1792 = tpu.memref_slice %arg6[%rem3A_655, %dma_wait3A_1790, %dma_wait3A_1791] : memref<3x2560x16xf32, #tpu.memory_space<vmem>> -> memref<1x2560x16xf32, #tpu.memory_space<vmem>>
          %dma_wait3A_1793 = tpu.memref_squeeze %dma_wait3A_1792 : memref<1x2560x16xf32, #tpu.memory_space<vmem>> -> memref<2560x16xf32, #tpu.memory_space<vmem>>
          tpu.wait_dma2 semaphore(%dma_wait3A_1786 : memref<!tpu.dma_semaphore, #tpu.memory_space<semaphore_mem>>) src(%dma_wait3A_1793 : memref<2560x16xf32, #tpu.memory_space<vmem>>) dst(%dma_wait3A_1789 : memref<2560x16xf32, #tpu.memory_space<hbm>>)
        } else {
        }
        %add3A_1327 = arith.constant 1 : i32
        %add3A_1328 = arith.addi %scan3A_649, %add3A_1327 : i32
        %mul3A_1329 = arith.constant 20 : i32
        %mul3A_1330 = arith.muli %add3A_1328, %mul3A_1329 : i32
        %add3A_1331 = arith.addi %mul3A_2, %mul3A_1330 : i32
        %jit3A_1332 = arith.constant 1600 : i32
        %div3A_1333 = arith.divsi %add3A_1331, %jit3A_1332 : i32
        %sign3A_1334 = arith.constant 0 : i32
        %sign3A_1335 = arith.cmpi sgt, %add3A_1331, %sign3A_1334 : i32
        %sign3A_1336 = arith.extui %sign3A_1335 : i1 to i32
        %sign3A_1337 = arith.constant 0 : i32
        %sign3A_1338 = arith.cmpi slt, %add3A_1331, %sign3A_1337 : i32
        %sign3A_1339 = arith.extui %sign3A_1338 : i1 to i32
        %sign3A_1340 = arith.subi %sign3A_1336, %sign3A_1339 : i32
        %sign3A_1341 = arith.constant 0 : i32
        %sign3A_1342 = arith.cmpi sgt, %jit3A_1332, %sign3A_1341 : i32
        %sign3A_1343 = arith.extui %sign3A_1342 : i1 to i32
        %sign3A_1344 = arith.constant 0 : i32
        %sign3A_1345 = arith.cmpi slt, %jit3A_1332, %sign3A_1344 : i32
        %sign3A_1346 = arith.extui %sign3A_1345 : i1 to i32
        %sign3A_1347 = arith.subi %sign3A_1343, %sign3A_1346 : i32
        %ne3A_1348 = arith.cmpi ne, %sign3A_1340, %sign3A_1347 : i32
        %rem3A_1349 = arith.remsi %add3A_1331, %jit3A_1332 : i32
        %ne3A_1350 = arith.constant 0 : i32
        %ne3A_1351 = arith.cmpi ne, %rem3A_1349, %ne3A_1350 : i32
        %and3A_1352 = arith.andi %ne3A_1348, %ne3A_1351 : i1
        %sub3A_1353 = arith.constant 1 : i32
        %sub3A_1354 = arith.subi %div3A_1333, %sub3A_1353 : i32
        %select_n3A_1355 = arith.select %and3A_1352, %sub3A_1354, %div3A_1333 : i32
        %rem3A_1356 = arith.constant 2 : i32
        %rem3A_1357 = arith.remsi %add3A_1328, %rem3A_1356 : i32
        %dma_start3A_1358 = arith.constant 0 : i32
        %dma_start3A_1359 = arith.constant 0 : i32
        %dma_start3A_1360 = tpu.memref_slice %arg6[%rem3A_655, %dma_start3A_1358, %dma_start3A_1359] : memref<3x2560x16xf32, #tpu.memory_space<vmem>> -> memref<1x2560x16xf32, #tpu.memory_space<vmem>>
        %dma_start3A_1361 = tpu.memref_squeeze %dma_start3A_1360 : memref<1x2560x16xf32, #tpu.memory_space<vmem>> -> memref<2560x16xf32, #tpu.memory_space<vmem>>
        %dma_start3A_1362 = arith.constant 0 : i32
        %dma_start3A_1363 = arith.constant 0 : i32
        %dma_start3A_1364 = tpu.memref_slice %dma_start3A_1361[%dma_start3A_1362, %dma_start3A_1363] : memref<2560x16xf32, #tpu.memory_space<vmem>> -> memref<128x16xf32, #tpu.memory_space<vmem>>
        %dma_start3A_1365 = arith.constant 0 : i32
        %dma_start3A_1366 = tpu.memref_slice %arg5[%rem3A_1357, %dma_start3A_1365] : memref<2x2560xi32, #tpu.memory_space<vmem>> -> memref<1x2560xi32, #tpu.memory_space<vmem>>
        %dma_start3A_1367 = tpu.memref_squeeze %dma_start3A_1366 : memref<1x2560xi32, #tpu.memory_space<vmem>> -> memref<2560xi32, #tpu.memory_space<vmem>>
        %dma_start3A_1368 = arith.constant 0 : i32
        %dma_start3A_1369 = tpu.memref_slice %dma_start3A_1367[%dma_start3A_1368] : memref<2560xi32, #tpu.memory_space<vmem>> -> memref<128xi32, #tpu.memory_space<vmem>>
        %dma_start3A_1370 = arith.constant 0 : i32
        %dma_start3A_1371 = arith.constant 0 : i32
        %dma_start3A_1372 = tpu.memref_slice %arg3[%select_n3A_1355, %dma_start3A_1370, %dma_start3A_1371] : memref<26x100000x16xf32, #tpu.memory_space<hbm>> -> memref<1x100000x16xf32, #tpu.memory_space<hbm>>
        %dma_start3A_1373 = tpu.memref_squeeze %dma_start3A_1372 : memref<1x100000x16xf32, #tpu.memory_space<hbm>> -> memref<100000x16xf32, #tpu.memory_space<hbm>>
        %dma_start3A_1374 = arith.constant 0 : i32
        %dma_start3A_1375 = arith.constant 0 : i32
        %dma_start3A_1376 = tpu.memref_slice %dma_start3A_1373[%dma_start3A_1374, %dma_start3A_1375] : memref<100000x16xf32, #tpu.memory_space<hbm>> -> memref<100000x16xf32, #tpu.memory_space<hbm>>
        %dma_start3A_1377 = tpu.memref_slice %arg7[%rem3A_655] : memref<3x!tpu.dma_semaphore, #tpu.memory_space<semaphore_mem>> -> memref<1x!tpu.dma_semaphore, #tpu.memory_space<semaphore_mem>>
        %dma_start3A_1378 = tpu.memref_squeeze %dma_start3A_1377 : memref<1x!tpu.dma_semaphore, #tpu.memory_space<semaphore_mem>> -> memref<!tpu.dma_semaphore, #tpu.memory_space<semaphore_mem>>
        tpu.enqueue_indirect_dma source(%dma_start3A_1376 : memref<100000x16xf32, #tpu.memory_space<hbm>>) target(%dma_start3A_1364 : memref<128x16xf32, #tpu.memory_space<vmem>>) offsets(%dma_start3A_1369 : memref<128xi32, #tpu.memory_space<vmem>>) semaphore(%dma_start3A_1378 : memref<!tpu.dma_semaphore, #tpu.memory_space<semaphore_mem>>)
        %dma_start3A_1379 = arith.constant 0 : i32
        %dma_start3A_1380 = arith.constant 0 : i32
        %dma_start3A_1381 = tpu.memref_slice %arg6[%rem3A_655, %dma_start3A_1379, %dma_start3A_1380] : memref<3x2560x16xf32, #tpu.memory_space<vmem>> -> memref<1x2560x16xf32, #tpu.memory_space<vmem>>
        %dma_start3A_1382 = tpu.memref_squeeze %dma_start3A_1381 : memref<1x2560x16xf32, #tpu.memory_space<vmem>> -> memref<2560x16xf32, #tpu.memory_space<vmem>>
        %dma_start3A_1383 = arith.constant 128 : i32
        %dma_start3A_1384 = arith.constant 0 : i32
        %dma_start3A_1385 = tpu.memref_slice %dma_start3A_1382[%dma_start3A_1383, %dma_start3A_1384] : memref<2560x16xf32, #tpu.memory_space<vmem>> -> memref<128x16xf32, #tpu.memory_space<vmem>>
        %dma_start3A_1386 = arith.constant 0 : i32
        %dma_start3A_1387 = tpu.memref_slice %arg5[%rem3A_1357, %dma_start3A_1386] : memref<2x2560xi32, #tpu.memory_space<vmem>> -> memref<1x2560xi32, #tpu.memory_space<vmem>>
        %dma_start3A_1388 = tpu.memref_squeeze %dma_start3A_1387 : memref<1x2560xi32, #tpu.memory_space<vmem>> -> memref<2560xi32, #tpu.memory_space<vmem>>
        %dma_start3A_1389 = arith.constant 128 : i32
        %dma_start3A_1390 = tpu.memref_slice %dma_start3A_1388[%dma_start3A_1389] : memref<2560xi32, #tpu.memory_space<vmem>> -> memref<128xi32, #tpu.memory_space<vmem>>
        %dma_start3A_1391 = arith.constant 0 : i32
        %dma_start3A_1392 = arith.constant 0 : i32
        %dma_start3A_1393 = tpu.memref_slice %arg3[%select_n3A_1355, %dma_start3A_1391, %dma_start3A_1392] : memref<26x100000x16xf32, #tpu.memory_space<hbm>> -> memref<1x100000x16xf32, #tpu.memory_space<hbm>>
        %dma_start3A_1394 = tpu.memref_squeeze %dma_start3A_1393 : memref<1x100000x16xf32, #tpu.memory_space<hbm>> -> memref<100000x16xf32, #tpu.memory_space<hbm>>
        %dma_start3A_1395 = arith.constant 0 : i32
        %dma_start3A_1396 = arith.constant 0 : i32
        %dma_start3A_1397 = tpu.memref_slice %dma_start3A_1394[%dma_start3A_1395, %dma_start3A_1396] : memref<100000x16xf32, #tpu.memory_space<hbm>> -> memref<100000x16xf32, #tpu.memory_space<hbm>>
        %dma_start3A_1398 = tpu.memref_slice %arg7[%rem3A_655] : memref<3x!tpu.dma_semaphore, #tpu.memory_space<semaphore_mem>> -> memref<1x!tpu.dma_semaphore, #tpu.memory_space<semaphore_mem>>
        %dma_start3A_1399 = tpu.memref_squeeze %dma_start3A_1398 : memref<1x!tpu.dma_semaphore, #tpu.memory_space<semaphore_mem>> -> memref<!tpu.dma_semaphore, #tpu.memory_space<semaphore_mem>>
        tpu.enqueue_indirect_dma source(%dma_start3A_1397 : memref<100000x16xf32, #tpu.memory_space<hbm>>) target(%dma_start3A_1385 : memref<128x16xf32, #tpu.memory_space<vmem>>) offsets(%dma_start3A_1390 : memref<128xi32, #tpu.memory_space<vmem>>) semaphore(%dma_start3A_1399 : memref<!tpu.dma_semaphore, #tpu.memory_space<semaphore_mem>>)
        %dma_start3A_1400 = arith.constant 0 : i32
        %dma_start3A_1401 = arith.constant 0 : i32
        %dma_start3A_1402 = tpu.memref_slice %arg6[%rem3A_655, %dma_start3A_1400, %dma_start3A_1401] : memref<3x2560x16xf32, #tpu.memory_space<vmem>> -> memref<1x2560x16xf32, #tpu.memory_space<vmem>>
        %dma_start3A_1403 = tpu.memref_squeeze %dma_start3A_1402 : memref<1x2560x16xf32, #tpu.memory_space<vmem>> -> memref<2560x16xf32, #tpu.memory_space<vmem>>
        %dma_start3A_1404 = arith.constant 256 : i32
        %dma_start3A_1405 = arith.constant 0 : i32
        %dma_start3A_1406 = tpu.memref_slice %dma_start3A_1403[%dma_start3A_1404, %dma_start3A_1405] : memref<2560x16xf32, #tpu.memory_space<vmem>> -> memref<128x16xf32, #tpu.memory_space<vmem>>
        %dma_start3A_1407 = arith.constant 0 : i32
        %dma_start3A_1408 = tpu.memref_slice %arg5[%rem3A_1357, %dma_start3A_1407] : memref<2x2560xi32, #tpu.memory_space<vmem>> -> memref<1x2560xi32, #tpu.memory_space<vmem>>
        %dma_start3A_1409 = tpu.memref_squeeze %dma_start3A_1408 : memref<1x2560xi32, #tpu.memory_space<vmem>> -> memref<2560xi32, #tpu.memory_space<vmem>>
        %dma_start3A_1410 = arith.constant 256 : i32
        %dma_start3A_1411 = tpu.memref_slice %dma_start3A_1409[%dma_start3A_1410] : memref<2560xi32, #tpu.memory_space<vmem>> -> memref<128xi32, #tpu.memory_space<vmem>>
        %dma_start3A_1412 = arith.constant 0 : i32
        %dma_start3A_1413 = arith.constant 0 : i32
        %dma_start3A_1414 = tpu.memref_slice %arg3[%select_n3A_1355, %dma_start3A_1412, %dma_start3A_1413] : memref<26x100000x16xf32, #tpu.memory_space<hbm>> -> memref<1x100000x16xf32, #tpu.memory_space<hbm>>
        %dma_start3A_1415 = tpu.memref_squeeze %dma_start3A_1414 : memref<1x100000x16xf32, #tpu.memory_space<hbm>> -> memref<100000x16xf32, #tpu.memory_space<hbm>>
        %dma_start3A_1416 = arith.constant 0 : i32
        %dma_start3A_1417 = arith.constant 0 : i32
        %dma_start3A_1418 = tpu.memref_slice %dma_start3A_1415[%dma_start3A_1416, %dma_start3A_1417] : memref<100000x16xf32, #tpu.memory_space<hbm>> -> memref<100000x16xf32, #tpu.memory_space<hbm>>
        %dma_start3A_1419 = tpu.memref_slice %arg7[%rem3A_655] : memref<3x!tpu.dma_semaphore, #tpu.memory_space<semaphore_mem>> -> memref<1x!tpu.dma_semaphore, #tpu.memory_space<semaphore_mem>>
        %dma_start3A_1420 = tpu.memref_squeeze %dma_start3A_1419 : memref<1x!tpu.dma_semaphore, #tpu.memory_space<semaphore_mem>> -> memref<!tpu.dma_semaphore, #tpu.memory_space<semaphore_mem>>
        tpu.enqueue_indirect_dma source(%dma_start3A_1418 : memref<100000x16xf32, #tpu.memory_space<hbm>>) target(%dma_start3A_1406 : memref<128x16xf32, #tpu.memory_space<vmem>>) offsets(%dma_start3A_1411 : memref<128xi32, #tpu.memory_space<vmem>>) semaphore(%dma_start3A_1420 : memref<!tpu.dma_semaphore, #tpu.memory_space<semaphore_mem>>)
        %dma_start3A_1421 = arith.constant 0 : i32
        %dma_start3A_1422 = arith.constant 0 : i32
        %dma_start3A_1423 = tpu.memref_slice %arg6[%rem3A_655, %dma_start3A_1421, %dma_start3A_1422] : memref<3x2560x16xf32, #tpu.memory_space<vmem>> -> memref<1x2560x16xf32, #tpu.memory_space<vmem>>
        %dma_start3A_1424 = tpu.memref_squeeze %dma_start3A_1423 : memref<1x2560x16xf32, #tpu.memory_space<vmem>> -> memref<2560x16xf32, #tpu.memory_space<vmem>>
        %dma_start3A_1425 = arith.constant 384 : i32
        %dma_start3A_1426 = arith.constant 0 : i32
        %dma_start3A_1427 = tpu.memref_slice %dma_start3A_1424[%dma_start3A_1425, %dma_start3A_1426] : memref<2560x16xf32, #tpu.memory_space<vmem>> -> memref<128x16xf32, #tpu.memory_space<vmem>>
        %dma_start3A_1428 = arith.constant 0 : i32
        %dma_start3A_1429 = tpu.memref_slice %arg5[%rem3A_1357, %dma_start3A_1428] : memref<2x2560xi32, #tpu.memory_space<vmem>> -> memref<1x2560xi32, #tpu.memory_space<vmem>>
        %dma_start3A_1430 = tpu.memref_squeeze %dma_start3A_1429 : memref<1x2560xi32, #tpu.memory_space<vmem>> -> memref<2560xi32, #tpu.memory_space<vmem>>
        %dma_start3A_1431 = arith.constant 384 : i32
        %dma_start3A_1432 = tpu.memref_slice %dma_start3A_1430[%dma_start3A_1431] : memref<2560xi32, #tpu.memory_space<vmem>> -> memref<128xi32, #tpu.memory_space<vmem>>
        %dma_start3A_1433 = arith.constant 0 : i32
        %dma_start3A_1434 = arith.constant 0 : i32
        %dma_start3A_1435 = tpu.memref_slice %arg3[%select_n3A_1355, %dma_start3A_1433, %dma_start3A_1434] : memref<26x100000x16xf32, #tpu.memory_space<hbm>> -> memref<1x100000x16xf32, #tpu.memory_space<hbm>>
        %dma_start3A_1436 = tpu.memref_squeeze %dma_start3A_1435 : memref<1x100000x16xf32, #tpu.memory_space<hbm>> -> memref<100000x16xf32, #tpu.memory_space<hbm>>
        %dma_start3A_1437 = arith.constant 0 : i32
        %dma_start3A_1438 = arith.constant 0 : i32
        %dma_start3A_1439 = tpu.memref_slice %dma_start3A_1436[%dma_start3A_1437, %dma_start3A_1438] : memref<100000x16xf32, #tpu.memory_space<hbm>> -> memref<100000x16xf32, #tpu.memory_space<hbm>>
        %dma_start3A_1440 = tpu.memref_slice %arg7[%rem3A_655] : memref<3x!tpu.dma_semaphore, #tpu.memory_space<semaphore_mem>> -> memref<1x!tpu.dma_semaphore, #tpu.memory_space<semaphore_mem>>
        %dma_start3A_1441 = tpu.memref_squeeze %dma_start3A_1440 : memref<1x!tpu.dma_semaphore, #tpu.memory_space<semaphore_mem>> -> memref<!tpu.dma_semaphore, #tpu.memory_space<semaphore_mem>>
        tpu.enqueue_indirect_dma source(%dma_start3A_1439 : memref<100000x16xf32, #tpu.memory_space<hbm>>) target(%dma_start3A_1427 : memref<128x16xf32, #tpu.memory_space<vmem>>) offsets(%dma_start3A_1432 : memref<128xi32, #tpu.memory_space<vmem>>) semaphore(%dma_start3A_1441 : memref<!tpu.dma_semaphore, #tpu.memory_space<semaphore_mem>>)
        %dma_start3A_1442 = arith.constant 0 : i32
        %dma_start3A_1443 = arith.constant 0 : i32
        %dma_start3A_1444 = tpu.memref_slice %arg6[%rem3A_655, %dma_start3A_1442, %dma_start3A_1443] : memref<3x2560x16xf32, #tpu.memory_space<vmem>> -> memref<1x2560x16xf32, #tpu.memory_space<vmem>>
        %dma_start3A_1445 = tpu.memref_squeeze %dma_start3A_1444 : memref<1x2560x16xf32, #tpu.memory_space<vmem>> -> memref<2560x16xf32, #tpu.memory_space<vmem>>
        %dma_start3A_1446 = arith.constant 512 : i32
        %dma_start3A_1447 = arith.constant 0 : i32
        %dma_start3A_1448 = tpu.memref_slice %dma_start3A_1445[%dma_start3A_1446, %dma_start3A_1447] : memref<2560x16xf32, #tpu.memory_space<vmem>> -> memref<128x16xf32, #tpu.memory_space<vmem>>
        %dma_start3A_1449 = arith.constant 0 : i32
        %dma_start3A_1450 = tpu.memref_slice %arg5[%rem3A_1357, %dma_start3A_1449] : memref<2x2560xi32, #tpu.memory_space<vmem>> -> memref<1x2560xi32, #tpu.memory_space<vmem>>
        %dma_start3A_1451 = tpu.memref_squeeze %dma_start3A_1450 : memref<1x2560xi32, #tpu.memory_space<vmem>> -> memref<2560xi32, #tpu.memory_space<vmem>>
        %dma_start3A_1452 = arith.constant 512 : i32
        %dma_start3A_1453 = tpu.memref_slice %dma_start3A_1451[%dma_start3A_1452] : memref<2560xi32, #tpu.memory_space<vmem>> -> memref<128xi32, #tpu.memory_space<vmem>>
        %dma_start3A_1454 = arith.constant 0 : i32
        %dma_start3A_1455 = arith.constant 0 : i32
        %dma_start3A_1456 = tpu.memref_slice %arg3[%select_n3A_1355, %dma_start3A_1454, %dma_start3A_1455] : memref<26x100000x16xf32, #tpu.memory_space<hbm>> -> memref<1x100000x16xf32, #tpu.memory_space<hbm>>
        %dma_start3A_1457 = tpu.memref_squeeze %dma_start3A_1456 : memref<1x100000x16xf32, #tpu.memory_space<hbm>> -> memref<100000x16xf32, #tpu.memory_space<hbm>>
        %dma_start3A_1458 = arith.constant 0 : i32
        %dma_start3A_1459 = arith.constant 0 : i32
        %dma_start3A_1460 = tpu.memref_slice %dma_start3A_1457[%dma_start3A_1458, %dma_start3A_1459] : memref<100000x16xf32, #tpu.memory_space<hbm>> -> memref<100000x16xf32, #tpu.memory_space<hbm>>
        %dma_start3A_1461 = tpu.memref_slice %arg7[%rem3A_655] : memref<3x!tpu.dma_semaphore, #tpu.memory_space<semaphore_mem>> -> memref<1x!tpu.dma_semaphore, #tpu.memory_space<semaphore_mem>>
        %dma_start3A_1462 = tpu.memref_squeeze %dma_start3A_1461 : memref<1x!tpu.dma_semaphore, #tpu.memory_space<semaphore_mem>> -> memref<!tpu.dma_semaphore, #tpu.memory_space<semaphore_mem>>
        tpu.enqueue_indirect_dma source(%dma_start3A_1460 : memref<100000x16xf32, #tpu.memory_space<hbm>>) target(%dma_start3A_1448 : memref<128x16xf32, #tpu.memory_space<vmem>>) offsets(%dma_start3A_1453 : memref<128xi32, #tpu.memory_space<vmem>>) semaphore(%dma_start3A_1462 : memref<!tpu.dma_semaphore, #tpu.memory_space<semaphore_mem>>)
        %dma_start3A_1463 = arith.constant 0 : i32
        %dma_start3A_1464 = arith.constant 0 : i32
        %dma_start3A_1465 = tpu.memref_slice %arg6[%rem3A_655, %dma_start3A_1463, %dma_start3A_1464] : memref<3x2560x16xf32, #tpu.memory_space<vmem>> -> memref<1x2560x16xf32, #tpu.memory_space<vmem>>
        %dma_start3A_1466 = tpu.memref_squeeze %dma_start3A_1465 : memref<1x2560x16xf32, #tpu.memory_space<vmem>> -> memref<2560x16xf32, #tpu.memory_space<vmem>>
        %dma_start3A_1467 = arith.constant 640 : i32
        %dma_start3A_1468 = arith.constant 0 : i32
        %dma_start3A_1469 = tpu.memref_slice %dma_start3A_1466[%dma_start3A_1467, %dma_start3A_1468] : memref<2560x16xf32, #tpu.memory_space<vmem>> -> memref<128x16xf32, #tpu.memory_space<vmem>>
        %dma_start3A_1470 = arith.constant 0 : i32
        %dma_start3A_1471 = tpu.memref_slice %arg5[%rem3A_1357, %dma_start3A_1470] : memref<2x2560xi32, #tpu.memory_space<vmem>> -> memref<1x2560xi32, #tpu.memory_space<vmem>>
        %dma_start3A_1472 = tpu.memref_squeeze %dma_start3A_1471 : memref<1x2560xi32, #tpu.memory_space<vmem>> -> memref<2560xi32, #tpu.memory_space<vmem>>
        %dma_start3A_1473 = arith.constant 640 : i32
        %dma_start3A_1474 = tpu.memref_slice %dma_start3A_1472[%dma_start3A_1473] : memref<2560xi32, #tpu.memory_space<vmem>> -> memref<128xi32, #tpu.memory_space<vmem>>
        %dma_start3A_1475 = arith.constant 0 : i32
        %dma_start3A_1476 = arith.constant 0 : i32
        %dma_start3A_1477 = tpu.memref_slice %arg3[%select_n3A_1355, %dma_start3A_1475, %dma_start3A_1476] : memref<26x100000x16xf32, #tpu.memory_space<hbm>> -> memref<1x100000x16xf32, #tpu.memory_space<hbm>>
        %dma_start3A_1478 = tpu.memref_squeeze %dma_start3A_1477 : memref<1x100000x16xf32, #tpu.memory_space<hbm>> -> memref<100000x16xf32, #tpu.memory_space<hbm>>
        %dma_start3A_1479 = arith.constant 0 : i32
        %dma_start3A_1480 = arith.constant 0 : i32
        %dma_start3A_1481 = tpu.memref_slice %dma_start3A_1478[%dma_start3A_1479, %dma_start3A_1480] : memref<100000x16xf32, #tpu.memory_space<hbm>> -> memref<100000x16xf32, #tpu.memory_space<hbm>>
        %dma_start3A_1482 = tpu.memref_slice %arg7[%rem3A_655] : memref<3x!tpu.dma_semaphore, #tpu.memory_space<semaphore_mem>> -> memref<1x!tpu.dma_semaphore, #tpu.memory_space<semaphore_mem>>
        %dma_start3A_1483 = tpu.memref_squeeze %dma_start3A_1482 : memref<1x!tpu.dma_semaphore, #tpu.memory_space<semaphore_mem>> -> memref<!tpu.dma_semaphore, #tpu.memory_space<semaphore_mem>>
        tpu.enqueue_indirect_dma source(%dma_start3A_1481 : memref<100000x16xf32, #tpu.memory_space<hbm>>) target(%dma_start3A_1469 : memref<128x16xf32, #tpu.memory_space<vmem>>) offsets(%dma_start3A_1474 : memref<128xi32, #tpu.memory_space<vmem>>) semaphore(%dma_start3A_1483 : memref<!tpu.dma_semaphore, #tpu.memory_space<semaphore_mem>>)
        %dma_start3A_1484 = arith.constant 0 : i32
        %dma_start3A_1485 = arith.constant 0 : i32
        %dma_start3A_1486 = tpu.memref_slice %arg6[%rem3A_655, %dma_start3A_1484, %dma_start3A_1485] : memref<3x2560x16xf32, #tpu.memory_space<vmem>> -> memref<1x2560x16xf32, #tpu.memory_space<vmem>>
        %dma_start3A_1487 = tpu.memref_squeeze %dma_start3A_1486 : memref<1x2560x16xf32, #tpu.memory_space<vmem>> -> memref<2560x16xf32, #tpu.memory_space<vmem>>
        %dma_start3A_1488 = arith.constant 768 : i32
        %dma_start3A_1489 = arith.constant 0 : i32
        %dma_start3A_1490 = tpu.memref_slice %dma_start3A_1487[%dma_start3A_1488, %dma_start3A_1489] : memref<2560x16xf32, #tpu.memory_space<vmem>> -> memref<128x16xf32, #tpu.memory_space<vmem>>
        %dma_start3A_1491 = arith.constant 0 : i32
        %dma_start3A_1492 = tpu.memref_slice %arg5[%rem3A_1357, %dma_start3A_1491] : memref<2x2560xi32, #tpu.memory_space<vmem>> -> memref<1x2560xi32, #tpu.memory_space<vmem>>
        %dma_start3A_1493 = tpu.memref_squeeze %dma_start3A_1492 : memref<1x2560xi32, #tpu.memory_space<vmem>> -> memref<2560xi32, #tpu.memory_space<vmem>>
        %dma_start3A_1494 = arith.constant 768 : i32
        %dma_start3A_1495 = tpu.memref_slice %dma_start3A_1493[%dma_start3A_1494] : memref<2560xi32, #tpu.memory_space<vmem>> -> memref<128xi32, #tpu.memory_space<vmem>>
        %dma_start3A_1496 = arith.constant 0 : i32
        %dma_start3A_1497 = arith.constant 0 : i32
        %dma_start3A_1498 = tpu.memref_slice %arg3[%select_n3A_1355, %dma_start3A_1496, %dma_start3A_1497] : memref<26x100000x16xf32, #tpu.memory_space<hbm>> -> memref<1x100000x16xf32, #tpu.memory_space<hbm>>
        %dma_start3A_1499 = tpu.memref_squeeze %dma_start3A_1498 : memref<1x100000x16xf32, #tpu.memory_space<hbm>> -> memref<100000x16xf32, #tpu.memory_space<hbm>>
        %dma_start3A_1500 = arith.constant 0 : i32
        %dma_start3A_1501 = arith.constant 0 : i32
        %dma_start3A_1502 = tpu.memref_slice %dma_start3A_1499[%dma_start3A_1500, %dma_start3A_1501] : memref<100000x16xf32, #tpu.memory_space<hbm>> -> memref<100000x16xf32, #tpu.memory_space<hbm>>
        %dma_start3A_1503 = tpu.memref_slice %arg7[%rem3A_655] : memref<3x!tpu.dma_semaphore, #tpu.memory_space<semaphore_mem>> -> memref<1x!tpu.dma_semaphore, #tpu.memory_space<semaphore_mem>>
        %dma_start3A_1504 = tpu.memref_squeeze %dma_start3A_1503 : memref<1x!tpu.dma_semaphore, #tpu.memory_space<semaphore_mem>> -> memref<!tpu.dma_semaphore, #tpu.memory_space<semaphore_mem>>
        tpu.enqueue_indirect_dma source(%dma_start3A_1502 : memref<100000x16xf32, #tpu.memory_space<hbm>>) target(%dma_start3A_1490 : memref<128x16xf32, #tpu.memory_space<vmem>>) offsets(%dma_start3A_1495 : memref<128xi32, #tpu.memory_space<vmem>>) semaphore(%dma_start3A_1504 : memref<!tpu.dma_semaphore, #tpu.memory_space<semaphore_mem>>)
        %dma_start3A_1505 = arith.constant 0 : i32
        %dma_start3A_1506 = arith.constant 0 : i32
        %dma_start3A_1507 = tpu.memref_slice %arg6[%rem3A_655, %dma_start3A_1505, %dma_start3A_1506] : memref<3x2560x16xf32, #tpu.memory_space<vmem>> -> memref<1x2560x16xf32, #tpu.memory_space<vmem>>
        %dma_start3A_1508 = tpu.memref_squeeze %dma_start3A_1507 : memref<1x2560x16xf32, #tpu.memory_space<vmem>> -> memref<2560x16xf32, #tpu.memory_space<vmem>>
        %dma_start3A_1509 = arith.constant 896 : i32
        %dma_start3A_1510 = arith.constant 0 : i32
        %dma_start3A_1511 = tpu.memref_slice %dma_start3A_1508[%dma_start3A_1509, %dma_start3A_1510] : memref<2560x16xf32, #tpu.memory_space<vmem>> -> memref<128x16xf32, #tpu.memory_space<vmem>>
        %dma_start3A_1512 = arith.constant 0 : i32
        %dma_start3A_1513 = tpu.memref_slice %arg5[%rem3A_1357, %dma_start3A_1512] : memref<2x2560xi32, #tpu.memory_space<vmem>> -> memref<1x2560xi32, #tpu.memory_space<vmem>>
        %dma_start3A_1514 = tpu.memref_squeeze %dma_start3A_1513 : memref<1x2560xi32, #tpu.memory_space<vmem>> -> memref<2560xi32, #tpu.memory_space<vmem>>
        %dma_start3A_1515 = arith.constant 896 : i32
        %dma_start3A_1516 = tpu.memref_slice %dma_start3A_1514[%dma_start3A_1515] : memref<2560xi32, #tpu.memory_space<vmem>> -> memref<128xi32, #tpu.memory_space<vmem>>
        %dma_start3A_1517 = arith.constant 0 : i32
        %dma_start3A_1518 = arith.constant 0 : i32
        %dma_start3A_1519 = tpu.memref_slice %arg3[%select_n3A_1355, %dma_start3A_1517, %dma_start3A_1518] : memref<26x100000x16xf32, #tpu.memory_space<hbm>> -> memref<1x100000x16xf32, #tpu.memory_space<hbm>>
        %dma_start3A_1520 = tpu.memref_squeeze %dma_start3A_1519 : memref<1x100000x16xf32, #tpu.memory_space<hbm>> -> memref<100000x16xf32, #tpu.memory_space<hbm>>
        %dma_start3A_1521 = arith.constant 0 : i32
        %dma_start3A_1522 = arith.constant 0 : i32
        %dma_start3A_1523 = tpu.memref_slice %dma_start3A_1520[%dma_start3A_1521, %dma_start3A_1522] : memref<100000x16xf32, #tpu.memory_space<hbm>> -> memref<100000x16xf32, #tpu.memory_space<hbm>>
        %dma_start3A_1524 = tpu.memref_slice %arg7[%rem3A_655] : memref<3x!tpu.dma_semaphore, #tpu.memory_space<semaphore_mem>> -> memref<1x!tpu.dma_semaphore, #tpu.memory_space<semaphore_mem>>
        %dma_start3A_1525 = tpu.memref_squeeze %dma_start3A_1524 : memref<1x!tpu.dma_semaphore, #tpu.memory_space<semaphore_mem>> -> memref<!tpu.dma_semaphore, #tpu.memory_space<semaphore_mem>>
        tpu.enqueue_indirect_dma source(%dma_start3A_1523 : memref<100000x16xf32, #tpu.memory_space<hbm>>) target(%dma_start3A_1511 : memref<128x16xf32, #tpu.memory_space<vmem>>) offsets(%dma_start3A_1516 : memref<128xi32, #tpu.memory_space<vmem>>) semaphore(%dma_start3A_1525 : memref<!tpu.dma_semaphore, #tpu.memory_space<semaphore_mem>>)
        %dma_start3A_1526 = arith.constant 0 : i32
        %dma_start3A_1527 = arith.constant 0 : i32
        %dma_start3A_1528 = tpu.memref_slice %arg6[%rem3A_655, %dma_start3A_1526, %dma_start3A_1527] : memref<3x2560x16xf32, #tpu.memory_space<vmem>> -> memref<1x2560x16xf32, #tpu.memory_space<vmem>>
        %dma_start3A_1529 = tpu.memref_squeeze %dma_start3A_1528 : memref<1x2560x16xf32, #tpu.memory_space<vmem>> -> memref<2560x16xf32, #tpu.memory_space<vmem>>
        %dma_start3A_1530 = arith.constant 1024 : i32
        %dma_start3A_1531 = arith.constant 0 : i32
        %dma_start3A_1532 = tpu.memref_slice %dma_start3A_1529[%dma_start3A_1530, %dma_start3A_1531] : memref<2560x16xf32, #tpu.memory_space<vmem>> -> memref<128x16xf32, #tpu.memory_space<vmem>>
        %dma_start3A_1533 = arith.constant 0 : i32
        %dma_start3A_1534 = tpu.memref_slice %arg5[%rem3A_1357, %dma_start3A_1533] : memref<2x2560xi32, #tpu.memory_space<vmem>> -> memref<1x2560xi32, #tpu.memory_space<vmem>>
        %dma_start3A_1535 = tpu.memref_squeeze %dma_start3A_1534 : memref<1x2560xi32, #tpu.memory_space<vmem>> -> memref<2560xi32, #tpu.memory_space<vmem>>
        %dma_start3A_1536 = arith.constant 1024 : i32
        %dma_start3A_1537 = tpu.memref_slice %dma_start3A_1535[%dma_start3A_1536] : memref<2560xi32, #tpu.memory_space<vmem>> -> memref<128xi32, #tpu.memory_space<vmem>>
        %dma_start3A_1538 = arith.constant 0 : i32
        %dma_start3A_1539 = arith.constant 0 : i32
        %dma_start3A_1540 = tpu.memref_slice %arg3[%select_n3A_1355, %dma_start3A_1538, %dma_start3A_1539] : memref<26x100000x16xf32, #tpu.memory_space<hbm>> -> memref<1x100000x16xf32, #tpu.memory_space<hbm>>
        %dma_start3A_1541 = tpu.memref_squeeze %dma_start3A_1540 : memref<1x100000x16xf32, #tpu.memory_space<hbm>> -> memref<100000x16xf32, #tpu.memory_space<hbm>>
        %dma_start3A_1542 = arith.constant 0 : i32
        %dma_start3A_1543 = arith.constant 0 : i32
        %dma_start3A_1544 = tpu.memref_slice %dma_start3A_1541[%dma_start3A_1542, %dma_start3A_1543] : memref<100000x16xf32, #tpu.memory_space<hbm>> -> memref<100000x16xf32, #tpu.memory_space<hbm>>
        %dma_start3A_1545 = tpu.memref_slice %arg7[%rem3A_655] : memref<3x!tpu.dma_semaphore, #tpu.memory_space<semaphore_mem>> -> memref<1x!tpu.dma_semaphore, #tpu.memory_space<semaphore_mem>>
        %dma_start3A_1546 = tpu.memref_squeeze %dma_start3A_1545 : memref<1x!tpu.dma_semaphore, #tpu.memory_space<semaphore_mem>> -> memref<!tpu.dma_semaphore, #tpu.memory_space<semaphore_mem>>
        tpu.enqueue_indirect_dma source(%dma_start3A_1544 : memref<100000x16xf32, #tpu.memory_space<hbm>>) target(%dma_start3A_1532 : memref<128x16xf32, #tpu.memory_space<vmem>>) offsets(%dma_start3A_1537 : memref<128xi32, #tpu.memory_space<vmem>>) semaphore(%dma_start3A_1546 : memref<!tpu.dma_semaphore, #tpu.memory_space<semaphore_mem>>)
        %dma_start3A_1547 = arith.constant 0 : i32
        %dma_start3A_1548 = arith.constant 0 : i32
        %dma_start3A_1549 = tpu.memref_slice %arg6[%rem3A_655, %dma_start3A_1547, %dma_start3A_1548] : memref<3x2560x16xf32, #tpu.memory_space<vmem>> -> memref<1x2560x16xf32, #tpu.memory_space<vmem>>
        %dma_start3A_1550 = tpu.memref_squeeze %dma_start3A_1549 : memref<1x2560x16xf32, #tpu.memory_space<vmem>> -> memref<2560x16xf32, #tpu.memory_space<vmem>>
        %dma_start3A_1551 = arith.constant 1152 : i32
        %dma_start3A_1552 = arith.constant 0 : i32
        %dma_start3A_1553 = tpu.memref_slice %dma_start3A_1550[%dma_start3A_1551, %dma_start3A_1552] : memref<2560x16xf32, #tpu.memory_space<vmem>> -> memref<128x16xf32, #tpu.memory_space<vmem>>
        %dma_start3A_1554 = arith.constant 0 : i32
        %dma_start3A_1555 = tpu.memref_slice %arg5[%rem3A_1357, %dma_start3A_1554] : memref<2x2560xi32, #tpu.memory_space<vmem>> -> memref<1x2560xi32, #tpu.memory_space<vmem>>
        %dma_start3A_1556 = tpu.memref_squeeze %dma_start3A_1555 : memref<1x2560xi32, #tpu.memory_space<vmem>> -> memref<2560xi32, #tpu.memory_space<vmem>>
        %dma_start3A_1557 = arith.constant 1152 : i32
        %dma_start3A_1558 = tpu.memref_slice %dma_start3A_1556[%dma_start3A_1557] : memref<2560xi32, #tpu.memory_space<vmem>> -> memref<128xi32, #tpu.memory_space<vmem>>
        %dma_start3A_1559 = arith.constant 0 : i32
        %dma_start3A_1560 = arith.constant 0 : i32
        %dma_start3A_1561 = tpu.memref_slice %arg3[%select_n3A_1355, %dma_start3A_1559, %dma_start3A_1560] : memref<26x100000x16xf32, #tpu.memory_space<hbm>> -> memref<1x100000x16xf32, #tpu.memory_space<hbm>>
        %dma_start3A_1562 = tpu.memref_squeeze %dma_start3A_1561 : memref<1x100000x16xf32, #tpu.memory_space<hbm>> -> memref<100000x16xf32, #tpu.memory_space<hbm>>
        %dma_start3A_1563 = arith.constant 0 : i32
        %dma_start3A_1564 = arith.constant 0 : i32
        %dma_start3A_1565 = tpu.memref_slice %dma_start3A_1562[%dma_start3A_1563, %dma_start3A_1564] : memref<100000x16xf32, #tpu.memory_space<hbm>> -> memref<100000x16xf32, #tpu.memory_space<hbm>>
        %dma_start3A_1566 = tpu.memref_slice %arg7[%rem3A_655] : memref<3x!tpu.dma_semaphore, #tpu.memory_space<semaphore_mem>> -> memref<1x!tpu.dma_semaphore, #tpu.memory_space<semaphore_mem>>
        %dma_start3A_1567 = tpu.memref_squeeze %dma_start3A_1566 : memref<1x!tpu.dma_semaphore, #tpu.memory_space<semaphore_mem>> -> memref<!tpu.dma_semaphore, #tpu.memory_space<semaphore_mem>>
        tpu.enqueue_indirect_dma source(%dma_start3A_1565 : memref<100000x16xf32, #tpu.memory_space<hbm>>) target(%dma_start3A_1553 : memref<128x16xf32, #tpu.memory_space<vmem>>) offsets(%dma_start3A_1558 : memref<128xi32, #tpu.memory_space<vmem>>) semaphore(%dma_start3A_1567 : memref<!tpu.dma_semaphore, #tpu.memory_space<semaphore_mem>>)
        %dma_start3A_1568 = arith.constant 0 : i32
        %dma_start3A_1569 = arith.constant 0 : i32
        %dma_start3A_1570 = tpu.memref_slice %arg6[%rem3A_655, %dma_start3A_1568, %dma_start3A_1569] : memref<3x2560x16xf32, #tpu.memory_space<vmem>> -> memref<1x2560x16xf32, #tpu.memory_space<vmem>>
        %dma_start3A_1571 = tpu.memref_squeeze %dma_start3A_1570 : memref<1x2560x16xf32, #tpu.memory_space<vmem>> -> memref<2560x16xf32, #tpu.memory_space<vmem>>
        %dma_start3A_1572 = arith.constant 1280 : i32
        %dma_start3A_1573 = arith.constant 0 : i32
        %dma_start3A_1574 = tpu.memref_slice %dma_start3A_1571[%dma_start3A_1572, %dma_start3A_1573] : memref<2560x16xf32, #tpu.memory_space<vmem>> -> memref<128x16xf32, #tpu.memory_space<vmem>>
        %dma_start3A_1575 = arith.constant 0 : i32
        %dma_start3A_1576 = tpu.memref_slice %arg5[%rem3A_1357, %dma_start3A_1575] : memref<2x2560xi32, #tpu.memory_space<vmem>> -> memref<1x2560xi32, #tpu.memory_space<vmem>>
        %dma_start3A_1577 = tpu.memref_squeeze %dma_start3A_1576 : memref<1x2560xi32, #tpu.memory_space<vmem>> -> memref<2560xi32, #tpu.memory_space<vmem>>
        %dma_start3A_1578 = arith.constant 1280 : i32
        %dma_start3A_1579 = tpu.memref_slice %dma_start3A_1577[%dma_start3A_1578] : memref<2560xi32, #tpu.memory_space<vmem>> -> memref<128xi32, #tpu.memory_space<vmem>>
        %dma_start3A_1580 = arith.constant 0 : i32
        %dma_start3A_1581 = arith.constant 0 : i32
        %dma_start3A_1582 = tpu.memref_slice %arg3[%select_n3A_1355, %dma_start3A_1580, %dma_start3A_1581] : memref<26x100000x16xf32, #tpu.memory_space<hbm>> -> memref<1x100000x16xf32, #tpu.memory_space<hbm>>
        %dma_start3A_1583 = tpu.memref_squeeze %dma_start3A_1582 : memref<1x100000x16xf32, #tpu.memory_space<hbm>> -> memref<100000x16xf32, #tpu.memory_space<hbm>>
        %dma_start3A_1584 = arith.constant 0 : i32
        %dma_start3A_1585 = arith.constant 0 : i32
        %dma_start3A_1586 = tpu.memref_slice %dma_start3A_1583[%dma_start3A_1584, %dma_start3A_1585] : memref<100000x16xf32, #tpu.memory_space<hbm>> -> memref<100000x16xf32, #tpu.memory_space<hbm>>
        %dma_start3A_1587 = tpu.memref_slice %arg7[%rem3A_655] : memref<3x!tpu.dma_semaphore, #tpu.memory_space<semaphore_mem>> -> memref<1x!tpu.dma_semaphore, #tpu.memory_space<semaphore_mem>>
        %dma_start3A_1588 = tpu.memref_squeeze %dma_start3A_1587 : memref<1x!tpu.dma_semaphore, #tpu.memory_space<semaphore_mem>> -> memref<!tpu.dma_semaphore, #tpu.memory_space<semaphore_mem>>
        tpu.enqueue_indirect_dma source(%dma_start3A_1586 : memref<100000x16xf32, #tpu.memory_space<hbm>>) target(%dma_start3A_1574 : memref<128x16xf32, #tpu.memory_space<vmem>>) offsets(%dma_start3A_1579 : memref<128xi32, #tpu.memory_space<vmem>>) semaphore(%dma_start3A_1588 : memref<!tpu.dma_semaphore, #tpu.memory_space<semaphore_mem>>)
        %dma_start3A_1589 = arith.constant 0 : i32
        %dma_start3A_1590 = arith.constant 0 : i32
        %dma_start3A_1591 = tpu.memref_slice %arg6[%rem3A_655, %dma_start3A_1589, %dma_start3A_1590] : memref<3x2560x16xf32, #tpu.memory_space<vmem>> -> memref<1x2560x16xf32, #tpu.memory_space<vmem>>
        %dma_start3A_1592 = tpu.memref_squeeze %dma_start3A_1591 : memref<1x2560x16xf32, #tpu.memory_space<vmem>> -> memref<2560x16xf32, #tpu.memory_space<vmem>>
        %dma_start3A_1593 = arith.constant 1408 : i32
        %dma_start3A_1594 = arith.constant 0 : i32
        %dma_start3A_1595 = tpu.memref_slice %dma_start3A_1592[%dma_start3A_1593, %dma_start3A_1594] : memref<2560x16xf32, #tpu.memory_space<vmem>> -> memref<128x16xf32, #tpu.memory_space<vmem>>
        %dma_start3A_1596 = arith.constant 0 : i32
        %dma_start3A_1597 = tpu.memref_slice %arg5[%rem3A_1357, %dma_start3A_1596] : memref<2x2560xi32, #tpu.memory_space<vmem>> -> memref<1x2560xi32, #tpu.memory_space<vmem>>
        %dma_start3A_1598 = tpu.memref_squeeze %dma_start3A_1597 : memref<1x2560xi32, #tpu.memory_space<vmem>> -> memref<2560xi32, #tpu.memory_space<vmem>>
        %dma_start3A_1599 = arith.constant 1408 : i32
        %dma_start3A_1600 = tpu.memref_slice %dma_start3A_1598[%dma_start3A_1599] : memref<2560xi32, #tpu.memory_space<vmem>> -> memref<128xi32, #tpu.memory_space<vmem>>
        %dma_start3A_1601 = arith.constant 0 : i32
        %dma_start3A_1602 = arith.constant 0 : i32
        %dma_start3A_1603 = tpu.memref_slice %arg3[%select_n3A_1355, %dma_start3A_1601, %dma_start3A_1602] : memref<26x100000x16xf32, #tpu.memory_space<hbm>> -> memref<1x100000x16xf32, #tpu.memory_space<hbm>>
        %dma_start3A_1604 = tpu.memref_squeeze %dma_start3A_1603 : memref<1x100000x16xf32, #tpu.memory_space<hbm>> -> memref<100000x16xf32, #tpu.memory_space<hbm>>
        %dma_start3A_1605 = arith.constant 0 : i32
        %dma_start3A_1606 = arith.constant 0 : i32
        %dma_start3A_1607 = tpu.memref_slice %dma_start3A_1604[%dma_start3A_1605, %dma_start3A_1606] : memref<100000x16xf32, #tpu.memory_space<hbm>> -> memref<100000x16xf32, #tpu.memory_space<hbm>>
        %dma_start3A_1608 = tpu.memref_slice %arg7[%rem3A_655] : memref<3x!tpu.dma_semaphore, #tpu.memory_space<semaphore_mem>> -> memref<1x!tpu.dma_semaphore, #tpu.memory_space<semaphore_mem>>
        %dma_start3A_1609 = tpu.memref_squeeze %dma_start3A_1608 : memref<1x!tpu.dma_semaphore, #tpu.memory_space<semaphore_mem>> -> memref<!tpu.dma_semaphore, #tpu.memory_space<semaphore_mem>>
        tpu.enqueue_indirect_dma source(%dma_start3A_1607 : memref<100000x16xf32, #tpu.memory_space<hbm>>) target(%dma_start3A_1595 : memref<128x16xf32, #tpu.memory_space<vmem>>) offsets(%dma_start3A_1600 : memref<128xi32, #tpu.memory_space<vmem>>) semaphore(%dma_start3A_1609 : memref<!tpu.dma_semaphore, #tpu.memory_space<semaphore_mem>>)
        %dma_start3A_1610 = arith.constant 0 : i32
        %dma_start3A_1611 = arith.constant 0 : i32
        %dma_start3A_1612 = tpu.memref_slice %arg6[%rem3A_655, %dma_start3A_1610, %dma_start3A_1611] : memref<3x2560x16xf32, #tpu.memory_space<vmem>> -> memref<1x2560x16xf32, #tpu.memory_space<vmem>>
        %dma_start3A_1613 = tpu.memref_squeeze %dma_start3A_1612 : memref<1x2560x16xf32, #tpu.memory_space<vmem>> -> memref<2560x16xf32, #tpu.memory_space<vmem>>
        %dma_start3A_1614 = arith.constant 1536 : i32
        %dma_start3A_1615 = arith.constant 0 : i32
        %dma_start3A_1616 = tpu.memref_slice %dma_start3A_1613[%dma_start3A_1614, %dma_start3A_1615] : memref<2560x16xf32, #tpu.memory_space<vmem>> -> memref<128x16xf32, #tpu.memory_space<vmem>>
        %dma_start3A_1617 = arith.constant 0 : i32
        %dma_start3A_1618 = tpu.memref_slice %arg5[%rem3A_1357, %dma_start3A_1617] : memref<2x2560xi32, #tpu.memory_space<vmem>> -> memref<1x2560xi32, #tpu.memory_space<vmem>>
        %dma_start3A_1619 = tpu.memref_squeeze %dma_start3A_1618 : memref<1x2560xi32, #tpu.memory_space<vmem>> -> memref<2560xi32, #tpu.memory_space<vmem>>
        %dma_start3A_1620 = arith.constant 1536 : i32
        %dma_start3A_1621 = tpu.memref_slice %dma_start3A_1619[%dma_start3A_1620] : memref<2560xi32, #tpu.memory_space<vmem>> -> memref<128xi32, #tpu.memory_space<vmem>>
        %dma_start3A_1622 = arith.constant 0 : i32
        %dma_start3A_1623 = arith.constant 0 : i32
        %dma_start3A_1624 = tpu.memref_slice %arg3[%select_n3A_1355, %dma_start3A_1622, %dma_start3A_1623] : memref<26x100000x16xf32, #tpu.memory_space<hbm>> -> memref<1x100000x16xf32, #tpu.memory_space<hbm>>
        %dma_start3A_1625 = tpu.memref_squeeze %dma_start3A_1624 : memref<1x100000x16xf32, #tpu.memory_space<hbm>> -> memref<100000x16xf32, #tpu.memory_space<hbm>>
        %dma_start3A_1626 = arith.constant 0 : i32
        %dma_start3A_1627 = arith.constant 0 : i32
        %dma_start3A_1628 = tpu.memref_slice %dma_start3A_1625[%dma_start3A_1626, %dma_start3A_1627] : memref<100000x16xf32, #tpu.memory_space<hbm>> -> memref<100000x16xf32, #tpu.memory_space<hbm>>
        %dma_start3A_1629 = tpu.memref_slice %arg7[%rem3A_655] : memref<3x!tpu.dma_semaphore, #tpu.memory_space<semaphore_mem>> -> memref<1x!tpu.dma_semaphore, #tpu.memory_space<semaphore_mem>>
        %dma_start3A_1630 = tpu.memref_squeeze %dma_start3A_1629 : memref<1x!tpu.dma_semaphore, #tpu.memory_space<semaphore_mem>> -> memref<!tpu.dma_semaphore, #tpu.memory_space<semaphore_mem>>
        tpu.enqueue_indirect_dma source(%dma_start3A_1628 : memref<100000x16xf32, #tpu.memory_space<hbm>>) target(%dma_start3A_1616 : memref<128x16xf32, #tpu.memory_space<vmem>>) offsets(%dma_start3A_1621 : memref<128xi32, #tpu.memory_space<vmem>>) semaphore(%dma_start3A_1630 : memref<!tpu.dma_semaphore, #tpu.memory_space<semaphore_mem>>)
        %dma_start3A_1631 = arith.constant 0 : i32
        %dma_start3A_1632 = arith.constant 0 : i32
        %dma_start3A_1633 = tpu.memref_slice %arg6[%rem3A_655, %dma_start3A_1631, %dma_start3A_1632] : memref<3x2560x16xf32, #tpu.memory_space<vmem>> -> memref<1x2560x16xf32, #tpu.memory_space<vmem>>
        %dma_start3A_1634 = tpu.memref_squeeze %dma_start3A_1633 : memref<1x2560x16xf32, #tpu.memory_space<vmem>> -> memref<2560x16xf32, #tpu.memory_space<vmem>>
        %dma_start3A_1635 = arith.constant 1664 : i32
        %dma_start3A_1636 = arith.constant 0 : i32
        %dma_start3A_1637 = tpu.memref_slice %dma_start3A_1634[%dma_start3A_1635, %dma_start3A_1636] : memref<2560x16xf32, #tpu.memory_space<vmem>> -> memref<128x16xf32, #tpu.memory_space<vmem>>
        %dma_start3A_1638 = arith.constant 0 : i32
        %dma_start3A_1639 = tpu.memref_slice %arg5[%rem3A_1357, %dma_start3A_1638] : memref<2x2560xi32, #tpu.memory_space<vmem>> -> memref<1x2560xi32, #tpu.memory_space<vmem>>
        %dma_start3A_1640 = tpu.memref_squeeze %dma_start3A_1639 : memref<1x2560xi32, #tpu.memory_space<vmem>> -> memref<2560xi32, #tpu.memory_space<vmem>>
        %dma_start3A_1641 = arith.constant 1664 : i32
        %dma_start3A_1642 = tpu.memref_slice %dma_start3A_1640[%dma_start3A_1641] : memref<2560xi32, #tpu.memory_space<vmem>> -> memref<128xi32, #tpu.memory_space<vmem>>
        %dma_start3A_1643 = arith.constant 0 : i32
        %dma_start3A_1644 = arith.constant 0 : i32
        %dma_start3A_1645 = tpu.memref_slice %arg3[%select_n3A_1355, %dma_start3A_1643, %dma_start3A_1644] : memref<26x100000x16xf32, #tpu.memory_space<hbm>> -> memref<1x100000x16xf32, #tpu.memory_space<hbm>>
        %dma_start3A_1646 = tpu.memref_squeeze %dma_start3A_1645 : memref<1x100000x16xf32, #tpu.memory_space<hbm>> -> memref<100000x16xf32, #tpu.memory_space<hbm>>
        %dma_start3A_1647 = arith.constant 0 : i32
        %dma_start3A_1648 = arith.constant 0 : i32
        %dma_start3A_1649 = tpu.memref_slice %dma_start3A_1646[%dma_start3A_1647, %dma_start3A_1648] : memref<100000x16xf32, #tpu.memory_space<hbm>> -> memref<100000x16xf32, #tpu.memory_space<hbm>>
        %dma_start3A_1650 = tpu.memref_slice %arg7[%rem3A_655] : memref<3x!tpu.dma_semaphore, #tpu.memory_space<semaphore_mem>> -> memref<1x!tpu.dma_semaphore, #tpu.memory_space<semaphore_mem>>
        %dma_start3A_1651 = tpu.memref_squeeze %dma_start3A_1650 : memref<1x!tpu.dma_semaphore, #tpu.memory_space<semaphore_mem>> -> memref<!tpu.dma_semaphore, #tpu.memory_space<semaphore_mem>>
        tpu.enqueue_indirect_dma source(%dma_start3A_1649 : memref<100000x16xf32, #tpu.memory_space<hbm>>) target(%dma_start3A_1637 : memref<128x16xf32, #tpu.memory_space<vmem>>) offsets(%dma_start3A_1642 : memref<128xi32, #tpu.memory_space<vmem>>) semaphore(%dma_start3A_1651 : memref<!tpu.dma_semaphore, #tpu.memory_space<semaphore_mem>>)
        %dma_start3A_1652 = arith.constant 0 : i32
        %dma_start3A_1653 = arith.constant 0 : i32
        %dma_start3A_1654 = tpu.memref_slice %arg6[%rem3A_655, %dma_start3A_1652, %dma_start3A_1653] : memref<3x2560x16xf32, #tpu.memory_space<vmem>> -> memref<1x2560x16xf32, #tpu.memory_space<vmem>>
        %dma_start3A_1655 = tpu.memref_squeeze %dma_start3A_1654 : memref<1x2560x16xf32, #tpu.memory_space<vmem>> -> memref<2560x16xf32, #tpu.memory_space<vmem>>
        %dma_start3A_1656 = arith.constant 1792 : i32
        %dma_start3A_1657 = arith.constant 0 : i32
        %dma_start3A_1658 = tpu.memref_slice %dma_start3A_1655[%dma_start3A_1656, %dma_start3A_1657] : memref<2560x16xf32, #tpu.memory_space<vmem>> -> memref<128x16xf32, #tpu.memory_space<vmem>>
        %dma_start3A_1659 = arith.constant 0 : i32
        %dma_start3A_1660 = tpu.memref_slice %arg5[%rem3A_1357, %dma_start3A_1659] : memref<2x2560xi32, #tpu.memory_space<vmem>> -> memref<1x2560xi32, #tpu.memory_space<vmem>>
        %dma_start3A_1661 = tpu.memref_squeeze %dma_start3A_1660 : memref<1x2560xi32, #tpu.memory_space<vmem>> -> memref<2560xi32, #tpu.memory_space<vmem>>
        %dma_start3A_1662 = arith.constant 1792 : i32
        %dma_start3A_1663 = tpu.memref_slice %dma_start3A_1661[%dma_start3A_1662] : memref<2560xi32, #tpu.memory_space<vmem>> -> memref<128xi32, #tpu.memory_space<vmem>>
        %dma_start3A_1664 = arith.constant 0 : i32
        %dma_start3A_1665 = arith.constant 0 : i32
        %dma_start3A_1666 = tpu.memref_slice %arg3[%select_n3A_1355, %dma_start3A_1664, %dma_start3A_1665] : memref<26x100000x16xf32, #tpu.memory_space<hbm>> -> memref<1x100000x16xf32, #tpu.memory_space<hbm>>
        %dma_start3A_1667 = tpu.memref_squeeze %dma_start3A_1666 : memref<1x100000x16xf32, #tpu.memory_space<hbm>> -> memref<100000x16xf32, #tpu.memory_space<hbm>>
        %dma_start3A_1668 = arith.constant 0 : i32
        %dma_start3A_1669 = arith.constant 0 : i32
        %dma_start3A_1670 = tpu.memref_slice %dma_start3A_1667[%dma_start3A_1668, %dma_start3A_1669] : memref<100000x16xf32, #tpu.memory_space<hbm>> -> memref<100000x16xf32, #tpu.memory_space<hbm>>
        %dma_start3A_1671 = tpu.memref_slice %arg7[%rem3A_655] : memref<3x!tpu.dma_semaphore, #tpu.memory_space<semaphore_mem>> -> memref<1x!tpu.dma_semaphore, #tpu.memory_space<semaphore_mem>>
        %dma_start3A_1672 = tpu.memref_squeeze %dma_start3A_1671 : memref<1x!tpu.dma_semaphore, #tpu.memory_space<semaphore_mem>> -> memref<!tpu.dma_semaphore, #tpu.memory_space<semaphore_mem>>
        tpu.enqueue_indirect_dma source(%dma_start3A_1670 : memref<100000x16xf32, #tpu.memory_space<hbm>>) target(%dma_start3A_1658 : memref<128x16xf32, #tpu.memory_space<vmem>>) offsets(%dma_start3A_1663 : memref<128xi32, #tpu.memory_space<vmem>>) semaphore(%dma_start3A_1672 : memref<!tpu.dma_semaphore, #tpu.memory_space<semaphore_mem>>)
        %dma_start3A_1673 = arith.constant 0 : i32
        %dma_start3A_1674 = arith.constant 0 : i32
        %dma_start3A_1675 = tpu.memref_slice %arg6[%rem3A_655, %dma_start3A_1673, %dma_start3A_1674] : memref<3x2560x16xf32, #tpu.memory_space<vmem>> -> memref<1x2560x16xf32, #tpu.memory_space<vmem>>
        %dma_start3A_1676 = tpu.memref_squeeze %dma_start3A_1675 : memref<1x2560x16xf32, #tpu.memory_space<vmem>> -> memref<2560x16xf32, #tpu.memory_space<vmem>>
        %dma_start3A_1677 = arith.constant 1920 : i32
        %dma_start3A_1678 = arith.constant 0 : i32
        %dma_start3A_1679 = tpu.memref_slice %dma_start3A_1676[%dma_start3A_1677, %dma_start3A_1678] : memref<2560x16xf32, #tpu.memory_space<vmem>> -> memref<128x16xf32, #tpu.memory_space<vmem>>
        %dma_start3A_1680 = arith.constant 0 : i32
        %dma_start3A_1681 = tpu.memref_slice %arg5[%rem3A_1357, %dma_start3A_1680] : memref<2x2560xi32, #tpu.memory_space<vmem>> -> memref<1x2560xi32, #tpu.memory_space<vmem>>
        %dma_start3A_1682 = tpu.memref_squeeze %dma_start3A_1681 : memref<1x2560xi32, #tpu.memory_space<vmem>> -> memref<2560xi32, #tpu.memory_space<vmem>>
        %dma_start3A_1683 = arith.constant 1920 : i32
        %dma_start3A_1684 = tpu.memref_slice %dma_start3A_1682[%dma_start3A_1683] : memref<2560xi32, #tpu.memory_space<vmem>> -> memref<128xi32, #tpu.memory_space<vmem>>
        %dma_start3A_1685 = arith.constant 0 : i32
        %dma_start3A_1686 = arith.constant 0 : i32
        %dma_start3A_1687 = tpu.memref_slice %arg3[%select_n3A_1355, %dma_start3A_1685, %dma_start3A_1686] : memref<26x100000x16xf32, #tpu.memory_space<hbm>> -> memref<1x100000x16xf32, #tpu.memory_space<hbm>>
        %dma_start3A_1688 = tpu.memref_squeeze %dma_start3A_1687 : memref<1x100000x16xf32, #tpu.memory_space<hbm>> -> memref<100000x16xf32, #tpu.memory_space<hbm>>
        %dma_start3A_1689 = arith.constant 0 : i32
        %dma_start3A_1690 = arith.constant 0 : i32
        %dma_start3A_1691 = tpu.memref_slice %dma_start3A_1688[%dma_start3A_1689, %dma_start3A_1690] : memref<100000x16xf32, #tpu.memory_space<hbm>> -> memref<100000x16xf32, #tpu.memory_space<hbm>>
        %dma_start3A_1692 = tpu.memref_slice %arg7[%rem3A_655] : memref<3x!tpu.dma_semaphore, #tpu.memory_space<semaphore_mem>> -> memref<1x!tpu.dma_semaphore, #tpu.memory_space<semaphore_mem>>
        %dma_start3A_1693 = tpu.memref_squeeze %dma_start3A_1692 : memref<1x!tpu.dma_semaphore, #tpu.memory_space<semaphore_mem>> -> memref<!tpu.dma_semaphore, #tpu.memory_space<semaphore_mem>>
        tpu.enqueue_indirect_dma source(%dma_start3A_1691 : memref<100000x16xf32, #tpu.memory_space<hbm>>) target(%dma_start3A_1679 : memref<128x16xf32, #tpu.memory_space<vmem>>) offsets(%dma_start3A_1684 : memref<128xi32, #tpu.memory_space<vmem>>) semaphore(%dma_start3A_1693 : memref<!tpu.dma_semaphore, #tpu.memory_space<semaphore_mem>>)
        %dma_start3A_1694 = arith.constant 0 : i32
        %dma_start3A_1695 = arith.constant 0 : i32
        %dma_start3A_1696 = tpu.memref_slice %arg6[%rem3A_655, %dma_start3A_1694, %dma_start3A_1695] : memref<3x2560x16xf32, #tpu.memory_space<vmem>> -> memref<1x2560x16xf32, #tpu.memory_space<vmem>>
        %dma_start3A_1697 = tpu.memref_squeeze %dma_start3A_1696 : memref<1x2560x16xf32, #tpu.memory_space<vmem>> -> memref<2560x16xf32, #tpu.memory_space<vmem>>
        %dma_start3A_1698 = arith.constant 2048 : i32
        %dma_start3A_1699 = arith.constant 0 : i32
        %dma_start3A_1700 = tpu.memref_slice %dma_start3A_1697[%dma_start3A_1698, %dma_start3A_1699] : memref<2560x16xf32, #tpu.memory_space<vmem>> -> memref<128x16xf32, #tpu.memory_space<vmem>>
        %dma_start3A_1701 = arith.constant 0 : i32
        %dma_start3A_1702 = tpu.memref_slice %arg5[%rem3A_1357, %dma_start3A_1701] : memref<2x2560xi32, #tpu.memory_space<vmem>> -> memref<1x2560xi32, #tpu.memory_space<vmem>>
        %dma_start3A_1703 = tpu.memref_squeeze %dma_start3A_1702 : memref<1x2560xi32, #tpu.memory_space<vmem>> -> memref<2560xi32, #tpu.memory_space<vmem>>
        %dma_start3A_1704 = arith.constant 2048 : i32
        %dma_start3A_1705 = tpu.memref_slice %dma_start3A_1703[%dma_start3A_1704] : memref<2560xi32, #tpu.memory_space<vmem>> -> memref<128xi32, #tpu.memory_space<vmem>>
        %dma_start3A_1706 = arith.constant 0 : i32
        %dma_start3A_1707 = arith.constant 0 : i32
        %dma_start3A_1708 = tpu.memref_slice %arg3[%select_n3A_1355, %dma_start3A_1706, %dma_start3A_1707] : memref<26x100000x16xf32, #tpu.memory_space<hbm>> -> memref<1x100000x16xf32, #tpu.memory_space<hbm>>
        %dma_start3A_1709 = tpu.memref_squeeze %dma_start3A_1708 : memref<1x100000x16xf32, #tpu.memory_space<hbm>> -> memref<100000x16xf32, #tpu.memory_space<hbm>>
        %dma_start3A_1710 = arith.constant 0 : i32
        %dma_start3A_1711 = arith.constant 0 : i32
        %dma_start3A_1712 = tpu.memref_slice %dma_start3A_1709[%dma_start3A_1710, %dma_start3A_1711] : memref<100000x16xf32, #tpu.memory_space<hbm>> -> memref<100000x16xf32, #tpu.memory_space<hbm>>
        %dma_start3A_1713 = tpu.memref_slice %arg7[%rem3A_655] : memref<3x!tpu.dma_semaphore, #tpu.memory_space<semaphore_mem>> -> memref<1x!tpu.dma_semaphore, #tpu.memory_space<semaphore_mem>>
        %dma_start3A_1714 = tpu.memref_squeeze %dma_start3A_1713 : memref<1x!tpu.dma_semaphore, #tpu.memory_space<semaphore_mem>> -> memref<!tpu.dma_semaphore, #tpu.memory_space<semaphore_mem>>
        tpu.enqueue_indirect_dma source(%dma_start3A_1712 : memref<100000x16xf32, #tpu.memory_space<hbm>>) target(%dma_start3A_1700 : memref<128x16xf32, #tpu.memory_space<vmem>>) offsets(%dma_start3A_1705 : memref<128xi32, #tpu.memory_space<vmem>>) semaphore(%dma_start3A_1714 : memref<!tpu.dma_semaphore, #tpu.memory_space<semaphore_mem>>)
        %dma_start3A_1715 = arith.constant 0 : i32
        %dma_start3A_1716 = arith.constant 0 : i32
        %dma_start3A_1717 = tpu.memref_slice %arg6[%rem3A_655, %dma_start3A_1715, %dma_start3A_1716] : memref<3x2560x16xf32, #tpu.memory_space<vmem>> -> memref<1x2560x16xf32, #tpu.memory_space<vmem>>
        %dma_start3A_1718 = tpu.memref_squeeze %dma_start3A_1717 : memref<1x2560x16xf32, #tpu.memory_space<vmem>> -> memref<2560x16xf32, #tpu.memory_space<vmem>>
        %dma_start3A_1719 = arith.constant 2176 : i32
        %dma_start3A_1720 = arith.constant 0 : i32
        %dma_start3A_1721 = tpu.memref_slice %dma_start3A_1718[%dma_start3A_1719, %dma_start3A_1720] : memref<2560x16xf32, #tpu.memory_space<vmem>> -> memref<128x16xf32, #tpu.memory_space<vmem>>
        %dma_start3A_1722 = arith.constant 0 : i32
        %dma_start3A_1723 = tpu.memref_slice %arg5[%rem3A_1357, %dma_start3A_1722] : memref<2x2560xi32, #tpu.memory_space<vmem>> -> memref<1x2560xi32, #tpu.memory_space<vmem>>
        %dma_start3A_1724 = tpu.memref_squeeze %dma_start3A_1723 : memref<1x2560xi32, #tpu.memory_space<vmem>> -> memref<2560xi32, #tpu.memory_space<vmem>>
        %dma_start3A_1725 = arith.constant 2176 : i32
        %dma_start3A_1726 = tpu.memref_slice %dma_start3A_1724[%dma_start3A_1725] : memref<2560xi32, #tpu.memory_space<vmem>> -> memref<128xi32, #tpu.memory_space<vmem>>
        %dma_start3A_1727 = arith.constant 0 : i32
        %dma_start3A_1728 = arith.constant 0 : i32
        %dma_start3A_1729 = tpu.memref_slice %arg3[%select_n3A_1355, %dma_start3A_1727, %dma_start3A_1728] : memref<26x100000x16xf32, #tpu.memory_space<hbm>> -> memref<1x100000x16xf32, #tpu.memory_space<hbm>>
        %dma_start3A_1730 = tpu.memref_squeeze %dma_start3A_1729 : memref<1x100000x16xf32, #tpu.memory_space<hbm>> -> memref<100000x16xf32, #tpu.memory_space<hbm>>
        %dma_start3A_1731 = arith.constant 0 : i32
        %dma_start3A_1732 = arith.constant 0 : i32
        %dma_start3A_1733 = tpu.memref_slice %dma_start3A_1730[%dma_start3A_1731, %dma_start3A_1732] : memref<100000x16xf32, #tpu.memory_space<hbm>> -> memref<100000x16xf32, #tpu.memory_space<hbm>>
        %dma_start3A_1734 = tpu.memref_slice %arg7[%rem3A_655] : memref<3x!tpu.dma_semaphore, #tpu.memory_space<semaphore_mem>> -> memref<1x!tpu.dma_semaphore, #tpu.memory_space<semaphore_mem>>
        %dma_start3A_1735 = tpu.memref_squeeze %dma_start3A_1734 : memref<1x!tpu.dma_semaphore, #tpu.memory_space<semaphore_mem>> -> memref<!tpu.dma_semaphore, #tpu.memory_space<semaphore_mem>>
        tpu.enqueue_indirect_dma source(%dma_start3A_1733 : memref<100000x16xf32, #tpu.memory_space<hbm>>) target(%dma_start3A_1721 : memref<128x16xf32, #tpu.memory_space<vmem>>) offsets(%dma_start3A_1726 : memref<128xi32, #tpu.memory_space<vmem>>) semaphore(%dma_start3A_1735 : memref<!tpu.dma_semaphore, #tpu.memory_space<semaphore_mem>>)
        %dma_start3A_1736 = arith.constant 0 : i32
        %dma_start3A_1737 = arith.constant 0 : i32
        %dma_start3A_1738 = tpu.memref_slice %arg6[%rem3A_655, %dma_start3A_1736, %dma_start3A_1737] : memref<3x2560x16xf32, #tpu.memory_space<vmem>> -> memref<1x2560x16xf32, #tpu.memory_space<vmem>>
        %dma_start3A_1739 = tpu.memref_squeeze %dma_start3A_1738 : memref<1x2560x16xf32, #tpu.memory_space<vmem>> -> memref<2560x16xf32, #tpu.memory_space<vmem>>
        %dma_start3A_1740 = arith.constant 2304 : i32
        %dma_start3A_1741 = arith.constant 0 : i32
        %dma_start3A_1742 = tpu.memref_slice %dma_start3A_1739[%dma_start3A_1740, %dma_start3A_1741] : memref<2560x16xf32, #tpu.memory_space<vmem>> -> memref<128x16xf32, #tpu.memory_space<vmem>>
        %dma_start3A_1743 = arith.constant 0 : i32
        %dma_start3A_1744 = tpu.memref_slice %arg5[%rem3A_1357, %dma_start3A_1743] : memref<2x2560xi32, #tpu.memory_space<vmem>> -> memref<1x2560xi32, #tpu.memory_space<vmem>>
        %dma_start3A_1745 = tpu.memref_squeeze %dma_start3A_1744 : memref<1x2560xi32, #tpu.memory_space<vmem>> -> memref<2560xi32, #tpu.memory_space<vmem>>
        %dma_start3A_1746 = arith.constant 2304 : i32
        %dma_start3A_1747 = tpu.memref_slice %dma_start3A_1745[%dma_start3A_1746] : memref<2560xi32, #tpu.memory_space<vmem>> -> memref<128xi32, #tpu.memory_space<vmem>>
        %dma_start3A_1748 = arith.constant 0 : i32
        %dma_start3A_1749 = arith.constant 0 : i32
        %dma_start3A_1750 = tpu.memref_slice %arg3[%select_n3A_1355, %dma_start3A_1748, %dma_start3A_1749] : memref<26x100000x16xf32, #tpu.memory_space<hbm>> -> memref<1x100000x16xf32, #tpu.memory_space<hbm>>
        %dma_start3A_1751 = tpu.memref_squeeze %dma_start3A_1750 : memref<1x100000x16xf32, #tpu.memory_space<hbm>> -> memref<100000x16xf32, #tpu.memory_space<hbm>>
        %dma_start3A_1752 = arith.constant 0 : i32
        %dma_start3A_1753 = arith.constant 0 : i32
        %dma_start3A_1754 = tpu.memref_slice %dma_start3A_1751[%dma_start3A_1752, %dma_start3A_1753] : memref<100000x16xf32, #tpu.memory_space<hbm>> -> memref<100000x16xf32, #tpu.memory_space<hbm>>
        %dma_start3A_1755 = tpu.memref_slice %arg7[%rem3A_655] : memref<3x!tpu.dma_semaphore, #tpu.memory_space<semaphore_mem>> -> memref<1x!tpu.dma_semaphore, #tpu.memory_space<semaphore_mem>>
        %dma_start3A_1756 = tpu.memref_squeeze %dma_start3A_1755 : memref<1x!tpu.dma_semaphore, #tpu.memory_space<semaphore_mem>> -> memref<!tpu.dma_semaphore, #tpu.memory_space<semaphore_mem>>
        tpu.enqueue_indirect_dma source(%dma_start3A_1754 : memref<100000x16xf32, #tpu.memory_space<hbm>>) target(%dma_start3A_1742 : memref<128x16xf32, #tpu.memory_space<vmem>>) offsets(%dma_start3A_1747 : memref<128xi32, #tpu.memory_space<vmem>>) semaphore(%dma_start3A_1756 : memref<!tpu.dma_semaphore, #tpu.memory_space<semaphore_mem>>)
        %dma_start3A_1757 = arith.constant 0 : i32
        %dma_start3A_1758 = arith.constant 0 : i32
        %dma_start3A_1759 = tpu.memref_slice %arg6[%rem3A_655, %dma_start3A_1757, %dma_start3A_1758] : memref<3x2560x16xf32, #tpu.memory_space<vmem>> -> memref<1x2560x16xf32, #tpu.memory_space<vmem>>
        %dma_start3A_1760 = tpu.memref_squeeze %dma_start3A_1759 : memref<1x2560x16xf32, #tpu.memory_space<vmem>> -> memref<2560x16xf32, #tpu.memory_space<vmem>>
        %dma_start3A_1761 = arith.constant 2432 : i32
        %dma_start3A_1762 = arith.constant 0 : i32
        %dma_start3A_1763 = tpu.memref_slice %dma_start3A_1760[%dma_start3A_1761, %dma_start3A_1762] : memref<2560x16xf32, #tpu.memory_space<vmem>> -> memref<128x16xf32, #tpu.memory_space<vmem>>
        %dma_start3A_1764 = arith.constant 0 : i32
        %dma_start3A_1765 = tpu.memref_slice %arg5[%rem3A_1357, %dma_start3A_1764] : memref<2x2560xi32, #tpu.memory_space<vmem>> -> memref<1x2560xi32, #tpu.memory_space<vmem>>
        %dma_start3A_1766 = tpu.memref_squeeze %dma_start3A_1765 : memref<1x2560xi32, #tpu.memory_space<vmem>> -> memref<2560xi32, #tpu.memory_space<vmem>>
        %dma_start3A_1767 = arith.constant 2432 : i32
        %dma_start3A_1768 = tpu.memref_slice %dma_start3A_1766[%dma_start3A_1767] : memref<2560xi32, #tpu.memory_space<vmem>> -> memref<128xi32, #tpu.memory_space<vmem>>
        %dma_start3A_1769 = arith.constant 0 : i32
        %dma_start3A_1770 = arith.constant 0 : i32
        %dma_start3A_1771 = tpu.memref_slice %arg3[%select_n3A_1355, %dma_start3A_1769, %dma_start3A_1770] : memref<26x100000x16xf32, #tpu.memory_space<hbm>> -> memref<1x100000x16xf32, #tpu.memory_space<hbm>>
        %dma_start3A_1772 = tpu.memref_squeeze %dma_start3A_1771 : memref<1x100000x16xf32, #tpu.memory_space<hbm>> -> memref<100000x16xf32, #tpu.memory_space<hbm>>
        %dma_start3A_1773 = arith.constant 0 : i32
        %dma_start3A_1774 = arith.constant 0 : i32
        %dma_start3A_1775 = tpu.memref_slice %dma_start3A_1772[%dma_start3A_1773, %dma_start3A_1774] : memref<100000x16xf32, #tpu.memory_space<hbm>> -> memref<100000x16xf32, #tpu.memory_space<hbm>>
        %dma_start3A_1776 = tpu.memref_slice %arg7[%rem3A_655] : memref<3x!tpu.dma_semaphore, #tpu.memory_space<semaphore_mem>> -> memref<1x!tpu.dma_semaphore, #tpu.memory_space<semaphore_mem>>
        %dma_start3A_1777 = tpu.memref_squeeze %dma_start3A_1776 : memref<1x!tpu.dma_semaphore, #tpu.memory_space<semaphore_mem>> -> memref<!tpu.dma_semaphore, #tpu.memory_space<semaphore_mem>>
        tpu.enqueue_indirect_dma source(%dma_start3A_1775 : memref<100000x16xf32, #tpu.memory_space<hbm>>) target(%dma_start3A_1763 : memref<128x16xf32, #tpu.memory_space<vmem>>) offsets(%dma_start3A_1768 : memref<128xi32, #tpu.memory_space<vmem>>) semaphore(%dma_start3A_1777 : memref<!tpu.dma_semaphore, #tpu.memory_space<semaphore_mem>>)
      } else {
      }
      %dma_wait3A_661 = arith.constant 0 : i32
      %dma_wait3A_662 = arith.constant 0 : i32
      %dma_wait3A_663 = arith.constant 0 : i32
      %dma_wait3A_664 = tpu.memref_slice %arg6[%rem3A_651, %dma_wait3A_662, %dma_wait3A_663] : memref<3x2560x16xf32, #tpu.memory_space<vmem>> -> memref<1x2560x16xf32, #tpu.memory_space<vmem>>
      %dma_wait3A_665 = tpu.memref_squeeze %dma_wait3A_664 : memref<1x2560x16xf32, #tpu.memory_space<vmem>> -> memref<2560x16xf32, #tpu.memory_space<vmem>>
      %dma_wait3A_666 = arith.constant 0 : i32
      %dma_wait3A_667 = arith.constant 0 : i32
      %dma_wait3A_668 = tpu.memref_slice %dma_wait3A_665[%dma_wait3A_666, %dma_wait3A_667] : memref<2560x16xf32, #tpu.memory_space<vmem>> -> memref<128x16xf32, #tpu.memory_space<vmem>>
      %dma_wait3A_669 = arith.constant 0 : i32
      %dma_wait3A_670 = arith.constant 0 : i32
      %dma_wait3A_671 = tpu.memref_slice %arg3[%dma_wait3A_661, %dma_wait3A_669, %dma_wait3A_670] : memref<26x100000x16xf32, #tpu.memory_space<hbm>> -> memref<1x100000x16xf32, #tpu.memory_space<hbm>>
      %dma_wait3A_672 = tpu.memref_squeeze %dma_wait3A_671 : memref<1x100000x16xf32, #tpu.memory_space<hbm>> -> memref<100000x16xf32, #tpu.memory_space<hbm>>
      %dma_wait3A_673 = arith.constant 0 : i32
      %dma_wait3A_674 = arith.constant 0 : i32
      %dma_wait3A_675 = tpu.memref_slice %dma_wait3A_672[%dma_wait3A_673, %dma_wait3A_674] : memref<100000x16xf32, #tpu.memory_space<hbm>> -> memref<128x16xf32, #tpu.memory_space<hbm>>
      %dma_wait3A_676 = tpu.memref_slice %arg7[%rem3A_651] : memref<3x!tpu.dma_semaphore, #tpu.memory_space<semaphore_mem>> -> memref<1x!tpu.dma_semaphore, #tpu.memory_space<semaphore_mem>>
      %dma_wait3A_677 = tpu.memref_squeeze %dma_wait3A_676 : memref<1x!tpu.dma_semaphore, #tpu.memory_space<semaphore_mem>> -> memref<!tpu.dma_semaphore, #tpu.memory_space<semaphore_mem>>
      %dma_wait3A_678 = arith.constant 0 : i32
      %dma_wait3A_679 = arith.constant 0 : i32
      %dma_wait3A_680 = tpu.memref_slice %arg6[%rem3A_651, %dma_wait3A_678, %dma_wait3A_679] : memref<3x2560x16xf32, #tpu.memory_space<vmem>> -> memref<1x2560x16xf32, #tpu.memory_space<vmem>>
      %dma_wait3A_681 = tpu.memref_squeeze %dma_wait3A_680 : memref<1x2560x16xf32, #tpu.memory_space<vmem>> -> memref<2560x16xf32, #tpu.memory_space<vmem>>
      %dma_wait3A_682 = arith.constant 0 : i32
      %dma_wait3A_683 = arith.constant 0 : i32
      %dma_wait3A_684 = tpu.memref_slice %dma_wait3A_681[%dma_wait3A_682, %dma_wait3A_683] : memref<2560x16xf32, #tpu.memory_space<vmem>> -> memref<128x16xf32, #tpu.memory_space<vmem>>
      %dma_wait3A_685 = arith.constant 0 : i32
      %dma_wait3A_686 = arith.constant 0 : i32
      %dma_wait3A_687 = tpu.memref_slice %arg3[%dma_wait3A_661, %dma_wait3A_685, %dma_wait3A_686] : memref<26x100000x16xf32, #tpu.memory_space<hbm>> -> memref<1x100000x16xf32, #tpu.memory_space<hbm>>
      %dma_wait3A_688 = tpu.memref_squeeze %dma_wait3A_687 : memref<1x100000x16xf32, #tpu.memory_space<hbm>> -> memref<100000x16xf32, #tpu.memory_space<hbm>>
      %dma_wait3A_689 = arith.constant 0 : i32
      %dma_wait3A_690 = arith.constant 0 : i32
      %dma_wait3A_691 = tpu.memref_slice %dma_wait3A_688[%dma_wait3A_689, %dma_wait3A_690] : memref<100000x16xf32, #tpu.memory_space<hbm>> -> memref<128x16xf32, #tpu.memory_space<hbm>>
      tpu.wait_dma2 semaphore(%dma_wait3A_677 : memref<!tpu.dma_semaphore, #tpu.memory_space<semaphore_mem>>) src(%dma_wait3A_691 : memref<128x16xf32, #tpu.memory_space<hbm>>) dst(%dma_wait3A_684 : memref<128x16xf32, #tpu.memory_space<vmem>>)
      %dma_wait3A_692 = arith.constant 0 : i32
      %dma_wait3A_693 = arith.constant 0 : i32
      %dma_wait3A_694 = arith.constant 0 : i32
      %dma_wait3A_695 = tpu.memref_slice %arg6[%rem3A_651, %dma_wait3A_693, %dma_wait3A_694] : memref<3x2560x16xf32, #tpu.memory_space<vmem>> -> memref<1x2560x16xf32, #tpu.memory_space<vmem>>
      %dma_wait3A_696 = tpu.memref_squeeze %dma_wait3A_695 : memref<1x2560x16xf32, #tpu.memory_space<vmem>> -> memref<2560x16xf32, #tpu.memory_space<vmem>>
      %dma_wait3A_697 = arith.constant 128 : i32
      %dma_wait3A_698 = arith.constant 0 : i32
      %dma_wait3A_699 = tpu.memref_slice %dma_wait3A_696[%dma_wait3A_697, %dma_wait3A_698] : memref<2560x16xf32, #tpu.memory_space<vmem>> -> memref<128x16xf32, #tpu.memory_space<vmem>>
      %dma_wait3A_700 = arith.constant 0 : i32
      %dma_wait3A_701 = arith.constant 0 : i32
      %dma_wait3A_702 = tpu.memref_slice %arg3[%dma_wait3A_692, %dma_wait3A_700, %dma_wait3A_701] : memref<26x100000x16xf32, #tpu.memory_space<hbm>> -> memref<1x100000x16xf32, #tpu.memory_space<hbm>>
      %dma_wait3A_703 = tpu.memref_squeeze %dma_wait3A_702 : memref<1x100000x16xf32, #tpu.memory_space<hbm>> -> memref<100000x16xf32, #tpu.memory_space<hbm>>
      %dma_wait3A_704 = arith.constant 0 : i32
      %dma_wait3A_705 = arith.constant 0 : i32
      %dma_wait3A_706 = tpu.memref_slice %dma_wait3A_703[%dma_wait3A_704, %dma_wait3A_705] : memref<100000x16xf32, #tpu.memory_space<hbm>> -> memref<128x16xf32, #tpu.memory_space<hbm>>
      %dma_wait3A_707 = tpu.memref_slice %arg7[%rem3A_651] : memref<3x!tpu.dma_semaphore, #tpu.memory_space<semaphore_mem>> -> memref<1x!tpu.dma_semaphore, #tpu.memory_space<semaphore_mem>>
      %dma_wait3A_708 = tpu.memref_squeeze %dma_wait3A_707 : memref<1x!tpu.dma_semaphore, #tpu.memory_space<semaphore_mem>> -> memref<!tpu.dma_semaphore, #tpu.memory_space<semaphore_mem>>
      %dma_wait3A_709 = arith.constant 0 : i32
      %dma_wait3A_710 = arith.constant 0 : i32
      %dma_wait3A_711 = tpu.memref_slice %arg6[%rem3A_651, %dma_wait3A_709, %dma_wait3A_710] : memref<3x2560x16xf32, #tpu.memory_space<vmem>> -> memref<1x2560x16xf32, #tpu.memory_space<vmem>>
      %dma_wait3A_712 = tpu.memref_squeeze %dma_wait3A_711 : memref<1x2560x16xf32, #tpu.memory_space<vmem>> -> memref<2560x16xf32, #tpu.memory_space<vmem>>
      %dma_wait3A_713 = arith.constant 128 : i32
      %dma_wait3A_714 = arith.constant 0 : i32
      %dma_wait3A_715 = tpu.memref_slice %dma_wait3A_712[%dma_wait3A_713, %dma_wait3A_714] : memref<2560x16xf32, #tpu.memory_space<vmem>> -> memref<128x16xf32, #tpu.memory_space<vmem>>
      %dma_wait3A_716 = arith.constant 0 : i32
      %dma_wait3A_717 = arith.constant 0 : i32
      %dma_wait3A_718 = tpu.memref_slice %arg3[%dma_wait3A_692, %dma_wait3A_716, %dma_wait3A_717] : memref<26x100000x16xf32, #tpu.memory_space<hbm>> -> memref<1x100000x16xf32, #tpu.memory_space<hbm>>
      %dma_wait3A_719 = tpu.memref_squeeze %dma_wait3A_718 : memref<1x100000x16xf32, #tpu.memory_space<hbm>> -> memref<100000x16xf32, #tpu.memory_space<hbm>>
      %dma_wait3A_720 = arith.constant 0 : i32
      %dma_wait3A_721 = arith.constant 0 : i32
      %dma_wait3A_722 = tpu.memref_slice %dma_wait3A_719[%dma_wait3A_720, %dma_wait3A_721] : memref<100000x16xf32, #tpu.memory_space<hbm>> -> memref<128x16xf32, #tpu.memory_space<hbm>>
      tpu.wait_dma2 semaphore(%dma_wait3A_708 : memref<!tpu.dma_semaphore, #tpu.memory_space<semaphore_mem>>) src(%dma_wait3A_722 : memref<128x16xf32, #tpu.memory_space<hbm>>) dst(%dma_wait3A_715 : memref<128x16xf32, #tpu.memory_space<vmem>>)
      %dma_wait3A_723 = arith.constant 0 : i32
      %dma_wait3A_724 = arith.constant 0 : i32
      %dma_wait3A_725 = arith.constant 0 : i32
      %dma_wait3A_726 = tpu.memref_slice %arg6[%rem3A_651, %dma_wait3A_724, %dma_wait3A_725] : memref<3x2560x16xf32, #tpu.memory_space<vmem>> -> memref<1x2560x16xf32, #tpu.memory_space<vmem>>
      %dma_wait3A_727 = tpu.memref_squeeze %dma_wait3A_726 : memref<1x2560x16xf32, #tpu.memory_space<vmem>> -> memref<2560x16xf32, #tpu.memory_space<vmem>>
      %dma_wait3A_728 = arith.constant 256 : i32
      %dma_wait3A_729 = arith.constant 0 : i32
      %dma_wait3A_730 = tpu.memref_slice %dma_wait3A_727[%dma_wait3A_728, %dma_wait3A_729] : memref<2560x16xf32, #tpu.memory_space<vmem>> -> memref<128x16xf32, #tpu.memory_space<vmem>>
      %dma_wait3A_731 = arith.constant 0 : i32
      %dma_wait3A_732 = arith.constant 0 : i32
      %dma_wait3A_733 = tpu.memref_slice %arg3[%dma_wait3A_723, %dma_wait3A_731, %dma_wait3A_732] : memref<26x100000x16xf32, #tpu.memory_space<hbm>> -> memref<1x100000x16xf32, #tpu.memory_space<hbm>>
      %dma_wait3A_734 = tpu.memref_squeeze %dma_wait3A_733 : memref<1x100000x16xf32, #tpu.memory_space<hbm>> -> memref<100000x16xf32, #tpu.memory_space<hbm>>
      %dma_wait3A_735 = arith.constant 0 : i32
      %dma_wait3A_736 = arith.constant 0 : i32
      %dma_wait3A_737 = tpu.memref_slice %dma_wait3A_734[%dma_wait3A_735, %dma_wait3A_736] : memref<100000x16xf32, #tpu.memory_space<hbm>> -> memref<128x16xf32, #tpu.memory_space<hbm>>
      %dma_wait3A_738 = tpu.memref_slice %arg7[%rem3A_651] : memref<3x!tpu.dma_semaphore, #tpu.memory_space<semaphore_mem>> -> memref<1x!tpu.dma_semaphore, #tpu.memory_space<semaphore_mem>>
      %dma_wait3A_739 = tpu.memref_squeeze %dma_wait3A_738 : memref<1x!tpu.dma_semaphore, #tpu.memory_space<semaphore_mem>> -> memref<!tpu.dma_semaphore, #tpu.memory_space<semaphore_mem>>
      %dma_wait3A_740 = arith.constant 0 : i32
      %dma_wait3A_741 = arith.constant 0 : i32
      %dma_wait3A_742 = tpu.memref_slice %arg6[%rem3A_651, %dma_wait3A_740, %dma_wait3A_741] : memref<3x2560x16xf32, #tpu.memory_space<vmem>> -> memref<1x2560x16xf32, #tpu.memory_space<vmem>>
      %dma_wait3A_743 = tpu.memref_squeeze %dma_wait3A_742 : memref<1x2560x16xf32, #tpu.memory_space<vmem>> -> memref<2560x16xf32, #tpu.memory_space<vmem>>
      %dma_wait3A_744 = arith.constant 256 : i32
      %dma_wait3A_745 = arith.constant 0 : i32
      %dma_wait3A_746 = tpu.memref_slice %dma_wait3A_743[%dma_wait3A_744, %dma_wait3A_745] : memref<2560x16xf32, #tpu.memory_space<vmem>> -> memref<128x16xf32, #tpu.memory_space<vmem>>
      %dma_wait3A_747 = arith.constant 0 : i32
      %dma_wait3A_748 = arith.constant 0 : i32
      %dma_wait3A_749 = tpu.memref_slice %arg3[%dma_wait3A_723, %dma_wait3A_747, %dma_wait3A_748] : memref<26x100000x16xf32, #tpu.memory_space<hbm>> -> memref<1x100000x16xf32, #tpu.memory_space<hbm>>
      %dma_wait3A_750 = tpu.memref_squeeze %dma_wait3A_749 : memref<1x100000x16xf32, #tpu.memory_space<hbm>> -> memref<100000x16xf32, #tpu.memory_space<hbm>>
      %dma_wait3A_751 = arith.constant 0 : i32
      %dma_wait3A_752 = arith.constant 0 : i32
      %dma_wait3A_753 = tpu.memref_slice %dma_wait3A_750[%dma_wait3A_751, %dma_wait3A_752] : memref<100000x16xf32, #tpu.memory_space<hbm>> -> memref<128x16xf32, #tpu.memory_space<hbm>>
      tpu.wait_dma2 semaphore(%dma_wait3A_739 : memref<!tpu.dma_semaphore, #tpu.memory_space<semaphore_mem>>) src(%dma_wait3A_753 : memref<128x16xf32, #tpu.memory_space<hbm>>) dst(%dma_wait3A_746 : memref<128x16xf32, #tpu.memory_space<vmem>>)
      %dma_wait3A_754 = arith.constant 0 : i32
      %dma_wait3A_755 = arith.constant 0 : i32
      %dma_wait3A_756 = arith.constant 0 : i32
      %dma_wait3A_757 = tpu.memref_slice %arg6[%rem3A_651, %dma_wait3A_755, %dma_wait3A_756] : memref<3x2560x16xf32, #tpu.memory_space<vmem>> -> memref<1x2560x16xf32, #tpu.memory_space<vmem>>
      %dma_wait3A_758 = tpu.memref_squeeze %dma_wait3A_757 : memref<1x2560x16xf32, #tpu.memory_space<vmem>> -> memref<2560x16xf32, #tpu.memory_space<vmem>>
      %dma_wait3A_759 = arith.constant 384 : i32
      %dma_wait3A_760 = arith.constant 0 : i32
      %dma_wait3A_761 = tpu.memref_slice %dma_wait3A_758[%dma_wait3A_759, %dma_wait3A_760] : memref<2560x16xf32, #tpu.memory_space<vmem>> -> memref<128x16xf32, #tpu.memory_space<vmem>>
      %dma_wait3A_762 = arith.constant 0 : i32
      %dma_wait3A_763 = arith.constant 0 : i32
      %dma_wait3A_764 = tpu.memref_slice %arg3[%dma_wait3A_754, %dma_wait3A_762, %dma_wait3A_763] : memref<26x100000x16xf32, #tpu.memory_space<hbm>> -> memref<1x100000x16xf32, #tpu.memory_space<hbm>>
      %dma_wait3A_765 = tpu.memref_squeeze %dma_wait3A_764 : memref<1x100000x16xf32, #tpu.memory_space<hbm>> -> memref<100000x16xf32, #tpu.memory_space<hbm>>
      %dma_wait3A_766 = arith.constant 0 : i32
      %dma_wait3A_767 = arith.constant 0 : i32
      %dma_wait3A_768 = tpu.memref_slice %dma_wait3A_765[%dma_wait3A_766, %dma_wait3A_767] : memref<100000x16xf32, #tpu.memory_space<hbm>> -> memref<128x16xf32, #tpu.memory_space<hbm>>
      %dma_wait3A_769 = tpu.memref_slice %arg7[%rem3A_651] : memref<3x!tpu.dma_semaphore, #tpu.memory_space<semaphore_mem>> -> memref<1x!tpu.dma_semaphore, #tpu.memory_space<semaphore_mem>>
      %dma_wait3A_770 = tpu.memref_squeeze %dma_wait3A_769 : memref<1x!tpu.dma_semaphore, #tpu.memory_space<semaphore_mem>> -> memref<!tpu.dma_semaphore, #tpu.memory_space<semaphore_mem>>
      %dma_wait3A_771 = arith.constant 0 : i32
      %dma_wait3A_772 = arith.constant 0 : i32
      %dma_wait3A_773 = tpu.memref_slice %arg6[%rem3A_651, %dma_wait3A_771, %dma_wait3A_772] : memref<3x2560x16xf32, #tpu.memory_space<vmem>> -> memref<1x2560x16xf32, #tpu.memory_space<vmem>>
      %dma_wait3A_774 = tpu.memref_squeeze %dma_wait3A_773 : memref<1x2560x16xf32, #tpu.memory_space<vmem>> -> memref<2560x16xf32, #tpu.memory_space<vmem>>
      %dma_wait3A_775 = arith.constant 384 : i32
      %dma_wait3A_776 = arith.constant 0 : i32
      %dma_wait3A_777 = tpu.memref_slice %dma_wait3A_774[%dma_wait3A_775, %dma_wait3A_776] : memref<2560x16xf32, #tpu.memory_space<vmem>> -> memref<128x16xf32, #tpu.memory_space<vmem>>
      %dma_wait3A_778 = arith.constant 0 : i32
      %dma_wait3A_779 = arith.constant 0 : i32
      %dma_wait3A_780 = tpu.memref_slice %arg3[%dma_wait3A_754, %dma_wait3A_778, %dma_wait3A_779] : memref<26x100000x16xf32, #tpu.memory_space<hbm>> -> memref<1x100000x16xf32, #tpu.memory_space<hbm>>
      %dma_wait3A_781 = tpu.memref_squeeze %dma_wait3A_780 : memref<1x100000x16xf32, #tpu.memory_space<hbm>> -> memref<100000x16xf32, #tpu.memory_space<hbm>>
      %dma_wait3A_782 = arith.constant 0 : i32
      %dma_wait3A_783 = arith.constant 0 : i32
      %dma_wait3A_784 = tpu.memref_slice %dma_wait3A_781[%dma_wait3A_782, %dma_wait3A_783] : memref<100000x16xf32, #tpu.memory_space<hbm>> -> memref<128x16xf32, #tpu.memory_space<hbm>>
      tpu.wait_dma2 semaphore(%dma_wait3A_770 : memref<!tpu.dma_semaphore, #tpu.memory_space<semaphore_mem>>) src(%dma_wait3A_784 : memref<128x16xf32, #tpu.memory_space<hbm>>) dst(%dma_wait3A_777 : memref<128x16xf32, #tpu.memory_space<vmem>>)
      %dma_wait3A_785 = arith.constant 0 : i32
      %dma_wait3A_786 = arith.constant 0 : i32
      %dma_wait3A_787 = arith.constant 0 : i32
      %dma_wait3A_788 = tpu.memref_slice %arg6[%rem3A_651, %dma_wait3A_786, %dma_wait3A_787] : memref<3x2560x16xf32, #tpu.memory_space<vmem>> -> memref<1x2560x16xf32, #tpu.memory_space<vmem>>
      %dma_wait3A_789 = tpu.memref_squeeze %dma_wait3A_788 : memref<1x2560x16xf32, #tpu.memory_space<vmem>> -> memref<2560x16xf32, #tpu.memory_space<vmem>>
      %dma_wait3A_790 = arith.constant 512 : i32
      %dma_wait3A_791 = arith.constant 0 : i32
      %dma_wait3A_792 = tpu.memref_slice %dma_wait3A_789[%dma_wait3A_790, %dma_wait3A_791] : memref<2560x16xf32, #tpu.memory_space<vmem>> -> memref<128x16xf32, #tpu.memory_space<vmem>>
      %dma_wait3A_793 = arith.constant 0 : i32
      %dma_wait3A_794 = arith.constant 0 : i32
      %dma_wait3A_795 = tpu.memref_slice %arg3[%dma_wait3A_785, %dma_wait3A_793, %dma_wait3A_794] : memref<26x100000x16xf32, #tpu.memory_space<hbm>> -> memref<1x100000x16xf32, #tpu.memory_space<hbm>>
      %dma_wait3A_796 = tpu.memref_squeeze %dma_wait3A_795 : memref<1x100000x16xf32, #tpu.memory_space<hbm>> -> memref<100000x16xf32, #tpu.memory_space<hbm>>
      %dma_wait3A_797 = arith.constant 0 : i32
      %dma_wait3A_798 = arith.constant 0 : i32
      %dma_wait3A_799 = tpu.memref_slice %dma_wait3A_796[%dma_wait3A_797, %dma_wait3A_798] : memref<100000x16xf32, #tpu.memory_space<hbm>> -> memref<128x16xf32, #tpu.memory_space<hbm>>
      %dma_wait3A_800 = tpu.memref_slice %arg7[%rem3A_651] : memref<3x!tpu.dma_semaphore, #tpu.memory_space<semaphore_mem>> -> memref<1x!tpu.dma_semaphore, #tpu.memory_space<semaphore_mem>>
      %dma_wait3A_801 = tpu.memref_squeeze %dma_wait3A_800 : memref<1x!tpu.dma_semaphore, #tpu.memory_space<semaphore_mem>> -> memref<!tpu.dma_semaphore, #tpu.memory_space<semaphore_mem>>
      %dma_wait3A_802 = arith.constant 0 : i32
      %dma_wait3A_803 = arith.constant 0 : i32
      %dma_wait3A_804 = tpu.memref_slice %arg6[%rem3A_651, %dma_wait3A_802, %dma_wait3A_803] : memref<3x2560x16xf32, #tpu.memory_space<vmem>> -> memref<1x2560x16xf32, #tpu.memory_space<vmem>>
      %dma_wait3A_805 = tpu.memref_squeeze %dma_wait3A_804 : memref<1x2560x16xf32, #tpu.memory_space<vmem>> -> memref<2560x16xf32, #tpu.memory_space<vmem>>
      %dma_wait3A_806 = arith.constant 512 : i32
      %dma_wait3A_807 = arith.constant 0 : i32
      %dma_wait3A_808 = tpu.memref_slice %dma_wait3A_805[%dma_wait3A_806, %dma_wait3A_807] : memref<2560x16xf32, #tpu.memory_space<vmem>> -> memref<128x16xf32, #tpu.memory_space<vmem>>
      %dma_wait3A_809 = arith.constant 0 : i32
      %dma_wait3A_810 = arith.constant 0 : i32
      %dma_wait3A_811 = tpu.memref_slice %arg3[%dma_wait3A_785, %dma_wait3A_809, %dma_wait3A_810] : memref<26x100000x16xf32, #tpu.memory_space<hbm>> -> memref<1x100000x16xf32, #tpu.memory_space<hbm>>
      %dma_wait3A_812 = tpu.memref_squeeze %dma_wait3A_811 : memref<1x100000x16xf32, #tpu.memory_space<hbm>> -> memref<100000x16xf32, #tpu.memory_space<hbm>>
      %dma_wait3A_813 = arith.constant 0 : i32
      %dma_wait3A_814 = arith.constant 0 : i32
      %dma_wait3A_815 = tpu.memref_slice %dma_wait3A_812[%dma_wait3A_813, %dma_wait3A_814] : memref<100000x16xf32, #tpu.memory_space<hbm>> -> memref<128x16xf32, #tpu.memory_space<hbm>>
      tpu.wait_dma2 semaphore(%dma_wait3A_801 : memref<!tpu.dma_semaphore, #tpu.memory_space<semaphore_mem>>) src(%dma_wait3A_815 : memref<128x16xf32, #tpu.memory_space<hbm>>) dst(%dma_wait3A_808 : memref<128x16xf32, #tpu.memory_space<vmem>>)
      %dma_wait3A_816 = arith.constant 0 : i32
      %dma_wait3A_817 = arith.constant 0 : i32
      %dma_wait3A_818 = arith.constant 0 : i32
      %dma_wait3A_819 = tpu.memref_slice %arg6[%rem3A_651, %dma_wait3A_817, %dma_wait3A_818] : memref<3x2560x16xf32, #tpu.memory_space<vmem>> -> memref<1x2560x16xf32, #tpu.memory_space<vmem>>
      %dma_wait3A_820 = tpu.memref_squeeze %dma_wait3A_819 : memref<1x2560x16xf32, #tpu.memory_space<vmem>> -> memref<2560x16xf32, #tpu.memory_space<vmem>>
      %dma_wait3A_821 = arith.constant 640 : i32
      %dma_wait3A_822 = arith.constant 0 : i32
      %dma_wait3A_823 = tpu.memref_slice %dma_wait3A_820[%dma_wait3A_821, %dma_wait3A_822] : memref<2560x16xf32, #tpu.memory_space<vmem>> -> memref<128x16xf32, #tpu.memory_space<vmem>>
      %dma_wait3A_824 = arith.constant 0 : i32
      %dma_wait3A_825 = arith.constant 0 : i32
      %dma_wait3A_826 = tpu.memref_slice %arg3[%dma_wait3A_816, %dma_wait3A_824, %dma_wait3A_825] : memref<26x100000x16xf32, #tpu.memory_space<hbm>> -> memref<1x100000x16xf32, #tpu.memory_space<hbm>>
      %dma_wait3A_827 = tpu.memref_squeeze %dma_wait3A_826 : memref<1x100000x16xf32, #tpu.memory_space<hbm>> -> memref<100000x16xf32, #tpu.memory_space<hbm>>
      %dma_wait3A_828 = arith.constant 0 : i32
      %dma_wait3A_829 = arith.constant 0 : i32
      %dma_wait3A_830 = tpu.memref_slice %dma_wait3A_827[%dma_wait3A_828, %dma_wait3A_829] : memref<100000x16xf32, #tpu.memory_space<hbm>> -> memref<128x16xf32, #tpu.memory_space<hbm>>
      %dma_wait3A_831 = tpu.memref_slice %arg7[%rem3A_651] : memref<3x!tpu.dma_semaphore, #tpu.memory_space<semaphore_mem>> -> memref<1x!tpu.dma_semaphore, #tpu.memory_space<semaphore_mem>>
      %dma_wait3A_832 = tpu.memref_squeeze %dma_wait3A_831 : memref<1x!tpu.dma_semaphore, #tpu.memory_space<semaphore_mem>> -> memref<!tpu.dma_semaphore, #tpu.memory_space<semaphore_mem>>
      %dma_wait3A_833 = arith.constant 0 : i32
      %dma_wait3A_834 = arith.constant 0 : i32
      %dma_wait3A_835 = tpu.memref_slice %arg6[%rem3A_651, %dma_wait3A_833, %dma_wait3A_834] : memref<3x2560x16xf32, #tpu.memory_space<vmem>> -> memref<1x2560x16xf32, #tpu.memory_space<vmem>>
      %dma_wait3A_836 = tpu.memref_squeeze %dma_wait3A_835 : memref<1x2560x16xf32, #tpu.memory_space<vmem>> -> memref<2560x16xf32, #tpu.memory_space<vmem>>
      %dma_wait3A_837 = arith.constant 640 : i32
      %dma_wait3A_838 = arith.constant 0 : i32
      %dma_wait3A_839 = tpu.memref_slice %dma_wait3A_836[%dma_wait3A_837, %dma_wait3A_838] : memref<2560x16xf32, #tpu.memory_space<vmem>> -> memref<128x16xf32, #tpu.memory_space<vmem>>
      %dma_wait3A_840 = arith.constant 0 : i32
      %dma_wait3A_841 = arith.constant 0 : i32
      %dma_wait3A_842 = tpu.memref_slice %arg3[%dma_wait3A_816, %dma_wait3A_840, %dma_wait3A_841] : memref<26x100000x16xf32, #tpu.memory_space<hbm>> -> memref<1x100000x16xf32, #tpu.memory_space<hbm>>
      %dma_wait3A_843 = tpu.memref_squeeze %dma_wait3A_842 : memref<1x100000x16xf32, #tpu.memory_space<hbm>> -> memref<100000x16xf32, #tpu.memory_space<hbm>>
      %dma_wait3A_844 = arith.constant 0 : i32
      %dma_wait3A_845 = arith.constant 0 : i32
      %dma_wait3A_846 = tpu.memref_slice %dma_wait3A_843[%dma_wait3A_844, %dma_wait3A_845] : memref<100000x16xf32, #tpu.memory_space<hbm>> -> memref<128x16xf32, #tpu.memory_space<hbm>>
      tpu.wait_dma2 semaphore(%dma_wait3A_832 : memref<!tpu.dma_semaphore, #tpu.memory_space<semaphore_mem>>) src(%dma_wait3A_846 : memref<128x16xf32, #tpu.memory_space<hbm>>) dst(%dma_wait3A_839 : memref<128x16xf32, #tpu.memory_space<vmem>>)
      %dma_wait3A_847 = arith.constant 0 : i32
      %dma_wait3A_848 = arith.constant 0 : i32
      %dma_wait3A_849 = arith.constant 0 : i32
      %dma_wait3A_850 = tpu.memref_slice %arg6[%rem3A_651, %dma_wait3A_848, %dma_wait3A_849] : memref<3x2560x16xf32, #tpu.memory_space<vmem>> -> memref<1x2560x16xf32, #tpu.memory_space<vmem>>
      %dma_wait3A_851 = tpu.memref_squeeze %dma_wait3A_850 : memref<1x2560x16xf32, #tpu.memory_space<vmem>> -> memref<2560x16xf32, #tpu.memory_space<vmem>>
      %dma_wait3A_852 = arith.constant 768 : i32
      %dma_wait3A_853 = arith.constant 0 : i32
      %dma_wait3A_854 = tpu.memref_slice %dma_wait3A_851[%dma_wait3A_852, %dma_wait3A_853] : memref<2560x16xf32, #tpu.memory_space<vmem>> -> memref<128x16xf32, #tpu.memory_space<vmem>>
      %dma_wait3A_855 = arith.constant 0 : i32
      %dma_wait3A_856 = arith.constant 0 : i32
      %dma_wait3A_857 = tpu.memref_slice %arg3[%dma_wait3A_847, %dma_wait3A_855, %dma_wait3A_856] : memref<26x100000x16xf32, #tpu.memory_space<hbm>> -> memref<1x100000x16xf32, #tpu.memory_space<hbm>>
      %dma_wait3A_858 = tpu.memref_squeeze %dma_wait3A_857 : memref<1x100000x16xf32, #tpu.memory_space<hbm>> -> memref<100000x16xf32, #tpu.memory_space<hbm>>
      %dma_wait3A_859 = arith.constant 0 : i32
      %dma_wait3A_860 = arith.constant 0 : i32
      %dma_wait3A_861 = tpu.memref_slice %dma_wait3A_858[%dma_wait3A_859, %dma_wait3A_860] : memref<100000x16xf32, #tpu.memory_space<hbm>> -> memref<128x16xf32, #tpu.memory_space<hbm>>
      %dma_wait3A_862 = tpu.memref_slice %arg7[%rem3A_651] : memref<3x!tpu.dma_semaphore, #tpu.memory_space<semaphore_mem>> -> memref<1x!tpu.dma_semaphore, #tpu.memory_space<semaphore_mem>>
      %dma_wait3A_863 = tpu.memref_squeeze %dma_wait3A_862 : memref<1x!tpu.dma_semaphore, #tpu.memory_space<semaphore_mem>> -> memref<!tpu.dma_semaphore, #tpu.memory_space<semaphore_mem>>
      %dma_wait3A_864 = arith.constant 0 : i32
      %dma_wait3A_865 = arith.constant 0 : i32
      %dma_wait3A_866 = tpu.memref_slice %arg6[%rem3A_651, %dma_wait3A_864, %dma_wait3A_865] : memref<3x2560x16xf32, #tpu.memory_space<vmem>> -> memref<1x2560x16xf32, #tpu.memory_space<vmem>>
      %dma_wait3A_867 = tpu.memref_squeeze %dma_wait3A_866 : memref<1x2560x16xf32, #tpu.memory_space<vmem>> -> memref<2560x16xf32, #tpu.memory_space<vmem>>
      %dma_wait3A_868 = arith.constant 768 : i32
      %dma_wait3A_869 = arith.constant 0 : i32
      %dma_wait3A_870 = tpu.memref_slice %dma_wait3A_867[%dma_wait3A_868, %dma_wait3A_869] : memref<2560x16xf32, #tpu.memory_space<vmem>> -> memref<128x16xf32, #tpu.memory_space<vmem>>
      %dma_wait3A_871 = arith.constant 0 : i32
      %dma_wait3A_872 = arith.constant 0 : i32
      %dma_wait3A_873 = tpu.memref_slice %arg3[%dma_wait3A_847, %dma_wait3A_871, %dma_wait3A_872] : memref<26x100000x16xf32, #tpu.memory_space<hbm>> -> memref<1x100000x16xf32, #tpu.memory_space<hbm>>
      %dma_wait3A_874 = tpu.memref_squeeze %dma_wait3A_873 : memref<1x100000x16xf32, #tpu.memory_space<hbm>> -> memref<100000x16xf32, #tpu.memory_space<hbm>>
      %dma_wait3A_875 = arith.constant 0 : i32
      %dma_wait3A_876 = arith.constant 0 : i32
      %dma_wait3A_877 = tpu.memref_slice %dma_wait3A_874[%dma_wait3A_875, %dma_wait3A_876] : memref<100000x16xf32, #tpu.memory_space<hbm>> -> memref<128x16xf32, #tpu.memory_space<hbm>>
      tpu.wait_dma2 semaphore(%dma_wait3A_863 : memref<!tpu.dma_semaphore, #tpu.memory_space<semaphore_mem>>) src(%dma_wait3A_877 : memref<128x16xf32, #tpu.memory_space<hbm>>) dst(%dma_wait3A_870 : memref<128x16xf32, #tpu.memory_space<vmem>>)
      %dma_wait3A_878 = arith.constant 0 : i32
      %dma_wait3A_879 = arith.constant 0 : i32
      %dma_wait3A_880 = arith.constant 0 : i32
      %dma_wait3A_881 = tpu.memref_slice %arg6[%rem3A_651, %dma_wait3A_879, %dma_wait3A_880] : memref<3x2560x16xf32, #tpu.memory_space<vmem>> -> memref<1x2560x16xf32, #tpu.memory_space<vmem>>
      %dma_wait3A_882 = tpu.memref_squeeze %dma_wait3A_881 : memref<1x2560x16xf32, #tpu.memory_space<vmem>> -> memref<2560x16xf32, #tpu.memory_space<vmem>>
      %dma_wait3A_883 = arith.constant 896 : i32
      %dma_wait3A_884 = arith.constant 0 : i32
      %dma_wait3A_885 = tpu.memref_slice %dma_wait3A_882[%dma_wait3A_883, %dma_wait3A_884] : memref<2560x16xf32, #tpu.memory_space<vmem>> -> memref<128x16xf32, #tpu.memory_space<vmem>>
      %dma_wait3A_886 = arith.constant 0 : i32
      %dma_wait3A_887 = arith.constant 0 : i32
      %dma_wait3A_888 = tpu.memref_slice %arg3[%dma_wait3A_878, %dma_wait3A_886, %dma_wait3A_887] : memref<26x100000x16xf32, #tpu.memory_space<hbm>> -> memref<1x100000x16xf32, #tpu.memory_space<hbm>>
      %dma_wait3A_889 = tpu.memref_squeeze %dma_wait3A_888 : memref<1x100000x16xf32, #tpu.memory_space<hbm>> -> memref<100000x16xf32, #tpu.memory_space<hbm>>
      %dma_wait3A_890 = arith.constant 0 : i32
      %dma_wait3A_891 = arith.constant 0 : i32
      %dma_wait3A_892 = tpu.memref_slice %dma_wait3A_889[%dma_wait3A_890, %dma_wait3A_891] : memref<100000x16xf32, #tpu.memory_space<hbm>> -> memref<128x16xf32, #tpu.memory_space<hbm>>
      %dma_wait3A_893 = tpu.memref_slice %arg7[%rem3A_651] : memref<3x!tpu.dma_semaphore, #tpu.memory_space<semaphore_mem>> -> memref<1x!tpu.dma_semaphore, #tpu.memory_space<semaphore_mem>>
      %dma_wait3A_894 = tpu.memref_squeeze %dma_wait3A_893 : memref<1x!tpu.dma_semaphore, #tpu.memory_space<semaphore_mem>> -> memref<!tpu.dma_semaphore, #tpu.memory_space<semaphore_mem>>
      %dma_wait3A_895 = arith.constant 0 : i32
      %dma_wait3A_896 = arith.constant 0 : i32
      %dma_wait3A_897 = tpu.memref_slice %arg6[%rem3A_651, %dma_wait3A_895, %dma_wait3A_896] : memref<3x2560x16xf32, #tpu.memory_space<vmem>> -> memref<1x2560x16xf32, #tpu.memory_space<vmem>>
      %dma_wait3A_898 = tpu.memref_squeeze %dma_wait3A_897 : memref<1x2560x16xf32, #tpu.memory_space<vmem>> -> memref<2560x16xf32, #tpu.memory_space<vmem>>
      %dma_wait3A_899 = arith.constant 896 : i32
      %dma_wait3A_900 = arith.constant 0 : i32
      %dma_wait3A_901 = tpu.memref_slice %dma_wait3A_898[%dma_wait3A_899, %dma_wait3A_900] : memref<2560x16xf32, #tpu.memory_space<vmem>> -> memref<128x16xf32, #tpu.memory_space<vmem>>
      %dma_wait3A_902 = arith.constant 0 : i32
      %dma_wait3A_903 = arith.constant 0 : i32
      %dma_wait3A_904 = tpu.memref_slice %arg3[%dma_wait3A_878, %dma_wait3A_902, %dma_wait3A_903] : memref<26x100000x16xf32, #tpu.memory_space<hbm>> -> memref<1x100000x16xf32, #tpu.memory_space<hbm>>
      %dma_wait3A_905 = tpu.memref_squeeze %dma_wait3A_904 : memref<1x100000x16xf32, #tpu.memory_space<hbm>> -> memref<100000x16xf32, #tpu.memory_space<hbm>>
      %dma_wait3A_906 = arith.constant 0 : i32
      %dma_wait3A_907 = arith.constant 0 : i32
      %dma_wait3A_908 = tpu.memref_slice %dma_wait3A_905[%dma_wait3A_906, %dma_wait3A_907] : memref<100000x16xf32, #tpu.memory_space<hbm>> -> memref<128x16xf32, #tpu.memory_space<hbm>>
      tpu.wait_dma2 semaphore(%dma_wait3A_894 : memref<!tpu.dma_semaphore, #tpu.memory_space<semaphore_mem>>) src(%dma_wait3A_908 : memref<128x16xf32, #tpu.memory_space<hbm>>) dst(%dma_wait3A_901 : memref<128x16xf32, #tpu.memory_space<vmem>>)
      %dma_wait3A_909 = arith.constant 0 : i32
      %dma_wait3A_910 = arith.constant 0 : i32
      %dma_wait3A_911 = arith.constant 0 : i32
      %dma_wait3A_912 = tpu.memref_slice %arg6[%rem3A_651, %dma_wait3A_910, %dma_wait3A_911] : memref<3x2560x16xf32, #tpu.memory_space<vmem>> -> memref<1x2560x16xf32, #tpu.memory_space<vmem>>
      %dma_wait3A_913 = tpu.memref_squeeze %dma_wait3A_912 : memref<1x2560x16xf32, #tpu.memory_space<vmem>> -> memref<2560x16xf32, #tpu.memory_space<vmem>>
      %dma_wait3A_914 = arith.constant 1024 : i32
      %dma_wait3A_915 = arith.constant 0 : i32
      %dma_wait3A_916 = tpu.memref_slice %dma_wait3A_913[%dma_wait3A_914, %dma_wait3A_915] : memref<2560x16xf32, #tpu.memory_space<vmem>> -> memref<128x16xf32, #tpu.memory_space<vmem>>
      %dma_wait3A_917 = arith.constant 0 : i32
      %dma_wait3A_918 = arith.constant 0 : i32
      %dma_wait3A_919 = tpu.memref_slice %arg3[%dma_wait3A_909, %dma_wait3A_917, %dma_wait3A_918] : memref<26x100000x16xf32, #tpu.memory_space<hbm>> -> memref<1x100000x16xf32, #tpu.memory_space<hbm>>
      %dma_wait3A_920 = tpu.memref_squeeze %dma_wait3A_919 : memref<1x100000x16xf32, #tpu.memory_space<hbm>> -> memref<100000x16xf32, #tpu.memory_space<hbm>>
      %dma_wait3A_921 = arith.constant 0 : i32
      %dma_wait3A_922 = arith.constant 0 : i32
      %dma_wait3A_923 = tpu.memref_slice %dma_wait3A_920[%dma_wait3A_921, %dma_wait3A_922] : memref<100000x16xf32, #tpu.memory_space<hbm>> -> memref<128x16xf32, #tpu.memory_space<hbm>>
      %dma_wait3A_924 = tpu.memref_slice %arg7[%rem3A_651] : memref<3x!tpu.dma_semaphore, #tpu.memory_space<semaphore_mem>> -> memref<1x!tpu.dma_semaphore, #tpu.memory_space<semaphore_mem>>
      %dma_wait3A_925 = tpu.memref_squeeze %dma_wait3A_924 : memref<1x!tpu.dma_semaphore, #tpu.memory_space<semaphore_mem>> -> memref<!tpu.dma_semaphore, #tpu.memory_space<semaphore_mem>>
      %dma_wait3A_926 = arith.constant 0 : i32
      %dma_wait3A_927 = arith.constant 0 : i32
      %dma_wait3A_928 = tpu.memref_slice %arg6[%rem3A_651, %dma_wait3A_926, %dma_wait3A_927] : memref<3x2560x16xf32, #tpu.memory_space<vmem>> -> memref<1x2560x16xf32, #tpu.memory_space<vmem>>
      %dma_wait3A_929 = tpu.memref_squeeze %dma_wait3A_928 : memref<1x2560x16xf32, #tpu.memory_space<vmem>> -> memref<2560x16xf32, #tpu.memory_space<vmem>>
      %dma_wait3A_930 = arith.constant 1024 : i32
      %dma_wait3A_931 = arith.constant 0 : i32
      %dma_wait3A_932 = tpu.memref_slice %dma_wait3A_929[%dma_wait3A_930, %dma_wait3A_931] : memref<2560x16xf32, #tpu.memory_space<vmem>> -> memref<128x16xf32, #tpu.memory_space<vmem>>
      %dma_wait3A_933 = arith.constant 0 : i32
      %dma_wait3A_934 = arith.constant 0 : i32
      %dma_wait3A_935 = tpu.memref_slice %arg3[%dma_wait3A_909, %dma_wait3A_933, %dma_wait3A_934] : memref<26x100000x16xf32, #tpu.memory_space<hbm>> -> memref<1x100000x16xf32, #tpu.memory_space<hbm>>
      %dma_wait3A_936 = tpu.memref_squeeze %dma_wait3A_935 : memref<1x100000x16xf32, #tpu.memory_space<hbm>> -> memref<100000x16xf32, #tpu.memory_space<hbm>>
      %dma_wait3A_937 = arith.constant 0 : i32
      %dma_wait3A_938 = arith.constant 0 : i32
      %dma_wait3A_939 = tpu.memref_slice %dma_wait3A_936[%dma_wait3A_937, %dma_wait3A_938] : memref<100000x16xf32, #tpu.memory_space<hbm>> -> memref<128x16xf32, #tpu.memory_space<hbm>>
      tpu.wait_dma2 semaphore(%dma_wait3A_925 : memref<!tpu.dma_semaphore, #tpu.memory_space<semaphore_mem>>) src(%dma_wait3A_939 : memref<128x16xf32, #tpu.memory_space<hbm>>) dst(%dma_wait3A_932 : memref<128x16xf32, #tpu.memory_space<vmem>>)
      %dma_wait3A_940 = arith.constant 0 : i32
      %dma_wait3A_941 = arith.constant 0 : i32
      %dma_wait3A_942 = arith.constant 0 : i32
      %dma_wait3A_943 = tpu.memref_slice %arg6[%rem3A_651, %dma_wait3A_941, %dma_wait3A_942] : memref<3x2560x16xf32, #tpu.memory_space<vmem>> -> memref<1x2560x16xf32, #tpu.memory_space<vmem>>
      %dma_wait3A_944 = tpu.memref_squeeze %dma_wait3A_943 : memref<1x2560x16xf32, #tpu.memory_space<vmem>> -> memref<2560x16xf32, #tpu.memory_space<vmem>>
      %dma_wait3A_945 = arith.constant 1152 : i32
      %dma_wait3A_946 = arith.constant 0 : i32
      %dma_wait3A_947 = tpu.memref_slice %dma_wait3A_944[%dma_wait3A_945, %dma_wait3A_946] : memref<2560x16xf32, #tpu.memory_space<vmem>> -> memref<128x16xf32, #tpu.memory_space<vmem>>
      %dma_wait3A_948 = arith.constant 0 : i32
      %dma_wait3A_949 = arith.constant 0 : i32
      %dma_wait3A_950 = tpu.memref_slice %arg3[%dma_wait3A_940, %dma_wait3A_948, %dma_wait3A_949] : memref<26x100000x16xf32, #tpu.memory_space<hbm>> -> memref<1x100000x16xf32, #tpu.memory_space<hbm>>
      %dma_wait3A_951 = tpu.memref_squeeze %dma_wait3A_950 : memref<1x100000x16xf32, #tpu.memory_space<hbm>> -> memref<100000x16xf32, #tpu.memory_space<hbm>>
      %dma_wait3A_952 = arith.constant 0 : i32
      %dma_wait3A_953 = arith.constant 0 : i32
      %dma_wait3A_954 = tpu.memref_slice %dma_wait3A_951[%dma_wait3A_952, %dma_wait3A_953] : memref<100000x16xf32, #tpu.memory_space<hbm>> -> memref<128x16xf32, #tpu.memory_space<hbm>>
      %dma_wait3A_955 = tpu.memref_slice %arg7[%rem3A_651] : memref<3x!tpu.dma_semaphore, #tpu.memory_space<semaphore_mem>> -> memref<1x!tpu.dma_semaphore, #tpu.memory_space<semaphore_mem>>
      %dma_wait3A_956 = tpu.memref_squeeze %dma_wait3A_955 : memref<1x!tpu.dma_semaphore, #tpu.memory_space<semaphore_mem>> -> memref<!tpu.dma_semaphore, #tpu.memory_space<semaphore_mem>>
      %dma_wait3A_957 = arith.constant 0 : i32
      %dma_wait3A_958 = arith.constant 0 : i32
      %dma_wait3A_959 = tpu.memref_slice %arg6[%rem3A_651, %dma_wait3A_957, %dma_wait3A_958] : memref<3x2560x16xf32, #tpu.memory_space<vmem>> -> memref<1x2560x16xf32, #tpu.memory_space<vmem>>
      %dma_wait3A_960 = tpu.memref_squeeze %dma_wait3A_959 : memref<1x2560x16xf32, #tpu.memory_space<vmem>> -> memref<2560x16xf32, #tpu.memory_space<vmem>>
      %dma_wait3A_961 = arith.constant 1152 : i32
      %dma_wait3A_962 = arith.constant 0 : i32
      %dma_wait3A_963 = tpu.memref_slice %dma_wait3A_960[%dma_wait3A_961, %dma_wait3A_962] : memref<2560x16xf32, #tpu.memory_space<vmem>> -> memref<128x16xf32, #tpu.memory_space<vmem>>
      %dma_wait3A_964 = arith.constant 0 : i32
      %dma_wait3A_965 = arith.constant 0 : i32
      %dma_wait3A_966 = tpu.memref_slice %arg3[%dma_wait3A_940, %dma_wait3A_964, %dma_wait3A_965] : memref<26x100000x16xf32, #tpu.memory_space<hbm>> -> memref<1x100000x16xf32, #tpu.memory_space<hbm>>
      %dma_wait3A_967 = tpu.memref_squeeze %dma_wait3A_966 : memref<1x100000x16xf32, #tpu.memory_space<hbm>> -> memref<100000x16xf32, #tpu.memory_space<hbm>>
      %dma_wait3A_968 = arith.constant 0 : i32
      %dma_wait3A_969 = arith.constant 0 : i32
      %dma_wait3A_970 = tpu.memref_slice %dma_wait3A_967[%dma_wait3A_968, %dma_wait3A_969] : memref<100000x16xf32, #tpu.memory_space<hbm>> -> memref<128x16xf32, #tpu.memory_space<hbm>>
      tpu.wait_dma2 semaphore(%dma_wait3A_956 : memref<!tpu.dma_semaphore, #tpu.memory_space<semaphore_mem>>) src(%dma_wait3A_970 : memref<128x16xf32, #tpu.memory_space<hbm>>) dst(%dma_wait3A_963 : memref<128x16xf32, #tpu.memory_space<vmem>>)
      %dma_wait3A_971 = arith.constant 0 : i32
      %dma_wait3A_972 = arith.constant 0 : i32
      %dma_wait3A_973 = arith.constant 0 : i32
      %dma_wait3A_974 = tpu.memref_slice %arg6[%rem3A_651, %dma_wait3A_972, %dma_wait3A_973] : memref<3x2560x16xf32, #tpu.memory_space<vmem>> -> memref<1x2560x16xf32, #tpu.memory_space<vmem>>
      %dma_wait3A_975 = tpu.memref_squeeze %dma_wait3A_974 : memref<1x2560x16xf32, #tpu.memory_space<vmem>> -> memref<2560x16xf32, #tpu.memory_space<vmem>>
      %dma_wait3A_976 = arith.constant 1280 : i32
      %dma_wait3A_977 = arith.constant 0 : i32
      %dma_wait3A_978 = tpu.memref_slice %dma_wait3A_975[%dma_wait3A_976, %dma_wait3A_977] : memref<2560x16xf32, #tpu.memory_space<vmem>> -> memref<128x16xf32, #tpu.memory_space<vmem>>
      %dma_wait3A_979 = arith.constant 0 : i32
      %dma_wait3A_980 = arith.constant 0 : i32
      %dma_wait3A_981 = tpu.memref_slice %arg3[%dma_wait3A_971, %dma_wait3A_979, %dma_wait3A_980] : memref<26x100000x16xf32, #tpu.memory_space<hbm>> -> memref<1x100000x16xf32, #tpu.memory_space<hbm>>
      %dma_wait3A_982 = tpu.memref_squeeze %dma_wait3A_981 : memref<1x100000x16xf32, #tpu.memory_space<hbm>> -> memref<100000x16xf32, #tpu.memory_space<hbm>>
      %dma_wait3A_983 = arith.constant 0 : i32
      %dma_wait3A_984 = arith.constant 0 : i32
      %dma_wait3A_985 = tpu.memref_slice %dma_wait3A_982[%dma_wait3A_983, %dma_wait3A_984] : memref<100000x16xf32, #tpu.memory_space<hbm>> -> memref<128x16xf32, #tpu.memory_space<hbm>>
      %dma_wait3A_986 = tpu.memref_slice %arg7[%rem3A_651] : memref<3x!tpu.dma_semaphore, #tpu.memory_space<semaphore_mem>> -> memref<1x!tpu.dma_semaphore, #tpu.memory_space<semaphore_mem>>
      %dma_wait3A_987 = tpu.memref_squeeze %dma_wait3A_986 : memref<1x!tpu.dma_semaphore, #tpu.memory_space<semaphore_mem>> -> memref<!tpu.dma_semaphore, #tpu.memory_space<semaphore_mem>>
      %dma_wait3A_988 = arith.constant 0 : i32
      %dma_wait3A_989 = arith.constant 0 : i32
      %dma_wait3A_990 = tpu.memref_slice %arg6[%rem3A_651, %dma_wait3A_988, %dma_wait3A_989] : memref<3x2560x16xf32, #tpu.memory_space<vmem>> -> memref<1x2560x16xf32, #tpu.memory_space<vmem>>
      %dma_wait3A_991 = tpu.memref_squeeze %dma_wait3A_990 : memref<1x2560x16xf32, #tpu.memory_space<vmem>> -> memref<2560x16xf32, #tpu.memory_space<vmem>>
      %dma_wait3A_992 = arith.constant 1280 : i32
      %dma_wait3A_993 = arith.constant 0 : i32
      %dma_wait3A_994 = tpu.memref_slice %dma_wait3A_991[%dma_wait3A_992, %dma_wait3A_993] : memref<2560x16xf32, #tpu.memory_space<vmem>> -> memref<128x16xf32, #tpu.memory_space<vmem>>
      %dma_wait3A_995 = arith.constant 0 : i32
      %dma_wait3A_996 = arith.constant 0 : i32
      %dma_wait3A_997 = tpu.memref_slice %arg3[%dma_wait3A_971, %dma_wait3A_995, %dma_wait3A_996] : memref<26x100000x16xf32, #tpu.memory_space<hbm>> -> memref<1x100000x16xf32, #tpu.memory_space<hbm>>
      %dma_wait3A_998 = tpu.memref_squeeze %dma_wait3A_997 : memref<1x100000x16xf32, #tpu.memory_space<hbm>> -> memref<100000x16xf32, #tpu.memory_space<hbm>>
      %dma_wait3A_999 = arith.constant 0 : i32
      %dma_wait3A_1000 = arith.constant 0 : i32
      %dma_wait3A_1001 = tpu.memref_slice %dma_wait3A_998[%dma_wait3A_999, %dma_wait3A_1000] : memref<100000x16xf32, #tpu.memory_space<hbm>> -> memref<128x16xf32, #tpu.memory_space<hbm>>
      tpu.wait_dma2 semaphore(%dma_wait3A_987 : memref<!tpu.dma_semaphore, #tpu.memory_space<semaphore_mem>>) src(%dma_wait3A_1001 : memref<128x16xf32, #tpu.memory_space<hbm>>) dst(%dma_wait3A_994 : memref<128x16xf32, #tpu.memory_space<vmem>>)
      %dma_wait3A_1002 = arith.constant 0 : i32
      %dma_wait3A_1003 = arith.constant 0 : i32
      %dma_wait3A_1004 = arith.constant 0 : i32
      %dma_wait3A_1005 = tpu.memref_slice %arg6[%rem3A_651, %dma_wait3A_1003, %dma_wait3A_1004] : memref<3x2560x16xf32, #tpu.memory_space<vmem>> -> memref<1x2560x16xf32, #tpu.memory_space<vmem>>
      %dma_wait3A_1006 = tpu.memref_squeeze %dma_wait3A_1005 : memref<1x2560x16xf32, #tpu.memory_space<vmem>> -> memref<2560x16xf32, #tpu.memory_space<vmem>>
      %dma_wait3A_1007 = arith.constant 1408 : i32
      %dma_wait3A_1008 = arith.constant 0 : i32
      %dma_wait3A_1009 = tpu.memref_slice %dma_wait3A_1006[%dma_wait3A_1007, %dma_wait3A_1008] : memref<2560x16xf32, #tpu.memory_space<vmem>> -> memref<128x16xf32, #tpu.memory_space<vmem>>
      %dma_wait3A_1010 = arith.constant 0 : i32
      %dma_wait3A_1011 = arith.constant 0 : i32
      %dma_wait3A_1012 = tpu.memref_slice %arg3[%dma_wait3A_1002, %dma_wait3A_1010, %dma_wait3A_1011] : memref<26x100000x16xf32, #tpu.memory_space<hbm>> -> memref<1x100000x16xf32, #tpu.memory_space<hbm>>
      %dma_wait3A_1013 = tpu.memref_squeeze %dma_wait3A_1012 : memref<1x100000x16xf32, #tpu.memory_space<hbm>> -> memref<100000x16xf32, #tpu.memory_space<hbm>>
      %dma_wait3A_1014 = arith.constant 0 : i32
      %dma_wait3A_1015 = arith.constant 0 : i32
      %dma_wait3A_1016 = tpu.memref_slice %dma_wait3A_1013[%dma_wait3A_1014, %dma_wait3A_1015] : memref<100000x16xf32, #tpu.memory_space<hbm>> -> memref<128x16xf32, #tpu.memory_space<hbm>>
      %dma_wait3A_1017 = tpu.memref_slice %arg7[%rem3A_651] : memref<3x!tpu.dma_semaphore, #tpu.memory_space<semaphore_mem>> -> memref<1x!tpu.dma_semaphore, #tpu.memory_space<semaphore_mem>>
      %dma_wait3A_1018 = tpu.memref_squeeze %dma_wait3A_1017 : memref<1x!tpu.dma_semaphore, #tpu.memory_space<semaphore_mem>> -> memref<!tpu.dma_semaphore, #tpu.memory_space<semaphore_mem>>
      %dma_wait3A_1019 = arith.constant 0 : i32
      %dma_wait3A_1020 = arith.constant 0 : i32
      %dma_wait3A_1021 = tpu.memref_slice %arg6[%rem3A_651, %dma_wait3A_1019, %dma_wait3A_1020] : memref<3x2560x16xf32, #tpu.memory_space<vmem>> -> memref<1x2560x16xf32, #tpu.memory_space<vmem>>
      %dma_wait3A_1022 = tpu.memref_squeeze %dma_wait3A_1021 : memref<1x2560x16xf32, #tpu.memory_space<vmem>> -> memref<2560x16xf32, #tpu.memory_space<vmem>>
      %dma_wait3A_1023 = arith.constant 1408 : i32
      %dma_wait3A_1024 = arith.constant 0 : i32
      %dma_wait3A_1025 = tpu.memref_slice %dma_wait3A_1022[%dma_wait3A_1023, %dma_wait3A_1024] : memref<2560x16xf32, #tpu.memory_space<vmem>> -> memref<128x16xf32, #tpu.memory_space<vmem>>
      %dma_wait3A_1026 = arith.constant 0 : i32
      %dma_wait3A_1027 = arith.constant 0 : i32
      %dma_wait3A_1028 = tpu.memref_slice %arg3[%dma_wait3A_1002, %dma_wait3A_1026, %dma_wait3A_1027] : memref<26x100000x16xf32, #tpu.memory_space<hbm>> -> memref<1x100000x16xf32, #tpu.memory_space<hbm>>
      %dma_wait3A_1029 = tpu.memref_squeeze %dma_wait3A_1028 : memref<1x100000x16xf32, #tpu.memory_space<hbm>> -> memref<100000x16xf32, #tpu.memory_space<hbm>>
      %dma_wait3A_1030 = arith.constant 0 : i32
      %dma_wait3A_1031 = arith.constant 0 : i32
      %dma_wait3A_1032 = tpu.memref_slice %dma_wait3A_1029[%dma_wait3A_1030, %dma_wait3A_1031] : memref<100000x16xf32, #tpu.memory_space<hbm>> -> memref<128x16xf32, #tpu.memory_space<hbm>>
      tpu.wait_dma2 semaphore(%dma_wait3A_1018 : memref<!tpu.dma_semaphore, #tpu.memory_space<semaphore_mem>>) src(%dma_wait3A_1032 : memref<128x16xf32, #tpu.memory_space<hbm>>) dst(%dma_wait3A_1025 : memref<128x16xf32, #tpu.memory_space<vmem>>)
      %dma_wait3A_1033 = arith.constant 0 : i32
      %dma_wait3A_1034 = arith.constant 0 : i32
      %dma_wait3A_1035 = arith.constant 0 : i32
      %dma_wait3A_1036 = tpu.memref_slice %arg6[%rem3A_651, %dma_wait3A_1034, %dma_wait3A_1035] : memref<3x2560x16xf32, #tpu.memory_space<vmem>> -> memref<1x2560x16xf32, #tpu.memory_space<vmem>>
      %dma_wait3A_1037 = tpu.memref_squeeze %dma_wait3A_1036 : memref<1x2560x16xf32, #tpu.memory_space<vmem>> -> memref<2560x16xf32, #tpu.memory_space<vmem>>
      %dma_wait3A_1038 = arith.constant 1536 : i32
      %dma_wait3A_1039 = arith.constant 0 : i32
      %dma_wait3A_1040 = tpu.memref_slice %dma_wait3A_1037[%dma_wait3A_1038, %dma_wait3A_1039] : memref<2560x16xf32, #tpu.memory_space<vmem>> -> memref<128x16xf32, #tpu.memory_space<vmem>>
      %dma_wait3A_1041 = arith.constant 0 : i32
      %dma_wait3A_1042 = arith.constant 0 : i32
      %dma_wait3A_1043 = tpu.memref_slice %arg3[%dma_wait3A_1033, %dma_wait3A_1041, %dma_wait3A_1042] : memref<26x100000x16xf32, #tpu.memory_space<hbm>> -> memref<1x100000x16xf32, #tpu.memory_space<hbm>>
      %dma_wait3A_1044 = tpu.memref_squeeze %dma_wait3A_1043 : memref<1x100000x16xf32, #tpu.memory_space<hbm>> -> memref<100000x16xf32, #tpu.memory_space<hbm>>
      %dma_wait3A_1045 = arith.constant 0 : i32
      %dma_wait3A_1046 = arith.constant 0 : i32
      %dma_wait3A_1047 = tpu.memref_slice %dma_wait3A_1044[%dma_wait3A_1045, %dma_wait3A_1046] : memref<100000x16xf32, #tpu.memory_space<hbm>> -> memref<128x16xf32, #tpu.memory_space<hbm>>
      %dma_wait3A_1048 = tpu.memref_slice %arg7[%rem3A_651] : memref<3x!tpu.dma_semaphore, #tpu.memory_space<semaphore_mem>> -> memref<1x!tpu.dma_semaphore, #tpu.memory_space<semaphore_mem>>
      %dma_wait3A_1049 = tpu.memref_squeeze %dma_wait3A_1048 : memref<1x!tpu.dma_semaphore, #tpu.memory_space<semaphore_mem>> -> memref<!tpu.dma_semaphore, #tpu.memory_space<semaphore_mem>>
      %dma_wait3A_1050 = arith.constant 0 : i32
      %dma_wait3A_1051 = arith.constant 0 : i32
      %dma_wait3A_1052 = tpu.memref_slice %arg6[%rem3A_651, %dma_wait3A_1050, %dma_wait3A_1051] : memref<3x2560x16xf32, #tpu.memory_space<vmem>> -> memref<1x2560x16xf32, #tpu.memory_space<vmem>>
      %dma_wait3A_1053 = tpu.memref_squeeze %dma_wait3A_1052 : memref<1x2560x16xf32, #tpu.memory_space<vmem>> -> memref<2560x16xf32, #tpu.memory_space<vmem>>
      %dma_wait3A_1054 = arith.constant 1536 : i32
      %dma_wait3A_1055 = arith.constant 0 : i32
      %dma_wait3A_1056 = tpu.memref_slice %dma_wait3A_1053[%dma_wait3A_1054, %dma_wait3A_1055] : memref<2560x16xf32, #tpu.memory_space<vmem>> -> memref<128x16xf32, #tpu.memory_space<vmem>>
      %dma_wait3A_1057 = arith.constant 0 : i32
      %dma_wait3A_1058 = arith.constant 0 : i32
      %dma_wait3A_1059 = tpu.memref_slice %arg3[%dma_wait3A_1033, %dma_wait3A_1057, %dma_wait3A_1058] : memref<26x100000x16xf32, #tpu.memory_space<hbm>> -> memref<1x100000x16xf32, #tpu.memory_space<hbm>>
      %dma_wait3A_1060 = tpu.memref_squeeze %dma_wait3A_1059 : memref<1x100000x16xf32, #tpu.memory_space<hbm>> -> memref<100000x16xf32, #tpu.memory_space<hbm>>
      %dma_wait3A_1061 = arith.constant 0 : i32
      %dma_wait3A_1062 = arith.constant 0 : i32
      %dma_wait3A_1063 = tpu.memref_slice %dma_wait3A_1060[%dma_wait3A_1061, %dma_wait3A_1062] : memref<100000x16xf32, #tpu.memory_space<hbm>> -> memref<128x16xf32, #tpu.memory_space<hbm>>
      tpu.wait_dma2 semaphore(%dma_wait3A_1049 : memref<!tpu.dma_semaphore, #tpu.memory_space<semaphore_mem>>) src(%dma_wait3A_1063 : memref<128x16xf32, #tpu.memory_space<hbm>>) dst(%dma_wait3A_1056 : memref<128x16xf32, #tpu.memory_space<vmem>>)
      %dma_wait3A_1064 = arith.constant 0 : i32
      %dma_wait3A_1065 = arith.constant 0 : i32
      %dma_wait3A_1066 = arith.constant 0 : i32
      %dma_wait3A_1067 = tpu.memref_slice %arg6[%rem3A_651, %dma_wait3A_1065, %dma_wait3A_1066] : memref<3x2560x16xf32, #tpu.memory_space<vmem>> -> memref<1x2560x16xf32, #tpu.memory_space<vmem>>
      %dma_wait3A_1068 = tpu.memref_squeeze %dma_wait3A_1067 : memref<1x2560x16xf32, #tpu.memory_space<vmem>> -> memref<2560x16xf32, #tpu.memory_space<vmem>>
      %dma_wait3A_1069 = arith.constant 1664 : i32
      %dma_wait3A_1070 = arith.constant 0 : i32
      %dma_wait3A_1071 = tpu.memref_slice %dma_wait3A_1068[%dma_wait3A_1069, %dma_wait3A_1070] : memref<2560x16xf32, #tpu.memory_space<vmem>> -> memref<128x16xf32, #tpu.memory_space<vmem>>
      %dma_wait3A_1072 = arith.constant 0 : i32
      %dma_wait3A_1073 = arith.constant 0 : i32
      %dma_wait3A_1074 = tpu.memref_slice %arg3[%dma_wait3A_1064, %dma_wait3A_1072, %dma_wait3A_1073] : memref<26x100000x16xf32, #tpu.memory_space<hbm>> -> memref<1x100000x16xf32, #tpu.memory_space<hbm>>
      %dma_wait3A_1075 = tpu.memref_squeeze %dma_wait3A_1074 : memref<1x100000x16xf32, #tpu.memory_space<hbm>> -> memref<100000x16xf32, #tpu.memory_space<hbm>>
      %dma_wait3A_1076 = arith.constant 0 : i32
      %dma_wait3A_1077 = arith.constant 0 : i32
      %dma_wait3A_1078 = tpu.memref_slice %dma_wait3A_1075[%dma_wait3A_1076, %dma_wait3A_1077] : memref<100000x16xf32, #tpu.memory_space<hbm>> -> memref<128x16xf32, #tpu.memory_space<hbm>>
      %dma_wait3A_1079 = tpu.memref_slice %arg7[%rem3A_651] : memref<3x!tpu.dma_semaphore, #tpu.memory_space<semaphore_mem>> -> memref<1x!tpu.dma_semaphore, #tpu.memory_space<semaphore_mem>>
      %dma_wait3A_1080 = tpu.memref_squeeze %dma_wait3A_1079 : memref<1x!tpu.dma_semaphore, #tpu.memory_space<semaphore_mem>> -> memref<!tpu.dma_semaphore, #tpu.memory_space<semaphore_mem>>
      %dma_wait3A_1081 = arith.constant 0 : i32
      %dma_wait3A_1082 = arith.constant 0 : i32
      %dma_wait3A_1083 = tpu.memref_slice %arg6[%rem3A_651, %dma_wait3A_1081, %dma_wait3A_1082] : memref<3x2560x16xf32, #tpu.memory_space<vmem>> -> memref<1x2560x16xf32, #tpu.memory_space<vmem>>
      %dma_wait3A_1084 = tpu.memref_squeeze %dma_wait3A_1083 : memref<1x2560x16xf32, #tpu.memory_space<vmem>> -> memref<2560x16xf32, #tpu.memory_space<vmem>>
      %dma_wait3A_1085 = arith.constant 1664 : i32
      %dma_wait3A_1086 = arith.constant 0 : i32
      %dma_wait3A_1087 = tpu.memref_slice %dma_wait3A_1084[%dma_wait3A_1085, %dma_wait3A_1086] : memref<2560x16xf32, #tpu.memory_space<vmem>> -> memref<128x16xf32, #tpu.memory_space<vmem>>
      %dma_wait3A_1088 = arith.constant 0 : i32
      %dma_wait3A_1089 = arith.constant 0 : i32
      %dma_wait3A_1090 = tpu.memref_slice %arg3[%dma_wait3A_1064, %dma_wait3A_1088, %dma_wait3A_1089] : memref<26x100000x16xf32, #tpu.memory_space<hbm>> -> memref<1x100000x16xf32, #tpu.memory_space<hbm>>
      %dma_wait3A_1091 = tpu.memref_squeeze %dma_wait3A_1090 : memref<1x100000x16xf32, #tpu.memory_space<hbm>> -> memref<100000x16xf32, #tpu.memory_space<hbm>>
      %dma_wait3A_1092 = arith.constant 0 : i32
      %dma_wait3A_1093 = arith.constant 0 : i32
      %dma_wait3A_1094 = tpu.memref_slice %dma_wait3A_1091[%dma_wait3A_1092, %dma_wait3A_1093] : memref<100000x16xf32, #tpu.memory_space<hbm>> -> memref<128x16xf32, #tpu.memory_space<hbm>>
      tpu.wait_dma2 semaphore(%dma_wait3A_1080 : memref<!tpu.dma_semaphore, #tpu.memory_space<semaphore_mem>>) src(%dma_wait3A_1094 : memref<128x16xf32, #tpu.memory_space<hbm>>) dst(%dma_wait3A_1087 : memref<128x16xf32, #tpu.memory_space<vmem>>)
      %dma_wait3A_1095 = arith.constant 0 : i32
      %dma_wait3A_1096 = arith.constant 0 : i32
      %dma_wait3A_1097 = arith.constant 0 : i32
      %dma_wait3A_1098 = tpu.memref_slice %arg6[%rem3A_651, %dma_wait3A_1096, %dma_wait3A_1097] : memref<3x2560x16xf32, #tpu.memory_space<vmem>> -> memref<1x2560x16xf32, #tpu.memory_space<vmem>>
      %dma_wait3A_1099 = tpu.memref_squeeze %dma_wait3A_1098 : memref<1x2560x16xf32, #tpu.memory_space<vmem>> -> memref<2560x16xf32, #tpu.memory_space<vmem>>
      %dma_wait3A_1100 = arith.constant 1792 : i32
      %dma_wait3A_1101 = arith.constant 0 : i32
      %dma_wait3A_1102 = tpu.memref_slice %dma_wait3A_1099[%dma_wait3A_1100, %dma_wait3A_1101] : memref<2560x16xf32, #tpu.memory_space<vmem>> -> memref<128x16xf32, #tpu.memory_space<vmem>>
      %dma_wait3A_1103 = arith.constant 0 : i32
      %dma_wait3A_1104 = arith.constant 0 : i32
      %dma_wait3A_1105 = tpu.memref_slice %arg3[%dma_wait3A_1095, %dma_wait3A_1103, %dma_wait3A_1104] : memref<26x100000x16xf32, #tpu.memory_space<hbm>> -> memref<1x100000x16xf32, #tpu.memory_space<hbm>>
      %dma_wait3A_1106 = tpu.memref_squeeze %dma_wait3A_1105 : memref<1x100000x16xf32, #tpu.memory_space<hbm>> -> memref<100000x16xf32, #tpu.memory_space<hbm>>
      %dma_wait3A_1107 = arith.constant 0 : i32
      %dma_wait3A_1108 = arith.constant 0 : i32
      %dma_wait3A_1109 = tpu.memref_slice %dma_wait3A_1106[%dma_wait3A_1107, %dma_wait3A_1108] : memref<100000x16xf32, #tpu.memory_space<hbm>> -> memref<128x16xf32, #tpu.memory_space<hbm>>
      %dma_wait3A_1110 = tpu.memref_slice %arg7[%rem3A_651] : memref<3x!tpu.dma_semaphore, #tpu.memory_space<semaphore_mem>> -> memref<1x!tpu.dma_semaphore, #tpu.memory_space<semaphore_mem>>
      %dma_wait3A_1111 = tpu.memref_squeeze %dma_wait3A_1110 : memref<1x!tpu.dma_semaphore, #tpu.memory_space<semaphore_mem>> -> memref<!tpu.dma_semaphore, #tpu.memory_space<semaphore_mem>>
      %dma_wait3A_1112 = arith.constant 0 : i32
      %dma_wait3A_1113 = arith.constant 0 : i32
      %dma_wait3A_1114 = tpu.memref_slice %arg6[%rem3A_651, %dma_wait3A_1112, %dma_wait3A_1113] : memref<3x2560x16xf32, #tpu.memory_space<vmem>> -> memref<1x2560x16xf32, #tpu.memory_space<vmem>>
      %dma_wait3A_1115 = tpu.memref_squeeze %dma_wait3A_1114 : memref<1x2560x16xf32, #tpu.memory_space<vmem>> -> memref<2560x16xf32, #tpu.memory_space<vmem>>
      %dma_wait3A_1116 = arith.constant 1792 : i32
      %dma_wait3A_1117 = arith.constant 0 : i32
      %dma_wait3A_1118 = tpu.memref_slice %dma_wait3A_1115[%dma_wait3A_1116, %dma_wait3A_1117] : memref<2560x16xf32, #tpu.memory_space<vmem>> -> memref<128x16xf32, #tpu.memory_space<vmem>>
      %dma_wait3A_1119 = arith.constant 0 : i32
      %dma_wait3A_1120 = arith.constant 0 : i32
      %dma_wait3A_1121 = tpu.memref_slice %arg3[%dma_wait3A_1095, %dma_wait3A_1119, %dma_wait3A_1120] : memref<26x100000x16xf32, #tpu.memory_space<hbm>> -> memref<1x100000x16xf32, #tpu.memory_space<hbm>>
      %dma_wait3A_1122 = tpu.memref_squeeze %dma_wait3A_1121 : memref<1x100000x16xf32, #tpu.memory_space<hbm>> -> memref<100000x16xf32, #tpu.memory_space<hbm>>
      %dma_wait3A_1123 = arith.constant 0 : i32
      %dma_wait3A_1124 = arith.constant 0 : i32
      %dma_wait3A_1125 = tpu.memref_slice %dma_wait3A_1122[%dma_wait3A_1123, %dma_wait3A_1124] : memref<100000x16xf32, #tpu.memory_space<hbm>> -> memref<128x16xf32, #tpu.memory_space<hbm>>
      tpu.wait_dma2 semaphore(%dma_wait3A_1111 : memref<!tpu.dma_semaphore, #tpu.memory_space<semaphore_mem>>) src(%dma_wait3A_1125 : memref<128x16xf32, #tpu.memory_space<hbm>>) dst(%dma_wait3A_1118 : memref<128x16xf32, #tpu.memory_space<vmem>>)
      %dma_wait3A_1126 = arith.constant 0 : i32
      %dma_wait3A_1127 = arith.constant 0 : i32
      %dma_wait3A_1128 = arith.constant 0 : i32
      %dma_wait3A_1129 = tpu.memref_slice %arg6[%rem3A_651, %dma_wait3A_1127, %dma_wait3A_1128] : memref<3x2560x16xf32, #tpu.memory_space<vmem>> -> memref<1x2560x16xf32, #tpu.memory_space<vmem>>
      %dma_wait3A_1130 = tpu.memref_squeeze %dma_wait3A_1129 : memref<1x2560x16xf32, #tpu.memory_space<vmem>> -> memref<2560x16xf32, #tpu.memory_space<vmem>>
      %dma_wait3A_1131 = arith.constant 1920 : i32
      %dma_wait3A_1132 = arith.constant 0 : i32
      %dma_wait3A_1133 = tpu.memref_slice %dma_wait3A_1130[%dma_wait3A_1131, %dma_wait3A_1132] : memref<2560x16xf32, #tpu.memory_space<vmem>> -> memref<128x16xf32, #tpu.memory_space<vmem>>
      %dma_wait3A_1134 = arith.constant 0 : i32
      %dma_wait3A_1135 = arith.constant 0 : i32
      %dma_wait3A_1136 = tpu.memref_slice %arg3[%dma_wait3A_1126, %dma_wait3A_1134, %dma_wait3A_1135] : memref<26x100000x16xf32, #tpu.memory_space<hbm>> -> memref<1x100000x16xf32, #tpu.memory_space<hbm>>
      %dma_wait3A_1137 = tpu.memref_squeeze %dma_wait3A_1136 : memref<1x100000x16xf32, #tpu.memory_space<hbm>> -> memref<100000x16xf32, #tpu.memory_space<hbm>>
      %dma_wait3A_1138 = arith.constant 0 : i32
      %dma_wait3A_1139 = arith.constant 0 : i32
      %dma_wait3A_1140 = tpu.memref_slice %dma_wait3A_1137[%dma_wait3A_1138, %dma_wait3A_1139] : memref<100000x16xf32, #tpu.memory_space<hbm>> -> memref<128x16xf32, #tpu.memory_space<hbm>>
      %dma_wait3A_1141 = tpu.memref_slice %arg7[%rem3A_651] : memref<3x!tpu.dma_semaphore, #tpu.memory_space<semaphore_mem>> -> memref<1x!tpu.dma_semaphore, #tpu.memory_space<semaphore_mem>>
      %dma_wait3A_1142 = tpu.memref_squeeze %dma_wait3A_1141 : memref<1x!tpu.dma_semaphore, #tpu.memory_space<semaphore_mem>> -> memref<!tpu.dma_semaphore, #tpu.memory_space<semaphore_mem>>
      %dma_wait3A_1143 = arith.constant 0 : i32
      %dma_wait3A_1144 = arith.constant 0 : i32
      %dma_wait3A_1145 = tpu.memref_slice %arg6[%rem3A_651, %dma_wait3A_1143, %dma_wait3A_1144] : memref<3x2560x16xf32, #tpu.memory_space<vmem>> -> memref<1x2560x16xf32, #tpu.memory_space<vmem>>
      %dma_wait3A_1146 = tpu.memref_squeeze %dma_wait3A_1145 : memref<1x2560x16xf32, #tpu.memory_space<vmem>> -> memref<2560x16xf32, #tpu.memory_space<vmem>>
      %dma_wait3A_1147 = arith.constant 1920 : i32
      %dma_wait3A_1148 = arith.constant 0 : i32
      %dma_wait3A_1149 = tpu.memref_slice %dma_wait3A_1146[%dma_wait3A_1147, %dma_wait3A_1148] : memref<2560x16xf32, #tpu.memory_space<vmem>> -> memref<128x16xf32, #tpu.memory_space<vmem>>
      %dma_wait3A_1150 = arith.constant 0 : i32
      %dma_wait3A_1151 = arith.constant 0 : i32
      %dma_wait3A_1152 = tpu.memref_slice %arg3[%dma_wait3A_1126, %dma_wait3A_1150, %dma_wait3A_1151] : memref<26x100000x16xf32, #tpu.memory_space<hbm>> -> memref<1x100000x16xf32, #tpu.memory_space<hbm>>
      %dma_wait3A_1153 = tpu.memref_squeeze %dma_wait3A_1152 : memref<1x100000x16xf32, #tpu.memory_space<hbm>> -> memref<100000x16xf32, #tpu.memory_space<hbm>>
      %dma_wait3A_1154 = arith.constant 0 : i32
      %dma_wait3A_1155 = arith.constant 0 : i32
      %dma_wait3A_1156 = tpu.memref_slice %dma_wait3A_1153[%dma_wait3A_1154, %dma_wait3A_1155] : memref<100000x16xf32, #tpu.memory_space<hbm>> -> memref<128x16xf32, #tpu.memory_space<hbm>>
      tpu.wait_dma2 semaphore(%dma_wait3A_1142 : memref<!tpu.dma_semaphore, #tpu.memory_space<semaphore_mem>>) src(%dma_wait3A_1156 : memref<128x16xf32, #tpu.memory_space<hbm>>) dst(%dma_wait3A_1149 : memref<128x16xf32, #tpu.memory_space<vmem>>)
      %dma_wait3A_1157 = arith.constant 0 : i32
      %dma_wait3A_1158 = arith.constant 0 : i32
      %dma_wait3A_1159 = arith.constant 0 : i32
      %dma_wait3A_1160 = tpu.memref_slice %arg6[%rem3A_651, %dma_wait3A_1158, %dma_wait3A_1159] : memref<3x2560x16xf32, #tpu.memory_space<vmem>> -> memref<1x2560x16xf32, #tpu.memory_space<vmem>>
      %dma_wait3A_1161 = tpu.memref_squeeze %dma_wait3A_1160 : memref<1x2560x16xf32, #tpu.memory_space<vmem>> -> memref<2560x16xf32, #tpu.memory_space<vmem>>
      %dma_wait3A_1162 = arith.constant 2048 : i32
      %dma_wait3A_1163 = arith.constant 0 : i32
      %dma_wait3A_1164 = tpu.memref_slice %dma_wait3A_1161[%dma_wait3A_1162, %dma_wait3A_1163] : memref<2560x16xf32, #tpu.memory_space<vmem>> -> memref<128x16xf32, #tpu.memory_space<vmem>>
      %dma_wait3A_1165 = arith.constant 0 : i32
      %dma_wait3A_1166 = arith.constant 0 : i32
      %dma_wait3A_1167 = tpu.memref_slice %arg3[%dma_wait3A_1157, %dma_wait3A_1165, %dma_wait3A_1166] : memref<26x100000x16xf32, #tpu.memory_space<hbm>> -> memref<1x100000x16xf32, #tpu.memory_space<hbm>>
      %dma_wait3A_1168 = tpu.memref_squeeze %dma_wait3A_1167 : memref<1x100000x16xf32, #tpu.memory_space<hbm>> -> memref<100000x16xf32, #tpu.memory_space<hbm>>
      %dma_wait3A_1169 = arith.constant 0 : i32
      %dma_wait3A_1170 = arith.constant 0 : i32
      %dma_wait3A_1171 = tpu.memref_slice %dma_wait3A_1168[%dma_wait3A_1169, %dma_wait3A_1170] : memref<100000x16xf32, #tpu.memory_space<hbm>> -> memref<128x16xf32, #tpu.memory_space<hbm>>
      %dma_wait3A_1172 = tpu.memref_slice %arg7[%rem3A_651] : memref<3x!tpu.dma_semaphore, #tpu.memory_space<semaphore_mem>> -> memref<1x!tpu.dma_semaphore, #tpu.memory_space<semaphore_mem>>
      %dma_wait3A_1173 = tpu.memref_squeeze %dma_wait3A_1172 : memref<1x!tpu.dma_semaphore, #tpu.memory_space<semaphore_mem>> -> memref<!tpu.dma_semaphore, #tpu.memory_space<semaphore_mem>>
      %dma_wait3A_1174 = arith.constant 0 : i32
      %dma_wait3A_1175 = arith.constant 0 : i32
      %dma_wait3A_1176 = tpu.memref_slice %arg6[%rem3A_651, %dma_wait3A_1174, %dma_wait3A_1175] : memref<3x2560x16xf32, #tpu.memory_space<vmem>> -> memref<1x2560x16xf32, #tpu.memory_space<vmem>>
      %dma_wait3A_1177 = tpu.memref_squeeze %dma_wait3A_1176 : memref<1x2560x16xf32, #tpu.memory_space<vmem>> -> memref<2560x16xf32, #tpu.memory_space<vmem>>
      %dma_wait3A_1178 = arith.constant 2048 : i32
      %dma_wait3A_1179 = arith.constant 0 : i32
      %dma_wait3A_1180 = tpu.memref_slice %dma_wait3A_1177[%dma_wait3A_1178, %dma_wait3A_1179] : memref<2560x16xf32, #tpu.memory_space<vmem>> -> memref<128x16xf32, #tpu.memory_space<vmem>>
      %dma_wait3A_1181 = arith.constant 0 : i32
      %dma_wait3A_1182 = arith.constant 0 : i32
      %dma_wait3A_1183 = tpu.memref_slice %arg3[%dma_wait3A_1157, %dma_wait3A_1181, %dma_wait3A_1182] : memref<26x100000x16xf32, #tpu.memory_space<hbm>> -> memref<1x100000x16xf32, #tpu.memory_space<hbm>>
      %dma_wait3A_1184 = tpu.memref_squeeze %dma_wait3A_1183 : memref<1x100000x16xf32, #tpu.memory_space<hbm>> -> memref<100000x16xf32, #tpu.memory_space<hbm>>
      %dma_wait3A_1185 = arith.constant 0 : i32
      %dma_wait3A_1186 = arith.constant 0 : i32
      %dma_wait3A_1187 = tpu.memref_slice %dma_wait3A_1184[%dma_wait3A_1185, %dma_wait3A_1186] : memref<100000x16xf32, #tpu.memory_space<hbm>> -> memref<128x16xf32, #tpu.memory_space<hbm>>
      tpu.wait_dma2 semaphore(%dma_wait3A_1173 : memref<!tpu.dma_semaphore, #tpu.memory_space<semaphore_mem>>) src(%dma_wait3A_1187 : memref<128x16xf32, #tpu.memory_space<hbm>>) dst(%dma_wait3A_1180 : memref<128x16xf32, #tpu.memory_space<vmem>>)
      %dma_wait3A_1188 = arith.constant 0 : i32
      %dma_wait3A_1189 = arith.constant 0 : i32
      %dma_wait3A_1190 = arith.constant 0 : i32
      %dma_wait3A_1191 = tpu.memref_slice %arg6[%rem3A_651, %dma_wait3A_1189, %dma_wait3A_1190] : memref<3x2560x16xf32, #tpu.memory_space<vmem>> -> memref<1x2560x16xf32, #tpu.memory_space<vmem>>
      %dma_wait3A_1192 = tpu.memref_squeeze %dma_wait3A_1191 : memref<1x2560x16xf32, #tpu.memory_space<vmem>> -> memref<2560x16xf32, #tpu.memory_space<vmem>>
      %dma_wait3A_1193 = arith.constant 2176 : i32
      %dma_wait3A_1194 = arith.constant 0 : i32
      %dma_wait3A_1195 = tpu.memref_slice %dma_wait3A_1192[%dma_wait3A_1193, %dma_wait3A_1194] : memref<2560x16xf32, #tpu.memory_space<vmem>> -> memref<128x16xf32, #tpu.memory_space<vmem>>
      %dma_wait3A_1196 = arith.constant 0 : i32
      %dma_wait3A_1197 = arith.constant 0 : i32
      %dma_wait3A_1198 = tpu.memref_slice %arg3[%dma_wait3A_1188, %dma_wait3A_1196, %dma_wait3A_1197] : memref<26x100000x16xf32, #tpu.memory_space<hbm>> -> memref<1x100000x16xf32, #tpu.memory_space<hbm>>
      %dma_wait3A_1199 = tpu.memref_squeeze %dma_wait3A_1198 : memref<1x100000x16xf32, #tpu.memory_space<hbm>> -> memref<100000x16xf32, #tpu.memory_space<hbm>>
      %dma_wait3A_1200 = arith.constant 0 : i32
      %dma_wait3A_1201 = arith.constant 0 : i32
      %dma_wait3A_1202 = tpu.memref_slice %dma_wait3A_1199[%dma_wait3A_1200, %dma_wait3A_1201] : memref<100000x16xf32, #tpu.memory_space<hbm>> -> memref<128x16xf32, #tpu.memory_space<hbm>>
      %dma_wait3A_1203 = tpu.memref_slice %arg7[%rem3A_651] : memref<3x!tpu.dma_semaphore, #tpu.memory_space<semaphore_mem>> -> memref<1x!tpu.dma_semaphore, #tpu.memory_space<semaphore_mem>>
      %dma_wait3A_1204 = tpu.memref_squeeze %dma_wait3A_1203 : memref<1x!tpu.dma_semaphore, #tpu.memory_space<semaphore_mem>> -> memref<!tpu.dma_semaphore, #tpu.memory_space<semaphore_mem>>
      %dma_wait3A_1205 = arith.constant 0 : i32
      %dma_wait3A_1206 = arith.constant 0 : i32
      %dma_wait3A_1207 = tpu.memref_slice %arg6[%rem3A_651, %dma_wait3A_1205, %dma_wait3A_1206] : memref<3x2560x16xf32, #tpu.memory_space<vmem>> -> memref<1x2560x16xf32, #tpu.memory_space<vmem>>
      %dma_wait3A_1208 = tpu.memref_squeeze %dma_wait3A_1207 : memref<1x2560x16xf32, #tpu.memory_space<vmem>> -> memref<2560x16xf32, #tpu.memory_space<vmem>>
      %dma_wait3A_1209 = arith.constant 2176 : i32
      %dma_wait3A_1210 = arith.constant 0 : i32
      %dma_wait3A_1211 = tpu.memref_slice %dma_wait3A_1208[%dma_wait3A_1209, %dma_wait3A_1210] : memref<2560x16xf32, #tpu.memory_space<vmem>> -> memref<128x16xf32, #tpu.memory_space<vmem>>
      %dma_wait3A_1212 = arith.constant 0 : i32
      %dma_wait3A_1213 = arith.constant 0 : i32
      %dma_wait3A_1214 = tpu.memref_slice %arg3[%dma_wait3A_1188, %dma_wait3A_1212, %dma_wait3A_1213] : memref<26x100000x16xf32, #tpu.memory_space<hbm>> -> memref<1x100000x16xf32, #tpu.memory_space<hbm>>
      %dma_wait3A_1215 = tpu.memref_squeeze %dma_wait3A_1214 : memref<1x100000x16xf32, #tpu.memory_space<hbm>> -> memref<100000x16xf32, #tpu.memory_space<hbm>>
      %dma_wait3A_1216 = arith.constant 0 : i32
      %dma_wait3A_1217 = arith.constant 0 : i32
      %dma_wait3A_1218 = tpu.memref_slice %dma_wait3A_1215[%dma_wait3A_1216, %dma_wait3A_1217] : memref<100000x16xf32, #tpu.memory_space<hbm>> -> memref<128x16xf32, #tpu.memory_space<hbm>>
      tpu.wait_dma2 semaphore(%dma_wait3A_1204 : memref<!tpu.dma_semaphore, #tpu.memory_space<semaphore_mem>>) src(%dma_wait3A_1218 : memref<128x16xf32, #tpu.memory_space<hbm>>) dst(%dma_wait3A_1211 : memref<128x16xf32, #tpu.memory_space<vmem>>)
      %dma_wait3A_1219 = arith.constant 0 : i32
      %dma_wait3A_1220 = arith.constant 0 : i32
      %dma_wait3A_1221 = arith.constant 0 : i32
      %dma_wait3A_1222 = tpu.memref_slice %arg6[%rem3A_651, %dma_wait3A_1220, %dma_wait3A_1221] : memref<3x2560x16xf32, #tpu.memory_space<vmem>> -> memref<1x2560x16xf32, #tpu.memory_space<vmem>>
      %dma_wait3A_1223 = tpu.memref_squeeze %dma_wait3A_1222 : memref<1x2560x16xf32, #tpu.memory_space<vmem>> -> memref<2560x16xf32, #tpu.memory_space<vmem>>
      %dma_wait3A_1224 = arith.constant 2304 : i32
      %dma_wait3A_1225 = arith.constant 0 : i32
      %dma_wait3A_1226 = tpu.memref_slice %dma_wait3A_1223[%dma_wait3A_1224, %dma_wait3A_1225] : memref<2560x16xf32, #tpu.memory_space<vmem>> -> memref<128x16xf32, #tpu.memory_space<vmem>>
      %dma_wait3A_1227 = arith.constant 0 : i32
      %dma_wait3A_1228 = arith.constant 0 : i32
      %dma_wait3A_1229 = tpu.memref_slice %arg3[%dma_wait3A_1219, %dma_wait3A_1227, %dma_wait3A_1228] : memref<26x100000x16xf32, #tpu.memory_space<hbm>> -> memref<1x100000x16xf32, #tpu.memory_space<hbm>>
      %dma_wait3A_1230 = tpu.memref_squeeze %dma_wait3A_1229 : memref<1x100000x16xf32, #tpu.memory_space<hbm>> -> memref<100000x16xf32, #tpu.memory_space<hbm>>
      %dma_wait3A_1231 = arith.constant 0 : i32
      %dma_wait3A_1232 = arith.constant 0 : i32
      %dma_wait3A_1233 = tpu.memref_slice %dma_wait3A_1230[%dma_wait3A_1231, %dma_wait3A_1232] : memref<100000x16xf32, #tpu.memory_space<hbm>> -> memref<128x16xf32, #tpu.memory_space<hbm>>
      %dma_wait3A_1234 = tpu.memref_slice %arg7[%rem3A_651] : memref<3x!tpu.dma_semaphore, #tpu.memory_space<semaphore_mem>> -> memref<1x!tpu.dma_semaphore, #tpu.memory_space<semaphore_mem>>
      %dma_wait3A_1235 = tpu.memref_squeeze %dma_wait3A_1234 : memref<1x!tpu.dma_semaphore, #tpu.memory_space<semaphore_mem>> -> memref<!tpu.dma_semaphore, #tpu.memory_space<semaphore_mem>>
      %dma_wait3A_1236 = arith.constant 0 : i32
      %dma_wait3A_1237 = arith.constant 0 : i32
      %dma_wait3A_1238 = tpu.memref_slice %arg6[%rem3A_651, %dma_wait3A_1236, %dma_wait3A_1237] : memref<3x2560x16xf32, #tpu.memory_space<vmem>> -> memref<1x2560x16xf32, #tpu.memory_space<vmem>>
      %dma_wait3A_1239 = tpu.memref_squeeze %dma_wait3A_1238 : memref<1x2560x16xf32, #tpu.memory_space<vmem>> -> memref<2560x16xf32, #tpu.memory_space<vmem>>
      %dma_wait3A_1240 = arith.constant 2304 : i32
      %dma_wait3A_1241 = arith.constant 0 : i32
      %dma_wait3A_1242 = tpu.memref_slice %dma_wait3A_1239[%dma_wait3A_1240, %dma_wait3A_1241] : memref<2560x16xf32, #tpu.memory_space<vmem>> -> memref<128x16xf32, #tpu.memory_space<vmem>>
      %dma_wait3A_1243 = arith.constant 0 : i32
      %dma_wait3A_1244 = arith.constant 0 : i32
      %dma_wait3A_1245 = tpu.memref_slice %arg3[%dma_wait3A_1219, %dma_wait3A_1243, %dma_wait3A_1244] : memref<26x100000x16xf32, #tpu.memory_space<hbm>> -> memref<1x100000x16xf32, #tpu.memory_space<hbm>>
      %dma_wait3A_1246 = tpu.memref_squeeze %dma_wait3A_1245 : memref<1x100000x16xf32, #tpu.memory_space<hbm>> -> memref<100000x16xf32, #tpu.memory_space<hbm>>
      %dma_wait3A_1247 = arith.constant 0 : i32
      %dma_wait3A_1248 = arith.constant 0 : i32
      %dma_wait3A_1249 = tpu.memref_slice %dma_wait3A_1246[%dma_wait3A_1247, %dma_wait3A_1248] : memref<100000x16xf32, #tpu.memory_space<hbm>> -> memref<128x16xf32, #tpu.memory_space<hbm>>
      tpu.wait_dma2 semaphore(%dma_wait3A_1235 : memref<!tpu.dma_semaphore, #tpu.memory_space<semaphore_mem>>) src(%dma_wait3A_1249 : memref<128x16xf32, #tpu.memory_space<hbm>>) dst(%dma_wait3A_1242 : memref<128x16xf32, #tpu.memory_space<vmem>>)
      %dma_wait3A_1250 = arith.constant 0 : i32
      %dma_wait3A_1251 = arith.constant 0 : i32
      %dma_wait3A_1252 = arith.constant 0 : i32
      %dma_wait3A_1253 = tpu.memref_slice %arg6[%rem3A_651, %dma_wait3A_1251, %dma_wait3A_1252] : memref<3x2560x16xf32, #tpu.memory_space<vmem>> -> memref<1x2560x16xf32, #tpu.memory_space<vmem>>
      %dma_wait3A_1254 = tpu.memref_squeeze %dma_wait3A_1253 : memref<1x2560x16xf32, #tpu.memory_space<vmem>> -> memref<2560x16xf32, #tpu.memory_space<vmem>>
      %dma_wait3A_1255 = arith.constant 2432 : i32
      %dma_wait3A_1256 = arith.constant 0 : i32
      %dma_wait3A_1257 = tpu.memref_slice %dma_wait3A_1254[%dma_wait3A_1255, %dma_wait3A_1256] : memref<2560x16xf32, #tpu.memory_space<vmem>> -> memref<128x16xf32, #tpu.memory_space<vmem>>
      %dma_wait3A_1258 = arith.constant 0 : i32
      %dma_wait3A_1259 = arith.constant 0 : i32
      %dma_wait3A_1260 = tpu.memref_slice %arg3[%dma_wait3A_1250, %dma_wait3A_1258, %dma_wait3A_1259] : memref<26x100000x16xf32, #tpu.memory_space<hbm>> -> memref<1x100000x16xf32, #tpu.memory_space<hbm>>
      %dma_wait3A_1261 = tpu.memref_squeeze %dma_wait3A_1260 : memref<1x100000x16xf32, #tpu.memory_space<hbm>> -> memref<100000x16xf32, #tpu.memory_space<hbm>>
      %dma_wait3A_1262 = arith.constant 0 : i32
      %dma_wait3A_1263 = arith.constant 0 : i32
      %dma_wait3A_1264 = tpu.memref_slice %dma_wait3A_1261[%dma_wait3A_1262, %dma_wait3A_1263] : memref<100000x16xf32, #tpu.memory_space<hbm>> -> memref<128x16xf32, #tpu.memory_space<hbm>>
      %dma_wait3A_1265 = tpu.memref_slice %arg7[%rem3A_651] : memref<3x!tpu.dma_semaphore, #tpu.memory_space<semaphore_mem>> -> memref<1x!tpu.dma_semaphore, #tpu.memory_space<semaphore_mem>>
      %dma_wait3A_1266 = tpu.memref_squeeze %dma_wait3A_1265 : memref<1x!tpu.dma_semaphore, #tpu.memory_space<semaphore_mem>> -> memref<!tpu.dma_semaphore, #tpu.memory_space<semaphore_mem>>
      %dma_wait3A_1267 = arith.constant 0 : i32
      %dma_wait3A_1268 = arith.constant 0 : i32
      %dma_wait3A_1269 = tpu.memref_slice %arg6[%rem3A_651, %dma_wait3A_1267, %dma_wait3A_1268] : memref<3x2560x16xf32, #tpu.memory_space<vmem>> -> memref<1x2560x16xf32, #tpu.memory_space<vmem>>
      %dma_wait3A_1270 = tpu.memref_squeeze %dma_wait3A_1269 : memref<1x2560x16xf32, #tpu.memory_space<vmem>> -> memref<2560x16xf32, #tpu.memory_space<vmem>>
      %dma_wait3A_1271 = arith.constant 2432 : i32
      %dma_wait3A_1272 = arith.constant 0 : i32
      %dma_wait3A_1273 = tpu.memref_slice %dma_wait3A_1270[%dma_wait3A_1271, %dma_wait3A_1272] : memref<2560x16xf32, #tpu.memory_space<vmem>> -> memref<128x16xf32, #tpu.memory_space<vmem>>
      %dma_wait3A_1274 = arith.constant 0 : i32
      %dma_wait3A_1275 = arith.constant 0 : i32
      %dma_wait3A_1276 = tpu.memref_slice %arg3[%dma_wait3A_1250, %dma_wait3A_1274, %dma_wait3A_1275] : memref<26x100000x16xf32, #tpu.memory_space<hbm>> -> memref<1x100000x16xf32, #tpu.memory_space<hbm>>
      %dma_wait3A_1277 = tpu.memref_squeeze %dma_wait3A_1276 : memref<1x100000x16xf32, #tpu.memory_space<hbm>> -> memref<100000x16xf32, #tpu.memory_space<hbm>>
      %dma_wait3A_1278 = arith.constant 0 : i32
      %dma_wait3A_1279 = arith.constant 0 : i32
      %dma_wait3A_1280 = tpu.memref_slice %dma_wait3A_1277[%dma_wait3A_1278, %dma_wait3A_1279] : memref<100000x16xf32, #tpu.memory_space<hbm>> -> memref<128x16xf32, #tpu.memory_space<hbm>>
      tpu.wait_dma2 semaphore(%dma_wait3A_1266 : memref<!tpu.dma_semaphore, #tpu.memory_space<semaphore_mem>>) src(%dma_wait3A_1280 : memref<128x16xf32, #tpu.memory_space<hbm>>) dst(%dma_wait3A_1273 : memref<128x16xf32, #tpu.memory_space<vmem>>)
      %add3A_1281 = arith.constant 2 : i32
      %add3A_1282 = arith.addi %scan3A_649, %add3A_1281 : i32
      %lt3A_1283 = arith.constant 65 : i32
      %lt3A_1284 = arith.cmpi slt, %add3A_1282, %lt3A_1283 : i32
      %convert_element_type3A_1285 = arith.extui %lt3A_1284 : i1 to i32
      %cond3A_1286 = arith.constant 0 : i32
      %cond3A_1287 = arith.cmpi ne, %convert_element_type3A_1285, %cond3A_1286 : i32
      scf.if %cond3A_1287 {
        %add3A_1307 = arith.constant 2 : i32
        %add3A_1308 = arith.addi %scan3A_649, %add3A_1307 : i32
        %mul3A_1309 = arith.constant 20 : i32
        %mul3A_1310 = arith.muli %add3A_1308, %mul3A_1309 : i32
        %add3A_1311 = arith.addi %mul3A_2, %mul3A_1310 : i32
        %jit3A_1312 = arith.constant 1600 : i32
        %div3A_1313 = arith.divsi %add3A_1311, %jit3A_1312 : i32
        %sign3A_1314 = arith.constant 0 : i32
        %sign3A_1315 = arith.cmpi sgt, %add3A_1311, %sign3A_1314 : i32
        %sign3A_1316 = arith.extui %sign3A_1315 : i1 to i32
        %sign3A_1317 = arith.constant 0 : i32
        %sign3A_1318 = arith.cmpi slt, %add3A_1311, %sign3A_1317 : i32
        %sign3A_1319 = arith.extui %sign3A_1318 : i1 to i32
        %sign3A_1320 = arith.subi %sign3A_1316, %sign3A_1319 : i32
        %sign3A_1321 = arith.constant 0 : i32
        %sign3A_1322 = arith.cmpi sgt, %jit3A_1312, %sign3A_1321 : i32
        %sign3A_1323 = arith.extui %sign3A_1322 : i1 to i32
        %sign3A_1324 = arith.constant 0 : i32
        %sign3A_1325 = arith.cmpi slt, %jit3A_1312, %sign3A_1324 : i32
        %sign3A_1326 = arith.extui %sign3A_1325 : i1 to i32
        %sign3A_1327 = arith.subi %sign3A_1323, %sign3A_1326 : i32
        %ne3A_1328 = arith.cmpi ne, %sign3A_1320, %sign3A_1327 : i32
        %rem3A_1329 = arith.remsi %add3A_1311, %jit3A_1312 : i32
        %ne3A_1330 = arith.constant 0 : i32
        %ne3A_1331 = arith.cmpi ne, %rem3A_1329, %ne3A_1330 : i32
        %and3A_1332 = arith.andi %ne3A_1328, %ne3A_1331 : i1
        %sub3A_1333 = arith.constant 1 : i32
        %sub3A_1334 = arith.subi %div3A_1313, %sub3A_1333 : i32
        %select_n3A_1335 = arith.select %and3A_1332, %sub3A_1334, %div3A_1313 : i32
        %jit3A_1336 = arith.constant 1600 : i32
        %eq3A_1337 = arith.constant 0 : i32
        %eq3A_1338 = arith.cmpi eq, %jit3A_1336, %eq3A_1337 : i32
        %jit3A_1339 = arith.constant 1 : i32
        %select_n3A_1340 = arith.select %eq3A_1338, %jit3A_1339, %jit3A_1336 : i32
        %rem3A_1341 = arith.remsi %add3A_1311, %select_n3A_1340 : i32
        %ne3A_1342 = arith.constant 0 : i32
        %ne3A_1343 = arith.cmpi ne, %rem3A_1341, %ne3A_1342 : i32
        %lt3A_1344 = arith.constant 0 : i32
        %lt3A_1345 = arith.cmpi slt, %rem3A_1341, %lt3A_1344 : i32
        %lt3A_1346 = arith.constant 0 : i32
        %lt3A_1347 = arith.cmpi slt, %select_n3A_1340, %lt3A_1346 : i32
        %ne3A_1348 = arith.xori %lt3A_1345, %lt3A_1347 : i1
        %and3A_1349 = arith.andi %ne3A_1348, %ne3A_1343 : i1
        %add3A_1350 = arith.addi %rem3A_1341, %select_n3A_1340 : i32
        %select_n3A_1351 = arith.select %and3A_1349, %add3A_1350, %rem3A_1341 : i32
        %mul3A_1352 = arith.constant 128 : i32
        %mul3A_1353 = arith.muli %select_n3A_1351, %mul3A_1352 : i32
        %rem3A_1354 = arith.constant 2 : i32
        %rem3A_1355 = arith.remsi %add3A_1308, %rem3A_1354 : i32
        %dma_start3A_1356 = arith.constant 0 : i32
        %dma_start3A_1357 = tpu.memref_slice %arg5[%rem3A_1355, %dma_start3A_1356] : memref<2x2560xi32, #tpu.memory_space<vmem>> -> memref<1x2560xi32, #tpu.memory_space<vmem>>
        %dma_start3A_1358 = tpu.memref_squeeze %dma_start3A_1357 : memref<1x2560xi32, #tpu.memory_space<vmem>> -> memref<2560xi32, #tpu.memory_space<vmem>>
        %dma_start3A_1359 = tpu.memref_slice %arg2[%select_n3A_1335, %mul3A_1353] : memref<26x204800xi32, #tpu.memory_space<hbm>> -> memref<1x2560xi32, #tpu.memory_space<hbm>>
        %dma_start3A_1360 = tpu.memref_squeeze %dma_start3A_1359 : memref<1x2560xi32, #tpu.memory_space<hbm>> -> memref<2560xi32, #tpu.memory_space<hbm>>
        %dma_start3A_1361 = arith.constant 0 : i32
        %dma_start3A_1362 = tpu.memref_slice %arg5[%rem3A_1355, %dma_start3A_1361] : memref<2x2560xi32, #tpu.memory_space<vmem>> -> memref<1x2560xi32, #tpu.memory_space<vmem>>
        %dma_start3A_1363 = tpu.memref_squeeze %dma_start3A_1362 : memref<1x2560xi32, #tpu.memory_space<vmem>> -> memref<2560xi32, #tpu.memory_space<vmem>>
        %dma_start3A_1364 = tpu.memref_slice %arg2[%select_n3A_1335, %mul3A_1353] : memref<26x204800xi32, #tpu.memory_space<hbm>> -> memref<1x2560xi32, #tpu.memory_space<hbm>>
        %dma_start3A_1365 = tpu.memref_squeeze %dma_start3A_1364 : memref<1x2560xi32, #tpu.memory_space<hbm>> -> memref<2560xi32, #tpu.memory_space<hbm>>
        tpu.enqueue_dma source(%dma_start3A_1365 : memref<2560xi32, #tpu.memory_space<hbm>>) target(%dma_start3A_1363 : memref<2560xi32, #tpu.memory_space<vmem>>) target_semaphore(%arg9 : memref<!tpu.dma_semaphore, #tpu.memory_space<semaphore_mem>>)
      } else {
      }
      %mul3A_1288 = arith.constant 20 : i32
      %mul3A_1289 = arith.muli %scan3A_649, %mul3A_1288 : i32
      %add3A_1290 = arith.addi %mul3A_2, %mul3A_1289 : i32
      %mul3A_1291 = arith.constant 128 : i32
      %mul3A_1292 = arith.muli %add3A_1290, %mul3A_1291 : i32
      %dma_start3A_1293 = arith.constant 0 : i32
      %dma_start3A_1294 = arith.constant 0 : i32
      %dma_start3A_1295 = tpu.memref_slice %arg6[%rem3A_651, %dma_start3A_1293, %dma_start3A_1294] : memref<3x2560x16xf32, #tpu.memory_space<vmem>> -> memref<1x2560x16xf32, #tpu.memory_space<vmem>>
      %dma_start3A_1296 = tpu.memref_squeeze %dma_start3A_1295 : memref<1x2560x16xf32, #tpu.memory_space<vmem>> -> memref<2560x16xf32, #tpu.memory_space<vmem>>
      %dma_start3A_1297 = arith.constant 0 : i32
      %dma_start3A_1298 = tpu.memref_slice %arg4[%mul3A_1292, %dma_start3A_1297] : memref<5324800x16xf32, #tpu.memory_space<hbm>> -> memref<2560x16xf32, #tpu.memory_space<hbm>>
      %dma_start3A_1299 = tpu.memref_slice %arg8[%rem3A_651] : memref<3x!tpu.dma_semaphore, #tpu.memory_space<semaphore_mem>> -> memref<1x!tpu.dma_semaphore, #tpu.memory_space<semaphore_mem>>
      %dma_start3A_1300 = tpu.memref_squeeze %dma_start3A_1299 : memref<1x!tpu.dma_semaphore, #tpu.memory_space<semaphore_mem>> -> memref<!tpu.dma_semaphore, #tpu.memory_space<semaphore_mem>>
      %dma_start3A_1301 = arith.constant 0 : i32
      %dma_start3A_1302 = tpu.memref_slice %arg4[%mul3A_1292, %dma_start3A_1301] : memref<5324800x16xf32, #tpu.memory_space<hbm>> -> memref<2560x16xf32, #tpu.memory_space<hbm>>
      %dma_start3A_1303 = arith.constant 0 : i32
      %dma_start3A_1304 = arith.constant 0 : i32
      %dma_start3A_1305 = tpu.memref_slice %arg6[%rem3A_651, %dma_start3A_1303, %dma_start3A_1304] : memref<3x2560x16xf32, #tpu.memory_space<vmem>> -> memref<1x2560x16xf32, #tpu.memory_space<vmem>>
      %dma_start3A_1306 = tpu.memref_squeeze %dma_start3A_1305 : memref<1x2560x16xf32, #tpu.memory_space<vmem>> -> memref<2560x16xf32, #tpu.memory_space<vmem>>
      tpu.enqueue_dma source(%dma_start3A_1306 : memref<2560x16xf32, #tpu.memory_space<vmem>>) target(%dma_start3A_1302 : memref<2560x16xf32, #tpu.memory_space<hbm>>) target_semaphore(%dma_start3A_1300 : memref<!tpu.dma_semaphore, #tpu.memory_space<semaphore_mem>>)
    }
    %scan3A_612 = arith.constant 65 : i32
    %dma_wait3A_613 = arith.constant 1 : i32
    %dma_wait3A_614 = arith.constant 1 : i32
    %dma_wait3A_615 = arith.constant 0 : i32
    %dma_wait3A_616 = arith.constant 0 : i32
    %dma_wait3A_617 = tpu.memref_slice %arg6[%dma_wait3A_613, %dma_wait3A_615, %dma_wait3A_616] : memref<3x2560x16xf32, #tpu.memory_space<vmem>> -> memref<1x2560x16xf32, #tpu.memory_space<vmem>>
    %dma_wait3A_618 = tpu.memref_squeeze %dma_wait3A_617 : memref<1x2560x16xf32, #tpu.memory_space<vmem>> -> memref<2560x16xf32, #tpu.memory_space<vmem>>
    %dma_wait3A_619 = arith.constant 0 : i32
    %dma_wait3A_620 = arith.constant 0 : i32
    %dma_wait3A_621 = tpu.memref_slice %arg4[%dma_wait3A_619, %dma_wait3A_620] : memref<5324800x16xf32, #tpu.memory_space<hbm>> -> memref<2560x16xf32, #tpu.memory_space<hbm>>
    %dma_wait3A_622 = tpu.memref_slice %arg8[%dma_wait3A_614] : memref<3x!tpu.dma_semaphore, #tpu.memory_space<semaphore_mem>> -> memref<1x!tpu.dma_semaphore, #tpu.memory_space<semaphore_mem>>
    %dma_wait3A_623 = tpu.memref_squeeze %dma_wait3A_622 : memref<1x!tpu.dma_semaphore, #tpu.memory_space<semaphore_mem>> -> memref<!tpu.dma_semaphore, #tpu.memory_space<semaphore_mem>>
    %dma_wait3A_624 = arith.constant 0 : i32
    %dma_wait3A_625 = arith.constant 0 : i32
    %dma_wait3A_626 = tpu.memref_slice %arg4[%dma_wait3A_624, %dma_wait3A_625] : memref<5324800x16xf32, #tpu.memory_space<hbm>> -> memref<2560x16xf32, #tpu.memory_space<hbm>>
    %dma_wait3A_627 = arith.constant 0 : i32
    %dma_wait3A_628 = arith.constant 0 : i32
    %dma_wait3A_629 = tpu.memref_slice %arg6[%dma_wait3A_613, %dma_wait3A_627, %dma_wait3A_628] : memref<3x2560x16xf32, #tpu.memory_space<vmem>> -> memref<1x2560x16xf32, #tpu.memory_space<vmem>>
    %dma_wait3A_630 = tpu.memref_squeeze %dma_wait3A_629 : memref<1x2560x16xf32, #tpu.memory_space<vmem>> -> memref<2560x16xf32, #tpu.memory_space<vmem>>
    tpu.wait_dma2 semaphore(%dma_wait3A_623 : memref<!tpu.dma_semaphore, #tpu.memory_space<semaphore_mem>>) src(%dma_wait3A_630 : memref<2560x16xf32, #tpu.memory_space<vmem>>) dst(%dma_wait3A_626 : memref<2560x16xf32, #tpu.memory_space<hbm>>)
    %dma_wait3A_631 = arith.constant 0 : i32
    %dma_wait3A_632 = arith.constant 0 : i32
    %dma_wait3A_633 = arith.constant 0 : i32
    %dma_wait3A_634 = arith.constant 0 : i32
    %dma_wait3A_635 = tpu.memref_slice %arg6[%dma_wait3A_631, %dma_wait3A_633, %dma_wait3A_634] : memref<3x2560x16xf32, #tpu.memory_space<vmem>> -> memref<1x2560x16xf32, #tpu.memory_space<vmem>>
    %dma_wait3A_636 = tpu.memref_squeeze %dma_wait3A_635 : memref<1x2560x16xf32, #tpu.memory_space<vmem>> -> memref<2560x16xf32, #tpu.memory_space<vmem>>
    %dma_wait3A_637 = arith.constant 0 : i32
    %dma_wait3A_638 = arith.constant 0 : i32
    %dma_wait3A_639 = tpu.memref_slice %arg4[%dma_wait3A_637, %dma_wait3A_638] : memref<5324800x16xf32, #tpu.memory_space<hbm>> -> memref<2560x16xf32, #tpu.memory_space<hbm>>
    %dma_wait3A_640 = tpu.memref_slice %arg8[%dma_wait3A_632] : memref<3x!tpu.dma_semaphore, #tpu.memory_space<semaphore_mem>> -> memref<1x!tpu.dma_semaphore, #tpu.memory_space<semaphore_mem>>
    %dma_wait3A_641 = tpu.memref_squeeze %dma_wait3A_640 : memref<1x!tpu.dma_semaphore, #tpu.memory_space<semaphore_mem>> -> memref<!tpu.dma_semaphore, #tpu.memory_space<semaphore_mem>>
    %dma_wait3A_642 = arith.constant 0 : i32
    %dma_wait3A_643 = arith.constant 0 : i32
    %dma_wait3A_644 = tpu.memref_slice %arg4[%dma_wait3A_642, %dma_wait3A_643] : memref<5324800x16xf32, #tpu.memory_space<hbm>> -> memref<2560x16xf32, #tpu.memory_space<hbm>>
    %dma_wait3A_645 = arith.constant 0 : i32
    %dma_wait3A_646 = arith.constant 0 : i32
    %dma_wait3A_647 = tpu.memref_slice %arg6[%dma_wait3A_631, %dma_wait3A_645, %dma_wait3A_646] : memref<3x2560x16xf32, #tpu.memory_space<vmem>> -> memref<1x2560x16xf32, #tpu.memory_space<vmem>>
    %dma_wait3A_648 = tpu.memref_squeeze %dma_wait3A_647 : memref<1x2560x16xf32, #tpu.memory_space<vmem>> -> memref<2560x16xf32, #tpu.memory_space<vmem>>
    tpu.wait_dma2 semaphore(%dma_wait3A_641 : memref<!tpu.dma_semaphore, #tpu.memory_space<semaphore_mem>>) src(%dma_wait3A_648 : memref<2560x16xf32, #tpu.memory_space<vmem>>) dst(%dma_wait3A_644 : memref<2560x16xf32, #tpu.memory_space<hbm>>)
    return
  }
}

module attributes {stable_mosaic.version = 14 : i64} {
  func.func @body(%arg0: i32, %arg1: memref<26x1024x128xf32, #tpu.memory_space<vmem>>, %arg2: memref<26x128x256xf32, #tpu.memory_space<vmem>>, %arg3: memref<1x256xf32, #tpu.memory_space<vmem>>, %arg4: memref<256x8xf32, #tpu.memory_space<vmem>>, %arg5: memref<1x1xf32, #tpu.memory_space<vmem>>, %arg6: memref<1x1024x8xf32, #tpu.memory_space<vmem>>) attributes {dimension_semantics = [#tpu.dimension_semantics<arbitrary>], iteration_bounds = array<i64: 25>, scalar_prefetch = 0 : i64, scratch_operands = 0 : i64, tpu.core_type = #tpu.core_type<tc>, window_params = [{transform_indices = @transform_0, window_bounds = array<i64: 26, 1024, 128>}, {pipeline_mode = #tpu.pipeline_mode<synchronous>, transform_indices = @transform_1, window_bounds = array<i64: 26, 128, 256>}, {pipeline_mode = #tpu.pipeline_mode<synchronous>, transform_indices = @transform_2, window_bounds = array<i64: 1, 256>}, {pipeline_mode = #tpu.pipeline_mode<synchronous>, transform_indices = @transform_3, window_bounds = array<i64: 256, 8>}, {pipeline_mode = #tpu.pipeline_mode<synchronous>, transform_indices = @transform_4, window_bounds = array<i64: 1, 1>}, {transform_indices = @transform_5, window_bounds = array<i64: 1, 1024, 8>}]} {
    %get3A = arith.constant 0 : index
    %get3A_0 = arith.constant 0 : index
    %get3A_1 = arith.constant 0 : index
    %get3A_2 = vector.load %arg1[%get3A, %get3A_0, %get3A_1] : memref<26x1024x128xf32, #tpu.memory_space<vmem>>, vector<1x1024x128xf32>
    %get3A_3 = vector.shape_cast %get3A_2 : vector<1x1024x128xf32> to vector<1024x128xf32>
    %get3A_4 = arith.constant 0 : index
    %get3A_5 = arith.constant 0 : index
    %get3A_6 = arith.constant 0 : index
    %get3A_7 = vector.load %arg2[%get3A_4, %get3A_5, %get3A_6] : memref<26x128x256xf32, #tpu.memory_space<vmem>>, vector<1x128x256xf32>
    %get3A_8 = vector.shape_cast %get3A_7 : vector<1x128x256xf32> to vector<128x256xf32>
    %dot_general3A = arith.constant dense<0.000000e+00> : vector<1024x256xf32>
    %dot_general3A_9 = tpu.matmul %get3A_3, %get3A_8, %dot_general3A {dimension_numbers = #tpu.dot_dimension_numbers<[1], [0], [0], [1], [0, 0, 1, 1], [], []>, transpose_lhs_hint = false} : vector<1024x128xf32>, vector<128x256xf32>, vector<1024x256xf32> -> vector<1024x256xf32>
    %get3A_10 = arith.constant 1 : index
    %get3A_11 = arith.constant 0 : index
    %get3A_12 = arith.constant 0 : index
    %get3A_13 = vector.load %arg1[%get3A_10, %get3A_11, %get3A_12] : memref<26x1024x128xf32, #tpu.memory_space<vmem>>, vector<1x1024x128xf32>
    %get3A_14 = vector.shape_cast %get3A_13 : vector<1x1024x128xf32> to vector<1024x128xf32>
    %get3A_15 = arith.constant 1 : index
    %get3A_16 = arith.constant 0 : index
    %get3A_17 = arith.constant 0 : index
    %get3A_18 = vector.load %arg2[%get3A_15, %get3A_16, %get3A_17] : memref<26x128x256xf32, #tpu.memory_space<vmem>>, vector<1x128x256xf32>
    %get3A_19 = vector.shape_cast %get3A_18 : vector<1x128x256xf32> to vector<128x256xf32>
    %dot_general3A_20 = arith.constant dense<0.000000e+00> : vector<1024x256xf32>
    %dot_general3A_21 = tpu.matmul %get3A_14, %get3A_19, %dot_general3A_20 {dimension_numbers = #tpu.dot_dimension_numbers<[1], [0], [0], [1], [0, 0, 1, 1], [], []>, transpose_lhs_hint = false} : vector<1024x128xf32>, vector<128x256xf32>, vector<1024x256xf32> -> vector<1024x256xf32>
    %add3A = arith.addf %dot_general3A_9, %dot_general3A_21 : vector<1024x256xf32>
    %get3A_22 = arith.constant 2 : index
    %get3A_23 = arith.constant 0 : index
    %get3A_24 = arith.constant 0 : index
    %get3A_25 = vector.load %arg1[%get3A_22, %get3A_23, %get3A_24] : memref<26x1024x128xf32, #tpu.memory_space<vmem>>, vector<1x1024x128xf32>
    %get3A_26 = vector.shape_cast %get3A_25 : vector<1x1024x128xf32> to vector<1024x128xf32>
    %get3A_27 = arith.constant 2 : index
    %get3A_28 = arith.constant 0 : index
    %get3A_29 = arith.constant 0 : index
    %get3A_30 = vector.load %arg2[%get3A_27, %get3A_28, %get3A_29] : memref<26x128x256xf32, #tpu.memory_space<vmem>>, vector<1x128x256xf32>
    %get3A_31 = vector.shape_cast %get3A_30 : vector<1x128x256xf32> to vector<128x256xf32>
    %dot_general3A_32 = arith.constant dense<0.000000e+00> : vector<1024x256xf32>
    %dot_general3A_33 = tpu.matmul %get3A_26, %get3A_31, %dot_general3A_32 {dimension_numbers = #tpu.dot_dimension_numbers<[1], [0], [0], [1], [0, 0, 1, 1], [], []>, transpose_lhs_hint = false} : vector<1024x128xf32>, vector<128x256xf32>, vector<1024x256xf32> -> vector<1024x256xf32>
    %add3A_34 = arith.addf %add3A, %dot_general3A_33 : vector<1024x256xf32>
    %get3A_35 = arith.constant 3 : index
    %get3A_36 = arith.constant 0 : index
    %get3A_37 = arith.constant 0 : index
    %get3A_38 = vector.load %arg1[%get3A_35, %get3A_36, %get3A_37] : memref<26x1024x128xf32, #tpu.memory_space<vmem>>, vector<1x1024x128xf32>
    %get3A_39 = vector.shape_cast %get3A_38 : vector<1x1024x128xf32> to vector<1024x128xf32>
    %get3A_40 = arith.constant 3 : index
    %get3A_41 = arith.constant 0 : index
    %get3A_42 = arith.constant 0 : index
    %get3A_43 = vector.load %arg2[%get3A_40, %get3A_41, %get3A_42] : memref<26x128x256xf32, #tpu.memory_space<vmem>>, vector<1x128x256xf32>
    %get3A_44 = vector.shape_cast %get3A_43 : vector<1x128x256xf32> to vector<128x256xf32>
    %dot_general3A_45 = arith.constant dense<0.000000e+00> : vector<1024x256xf32>
    %dot_general3A_46 = tpu.matmul %get3A_39, %get3A_44, %dot_general3A_45 {dimension_numbers = #tpu.dot_dimension_numbers<[1], [0], [0], [1], [0, 0, 1, 1], [], []>, transpose_lhs_hint = false} : vector<1024x128xf32>, vector<128x256xf32>, vector<1024x256xf32> -> vector<1024x256xf32>
    %add3A_47 = arith.addf %add3A_34, %dot_general3A_46 : vector<1024x256xf32>
    %get3A_48 = arith.constant 4 : index
    %get3A_49 = arith.constant 0 : index
    %get3A_50 = arith.constant 0 : index
    %get3A_51 = vector.load %arg1[%get3A_48, %get3A_49, %get3A_50] : memref<26x1024x128xf32, #tpu.memory_space<vmem>>, vector<1x1024x128xf32>
    %get3A_52 = vector.shape_cast %get3A_51 : vector<1x1024x128xf32> to vector<1024x128xf32>
    %get3A_53 = arith.constant 4 : index
    %get3A_54 = arith.constant 0 : index
    %get3A_55 = arith.constant 0 : index
    %get3A_56 = vector.load %arg2[%get3A_53, %get3A_54, %get3A_55] : memref<26x128x256xf32, #tpu.memory_space<vmem>>, vector<1x128x256xf32>
    %get3A_57 = vector.shape_cast %get3A_56 : vector<1x128x256xf32> to vector<128x256xf32>
    %dot_general3A_58 = arith.constant dense<0.000000e+00> : vector<1024x256xf32>
    %dot_general3A_59 = tpu.matmul %get3A_52, %get3A_57, %dot_general3A_58 {dimension_numbers = #tpu.dot_dimension_numbers<[1], [0], [0], [1], [0, 0, 1, 1], [], []>, transpose_lhs_hint = false} : vector<1024x128xf32>, vector<128x256xf32>, vector<1024x256xf32> -> vector<1024x256xf32>
    %add3A_60 = arith.addf %add3A_47, %dot_general3A_59 : vector<1024x256xf32>
    %get3A_61 = arith.constant 5 : index
    %get3A_62 = arith.constant 0 : index
    %get3A_63 = arith.constant 0 : index
    %get3A_64 = vector.load %arg1[%get3A_61, %get3A_62, %get3A_63] : memref<26x1024x128xf32, #tpu.memory_space<vmem>>, vector<1x1024x128xf32>
    %get3A_65 = vector.shape_cast %get3A_64 : vector<1x1024x128xf32> to vector<1024x128xf32>
    %get3A_66 = arith.constant 5 : index
    %get3A_67 = arith.constant 0 : index
    %get3A_68 = arith.constant 0 : index
    %get3A_69 = vector.load %arg2[%get3A_66, %get3A_67, %get3A_68] : memref<26x128x256xf32, #tpu.memory_space<vmem>>, vector<1x128x256xf32>
    %get3A_70 = vector.shape_cast %get3A_69 : vector<1x128x256xf32> to vector<128x256xf32>
    %dot_general3A_71 = arith.constant dense<0.000000e+00> : vector<1024x256xf32>
    %dot_general3A_72 = tpu.matmul %get3A_65, %get3A_70, %dot_general3A_71 {dimension_numbers = #tpu.dot_dimension_numbers<[1], [0], [0], [1], [0, 0, 1, 1], [], []>, transpose_lhs_hint = false} : vector<1024x128xf32>, vector<128x256xf32>, vector<1024x256xf32> -> vector<1024x256xf32>
    %add3A_73 = arith.addf %add3A_60, %dot_general3A_72 : vector<1024x256xf32>
    %get3A_74 = arith.constant 6 : index
    %get3A_75 = arith.constant 0 : index
    %get3A_76 = arith.constant 0 : index
    %get3A_77 = vector.load %arg1[%get3A_74, %get3A_75, %get3A_76] : memref<26x1024x128xf32, #tpu.memory_space<vmem>>, vector<1x1024x128xf32>
    %get3A_78 = vector.shape_cast %get3A_77 : vector<1x1024x128xf32> to vector<1024x128xf32>
    %get3A_79 = arith.constant 6 : index
    %get3A_80 = arith.constant 0 : index
    %get3A_81 = arith.constant 0 : index
    %get3A_82 = vector.load %arg2[%get3A_79, %get3A_80, %get3A_81] : memref<26x128x256xf32, #tpu.memory_space<vmem>>, vector<1x128x256xf32>
    %get3A_83 = vector.shape_cast %get3A_82 : vector<1x128x256xf32> to vector<128x256xf32>
    %dot_general3A_84 = arith.constant dense<0.000000e+00> : vector<1024x256xf32>
    %dot_general3A_85 = tpu.matmul %get3A_78, %get3A_83, %dot_general3A_84 {dimension_numbers = #tpu.dot_dimension_numbers<[1], [0], [0], [1], [0, 0, 1, 1], [], []>, transpose_lhs_hint = false} : vector<1024x128xf32>, vector<128x256xf32>, vector<1024x256xf32> -> vector<1024x256xf32>
    %add3A_86 = arith.addf %add3A_73, %dot_general3A_85 : vector<1024x256xf32>
    %get3A_87 = arith.constant 7 : index
    %get3A_88 = arith.constant 0 : index
    %get3A_89 = arith.constant 0 : index
    %get3A_90 = vector.load %arg1[%get3A_87, %get3A_88, %get3A_89] : memref<26x1024x128xf32, #tpu.memory_space<vmem>>, vector<1x1024x128xf32>
    %get3A_91 = vector.shape_cast %get3A_90 : vector<1x1024x128xf32> to vector<1024x128xf32>
    %get3A_92 = arith.constant 7 : index
    %get3A_93 = arith.constant 0 : index
    %get3A_94 = arith.constant 0 : index
    %get3A_95 = vector.load %arg2[%get3A_92, %get3A_93, %get3A_94] : memref<26x128x256xf32, #tpu.memory_space<vmem>>, vector<1x128x256xf32>
    %get3A_96 = vector.shape_cast %get3A_95 : vector<1x128x256xf32> to vector<128x256xf32>
    %dot_general3A_97 = arith.constant dense<0.000000e+00> : vector<1024x256xf32>
    %dot_general3A_98 = tpu.matmul %get3A_91, %get3A_96, %dot_general3A_97 {dimension_numbers = #tpu.dot_dimension_numbers<[1], [0], [0], [1], [0, 0, 1, 1], [], []>, transpose_lhs_hint = false} : vector<1024x128xf32>, vector<128x256xf32>, vector<1024x256xf32> -> vector<1024x256xf32>
    %add3A_99 = arith.addf %add3A_86, %dot_general3A_98 : vector<1024x256xf32>
    %get3A_100 = arith.constant 8 : index
    %get3A_101 = arith.constant 0 : index
    %get3A_102 = arith.constant 0 : index
    %get3A_103 = vector.load %arg1[%get3A_100, %get3A_101, %get3A_102] : memref<26x1024x128xf32, #tpu.memory_space<vmem>>, vector<1x1024x128xf32>
    %get3A_104 = vector.shape_cast %get3A_103 : vector<1x1024x128xf32> to vector<1024x128xf32>
    %get3A_105 = arith.constant 8 : index
    %get3A_106 = arith.constant 0 : index
    %get3A_107 = arith.constant 0 : index
    %get3A_108 = vector.load %arg2[%get3A_105, %get3A_106, %get3A_107] : memref<26x128x256xf32, #tpu.memory_space<vmem>>, vector<1x128x256xf32>
    %get3A_109 = vector.shape_cast %get3A_108 : vector<1x128x256xf32> to vector<128x256xf32>
    %dot_general3A_110 = arith.constant dense<0.000000e+00> : vector<1024x256xf32>
    %dot_general3A_111 = tpu.matmul %get3A_104, %get3A_109, %dot_general3A_110 {dimension_numbers = #tpu.dot_dimension_numbers<[1], [0], [0], [1], [0, 0, 1, 1], [], []>, transpose_lhs_hint = false} : vector<1024x128xf32>, vector<128x256xf32>, vector<1024x256xf32> -> vector<1024x256xf32>
    %add3A_112 = arith.addf %add3A_99, %dot_general3A_111 : vector<1024x256xf32>
    %get3A_113 = arith.constant 9 : index
    %get3A_114 = arith.constant 0 : index
    %get3A_115 = arith.constant 0 : index
    %get3A_116 = vector.load %arg1[%get3A_113, %get3A_114, %get3A_115] : memref<26x1024x128xf32, #tpu.memory_space<vmem>>, vector<1x1024x128xf32>
    %get3A_117 = vector.shape_cast %get3A_116 : vector<1x1024x128xf32> to vector<1024x128xf32>
    %get3A_118 = arith.constant 9 : index
    %get3A_119 = arith.constant 0 : index
    %get3A_120 = arith.constant 0 : index
    %get3A_121 = vector.load %arg2[%get3A_118, %get3A_119, %get3A_120] : memref<26x128x256xf32, #tpu.memory_space<vmem>>, vector<1x128x256xf32>
    %get3A_122 = vector.shape_cast %get3A_121 : vector<1x128x256xf32> to vector<128x256xf32>
    %dot_general3A_123 = arith.constant dense<0.000000e+00> : vector<1024x256xf32>
    %dot_general3A_124 = tpu.matmul %get3A_117, %get3A_122, %dot_general3A_123 {dimension_numbers = #tpu.dot_dimension_numbers<[1], [0], [0], [1], [0, 0, 1, 1], [], []>, transpose_lhs_hint = false} : vector<1024x128xf32>, vector<128x256xf32>, vector<1024x256xf32> -> vector<1024x256xf32>
    %add3A_125 = arith.addf %add3A_112, %dot_general3A_124 : vector<1024x256xf32>
    %get3A_126 = arith.constant 10 : index
    %get3A_127 = arith.constant 0 : index
    %get3A_128 = arith.constant 0 : index
    %get3A_129 = vector.load %arg1[%get3A_126, %get3A_127, %get3A_128] : memref<26x1024x128xf32, #tpu.memory_space<vmem>>, vector<1x1024x128xf32>
    %get3A_130 = vector.shape_cast %get3A_129 : vector<1x1024x128xf32> to vector<1024x128xf32>
    %get3A_131 = arith.constant 10 : index
    %get3A_132 = arith.constant 0 : index
    %get3A_133 = arith.constant 0 : index
    %get3A_134 = vector.load %arg2[%get3A_131, %get3A_132, %get3A_133] : memref<26x128x256xf32, #tpu.memory_space<vmem>>, vector<1x128x256xf32>
    %get3A_135 = vector.shape_cast %get3A_134 : vector<1x128x256xf32> to vector<128x256xf32>
    %dot_general3A_136 = arith.constant dense<0.000000e+00> : vector<1024x256xf32>
    %dot_general3A_137 = tpu.matmul %get3A_130, %get3A_135, %dot_general3A_136 {dimension_numbers = #tpu.dot_dimension_numbers<[1], [0], [0], [1], [0, 0, 1, 1], [], []>, transpose_lhs_hint = false} : vector<1024x128xf32>, vector<128x256xf32>, vector<1024x256xf32> -> vector<1024x256xf32>
    %add3A_138 = arith.addf %add3A_125, %dot_general3A_137 : vector<1024x256xf32>
    %get3A_139 = arith.constant 11 : index
    %get3A_140 = arith.constant 0 : index
    %get3A_141 = arith.constant 0 : index
    %get3A_142 = vector.load %arg1[%get3A_139, %get3A_140, %get3A_141] : memref<26x1024x128xf32, #tpu.memory_space<vmem>>, vector<1x1024x128xf32>
    %get3A_143 = vector.shape_cast %get3A_142 : vector<1x1024x128xf32> to vector<1024x128xf32>
    %get3A_144 = arith.constant 11 : index
    %get3A_145 = arith.constant 0 : index
    %get3A_146 = arith.constant 0 : index
    %get3A_147 = vector.load %arg2[%get3A_144, %get3A_145, %get3A_146] : memref<26x128x256xf32, #tpu.memory_space<vmem>>, vector<1x128x256xf32>
    %get3A_148 = vector.shape_cast %get3A_147 : vector<1x128x256xf32> to vector<128x256xf32>
    %dot_general3A_149 = arith.constant dense<0.000000e+00> : vector<1024x256xf32>
    %dot_general3A_150 = tpu.matmul %get3A_143, %get3A_148, %dot_general3A_149 {dimension_numbers = #tpu.dot_dimension_numbers<[1], [0], [0], [1], [0, 0, 1, 1], [], []>, transpose_lhs_hint = false} : vector<1024x128xf32>, vector<128x256xf32>, vector<1024x256xf32> -> vector<1024x256xf32>
    %add3A_151 = arith.addf %add3A_138, %dot_general3A_150 : vector<1024x256xf32>
    %get3A_152 = arith.constant 12 : index
    %get3A_153 = arith.constant 0 : index
    %get3A_154 = arith.constant 0 : index
    %get3A_155 = vector.load %arg1[%get3A_152, %get3A_153, %get3A_154] : memref<26x1024x128xf32, #tpu.memory_space<vmem>>, vector<1x1024x128xf32>
    %get3A_156 = vector.shape_cast %get3A_155 : vector<1x1024x128xf32> to vector<1024x128xf32>
    %get3A_157 = arith.constant 12 : index
    %get3A_158 = arith.constant 0 : index
    %get3A_159 = arith.constant 0 : index
    %get3A_160 = vector.load %arg2[%get3A_157, %get3A_158, %get3A_159] : memref<26x128x256xf32, #tpu.memory_space<vmem>>, vector<1x128x256xf32>
    %get3A_161 = vector.shape_cast %get3A_160 : vector<1x128x256xf32> to vector<128x256xf32>
    %dot_general3A_162 = arith.constant dense<0.000000e+00> : vector<1024x256xf32>
    %dot_general3A_163 = tpu.matmul %get3A_156, %get3A_161, %dot_general3A_162 {dimension_numbers = #tpu.dot_dimension_numbers<[1], [0], [0], [1], [0, 0, 1, 1], [], []>, transpose_lhs_hint = false} : vector<1024x128xf32>, vector<128x256xf32>, vector<1024x256xf32> -> vector<1024x256xf32>
    %add3A_164 = arith.addf %add3A_151, %dot_general3A_163 : vector<1024x256xf32>
    %get3A_165 = arith.constant 13 : index
    %get3A_166 = arith.constant 0 : index
    %get3A_167 = arith.constant 0 : index
    %get3A_168 = vector.load %arg1[%get3A_165, %get3A_166, %get3A_167] : memref<26x1024x128xf32, #tpu.memory_space<vmem>>, vector<1x1024x128xf32>
    %get3A_169 = vector.shape_cast %get3A_168 : vector<1x1024x128xf32> to vector<1024x128xf32>
    %get3A_170 = arith.constant 13 : index
    %get3A_171 = arith.constant 0 : index
    %get3A_172 = arith.constant 0 : index
    %get3A_173 = vector.load %arg2[%get3A_170, %get3A_171, %get3A_172] : memref<26x128x256xf32, #tpu.memory_space<vmem>>, vector<1x128x256xf32>
    %get3A_174 = vector.shape_cast %get3A_173 : vector<1x128x256xf32> to vector<128x256xf32>
    %dot_general3A_175 = arith.constant dense<0.000000e+00> : vector<1024x256xf32>
    %dot_general3A_176 = tpu.matmul %get3A_169, %get3A_174, %dot_general3A_175 {dimension_numbers = #tpu.dot_dimension_numbers<[1], [0], [0], [1], [0, 0, 1, 1], [], []>, transpose_lhs_hint = false} : vector<1024x128xf32>, vector<128x256xf32>, vector<1024x256xf32> -> vector<1024x256xf32>
    %add3A_177 = arith.addf %add3A_164, %dot_general3A_176 : vector<1024x256xf32>
    %get3A_178 = arith.constant 14 : index
    %get3A_179 = arith.constant 0 : index
    %get3A_180 = arith.constant 0 : index
    %get3A_181 = vector.load %arg1[%get3A_178, %get3A_179, %get3A_180] : memref<26x1024x128xf32, #tpu.memory_space<vmem>>, vector<1x1024x128xf32>
    %get3A_182 = vector.shape_cast %get3A_181 : vector<1x1024x128xf32> to vector<1024x128xf32>
    %get3A_183 = arith.constant 14 : index
    %get3A_184 = arith.constant 0 : index
    %get3A_185 = arith.constant 0 : index
    %get3A_186 = vector.load %arg2[%get3A_183, %get3A_184, %get3A_185] : memref<26x128x256xf32, #tpu.memory_space<vmem>>, vector<1x128x256xf32>
    %get3A_187 = vector.shape_cast %get3A_186 : vector<1x128x256xf32> to vector<128x256xf32>
    %dot_general3A_188 = arith.constant dense<0.000000e+00> : vector<1024x256xf32>
    %dot_general3A_189 = tpu.matmul %get3A_182, %get3A_187, %dot_general3A_188 {dimension_numbers = #tpu.dot_dimension_numbers<[1], [0], [0], [1], [0, 0, 1, 1], [], []>, transpose_lhs_hint = false} : vector<1024x128xf32>, vector<128x256xf32>, vector<1024x256xf32> -> vector<1024x256xf32>
    %add3A_190 = arith.addf %add3A_177, %dot_general3A_189 : vector<1024x256xf32>
    %get3A_191 = arith.constant 15 : index
    %get3A_192 = arith.constant 0 : index
    %get3A_193 = arith.constant 0 : index
    %get3A_194 = vector.load %arg1[%get3A_191, %get3A_192, %get3A_193] : memref<26x1024x128xf32, #tpu.memory_space<vmem>>, vector<1x1024x128xf32>
    %get3A_195 = vector.shape_cast %get3A_194 : vector<1x1024x128xf32> to vector<1024x128xf32>
    %get3A_196 = arith.constant 15 : index
    %get3A_197 = arith.constant 0 : index
    %get3A_198 = arith.constant 0 : index
    %get3A_199 = vector.load %arg2[%get3A_196, %get3A_197, %get3A_198] : memref<26x128x256xf32, #tpu.memory_space<vmem>>, vector<1x128x256xf32>
    %get3A_200 = vector.shape_cast %get3A_199 : vector<1x128x256xf32> to vector<128x256xf32>
    %dot_general3A_201 = arith.constant dense<0.000000e+00> : vector<1024x256xf32>
    %dot_general3A_202 = tpu.matmul %get3A_195, %get3A_200, %dot_general3A_201 {dimension_numbers = #tpu.dot_dimension_numbers<[1], [0], [0], [1], [0, 0, 1, 1], [], []>, transpose_lhs_hint = false} : vector<1024x128xf32>, vector<128x256xf32>, vector<1024x256xf32> -> vector<1024x256xf32>
    %add3A_203 = arith.addf %add3A_190, %dot_general3A_202 : vector<1024x256xf32>
    %get3A_204 = arith.constant 16 : index
    %get3A_205 = arith.constant 0 : index
    %get3A_206 = arith.constant 0 : index
    %get3A_207 = vector.load %arg1[%get3A_204, %get3A_205, %get3A_206] : memref<26x1024x128xf32, #tpu.memory_space<vmem>>, vector<1x1024x128xf32>
    %get3A_208 = vector.shape_cast %get3A_207 : vector<1x1024x128xf32> to vector<1024x128xf32>
    %get3A_209 = arith.constant 16 : index
    %get3A_210 = arith.constant 0 : index
    %get3A_211 = arith.constant 0 : index
    %get3A_212 = vector.load %arg2[%get3A_209, %get3A_210, %get3A_211] : memref<26x128x256xf32, #tpu.memory_space<vmem>>, vector<1x128x256xf32>
    %get3A_213 = vector.shape_cast %get3A_212 : vector<1x128x256xf32> to vector<128x256xf32>
    %dot_general3A_214 = arith.constant dense<0.000000e+00> : vector<1024x256xf32>
    %dot_general3A_215 = tpu.matmul %get3A_208, %get3A_213, %dot_general3A_214 {dimension_numbers = #tpu.dot_dimension_numbers<[1], [0], [0], [1], [0, 0, 1, 1], [], []>, transpose_lhs_hint = false} : vector<1024x128xf32>, vector<128x256xf32>, vector<1024x256xf32> -> vector<1024x256xf32>
    %add3A_216 = arith.addf %add3A_203, %dot_general3A_215 : vector<1024x256xf32>
    %get3A_217 = arith.constant 17 : index
    %get3A_218 = arith.constant 0 : index
    %get3A_219 = arith.constant 0 : index
    %get3A_220 = vector.load %arg1[%get3A_217, %get3A_218, %get3A_219] : memref<26x1024x128xf32, #tpu.memory_space<vmem>>, vector<1x1024x128xf32>
    %get3A_221 = vector.shape_cast %get3A_220 : vector<1x1024x128xf32> to vector<1024x128xf32>
    %get3A_222 = arith.constant 17 : index
    %get3A_223 = arith.constant 0 : index
    %get3A_224 = arith.constant 0 : index
    %get3A_225 = vector.load %arg2[%get3A_222, %get3A_223, %get3A_224] : memref<26x128x256xf32, #tpu.memory_space<vmem>>, vector<1x128x256xf32>
    %get3A_226 = vector.shape_cast %get3A_225 : vector<1x128x256xf32> to vector<128x256xf32>
    %dot_general3A_227 = arith.constant dense<0.000000e+00> : vector<1024x256xf32>
    %dot_general3A_228 = tpu.matmul %get3A_221, %get3A_226, %dot_general3A_227 {dimension_numbers = #tpu.dot_dimension_numbers<[1], [0], [0], [1], [0, 0, 1, 1], [], []>, transpose_lhs_hint = false} : vector<1024x128xf32>, vector<128x256xf32>, vector<1024x256xf32> -> vector<1024x256xf32>
    %add3A_229 = arith.addf %add3A_216, %dot_general3A_228 : vector<1024x256xf32>
    %get3A_230 = arith.constant 18 : index
    %get3A_231 = arith.constant 0 : index
    %get3A_232 = arith.constant 0 : index
    %get3A_233 = vector.load %arg1[%get3A_230, %get3A_231, %get3A_232] : memref<26x1024x128xf32, #tpu.memory_space<vmem>>, vector<1x1024x128xf32>
    %get3A_234 = vector.shape_cast %get3A_233 : vector<1x1024x128xf32> to vector<1024x128xf32>
    %get3A_235 = arith.constant 18 : index
    %get3A_236 = arith.constant 0 : index
    %get3A_237 = arith.constant 0 : index
    %get3A_238 = vector.load %arg2[%get3A_235, %get3A_236, %get3A_237] : memref<26x128x256xf32, #tpu.memory_space<vmem>>, vector<1x128x256xf32>
    %get3A_239 = vector.shape_cast %get3A_238 : vector<1x128x256xf32> to vector<128x256xf32>
    %dot_general3A_240 = arith.constant dense<0.000000e+00> : vector<1024x256xf32>
    %dot_general3A_241 = tpu.matmul %get3A_234, %get3A_239, %dot_general3A_240 {dimension_numbers = #tpu.dot_dimension_numbers<[1], [0], [0], [1], [0, 0, 1, 1], [], []>, transpose_lhs_hint = false} : vector<1024x128xf32>, vector<128x256xf32>, vector<1024x256xf32> -> vector<1024x256xf32>
    %add3A_242 = arith.addf %add3A_229, %dot_general3A_241 : vector<1024x256xf32>
    %get3A_243 = arith.constant 19 : index
    %get3A_244 = arith.constant 0 : index
    %get3A_245 = arith.constant 0 : index
    %get3A_246 = vector.load %arg1[%get3A_243, %get3A_244, %get3A_245] : memref<26x1024x128xf32, #tpu.memory_space<vmem>>, vector<1x1024x128xf32>
    %get3A_247 = vector.shape_cast %get3A_246 : vector<1x1024x128xf32> to vector<1024x128xf32>
    %get3A_248 = arith.constant 19 : index
    %get3A_249 = arith.constant 0 : index
    %get3A_250 = arith.constant 0 : index
    %get3A_251 = vector.load %arg2[%get3A_248, %get3A_249, %get3A_250] : memref<26x128x256xf32, #tpu.memory_space<vmem>>, vector<1x128x256xf32>
    %get3A_252 = vector.shape_cast %get3A_251 : vector<1x128x256xf32> to vector<128x256xf32>
    %dot_general3A_253 = arith.constant dense<0.000000e+00> : vector<1024x256xf32>
    %dot_general3A_254 = tpu.matmul %get3A_247, %get3A_252, %dot_general3A_253 {dimension_numbers = #tpu.dot_dimension_numbers<[1], [0], [0], [1], [0, 0, 1, 1], [], []>, transpose_lhs_hint = false} : vector<1024x128xf32>, vector<128x256xf32>, vector<1024x256xf32> -> vector<1024x256xf32>
    %add3A_255 = arith.addf %add3A_242, %dot_general3A_254 : vector<1024x256xf32>
    %get3A_256 = arith.constant 20 : index
    %get3A_257 = arith.constant 0 : index
    %get3A_258 = arith.constant 0 : index
    %get3A_259 = vector.load %arg1[%get3A_256, %get3A_257, %get3A_258] : memref<26x1024x128xf32, #tpu.memory_space<vmem>>, vector<1x1024x128xf32>
    %get3A_260 = vector.shape_cast %get3A_259 : vector<1x1024x128xf32> to vector<1024x128xf32>
    %get3A_261 = arith.constant 20 : index
    %get3A_262 = arith.constant 0 : index
    %get3A_263 = arith.constant 0 : index
    %get3A_264 = vector.load %arg2[%get3A_261, %get3A_262, %get3A_263] : memref<26x128x256xf32, #tpu.memory_space<vmem>>, vector<1x128x256xf32>
    %get3A_265 = vector.shape_cast %get3A_264 : vector<1x128x256xf32> to vector<128x256xf32>
    %dot_general3A_266 = arith.constant dense<0.000000e+00> : vector<1024x256xf32>
    %dot_general3A_267 = tpu.matmul %get3A_260, %get3A_265, %dot_general3A_266 {dimension_numbers = #tpu.dot_dimension_numbers<[1], [0], [0], [1], [0, 0, 1, 1], [], []>, transpose_lhs_hint = false} : vector<1024x128xf32>, vector<128x256xf32>, vector<1024x256xf32> -> vector<1024x256xf32>
    %add3A_268 = arith.addf %add3A_255, %dot_general3A_267 : vector<1024x256xf32>
    %get3A_269 = arith.constant 21 : index
    %get3A_270 = arith.constant 0 : index
    %get3A_271 = arith.constant 0 : index
    %get3A_272 = vector.load %arg1[%get3A_269, %get3A_270, %get3A_271] : memref<26x1024x128xf32, #tpu.memory_space<vmem>>, vector<1x1024x128xf32>
    %get3A_273 = vector.shape_cast %get3A_272 : vector<1x1024x128xf32> to vector<1024x128xf32>
    %get3A_274 = arith.constant 21 : index
    %get3A_275 = arith.constant 0 : index
    %get3A_276 = arith.constant 0 : index
    %get3A_277 = vector.load %arg2[%get3A_274, %get3A_275, %get3A_276] : memref<26x128x256xf32, #tpu.memory_space<vmem>>, vector<1x128x256xf32>
    %get3A_278 = vector.shape_cast %get3A_277 : vector<1x128x256xf32> to vector<128x256xf32>
    %dot_general3A_279 = arith.constant dense<0.000000e+00> : vector<1024x256xf32>
    %dot_general3A_280 = tpu.matmul %get3A_273, %get3A_278, %dot_general3A_279 {dimension_numbers = #tpu.dot_dimension_numbers<[1], [0], [0], [1], [0, 0, 1, 1], [], []>, transpose_lhs_hint = false} : vector<1024x128xf32>, vector<128x256xf32>, vector<1024x256xf32> -> vector<1024x256xf32>
    %add3A_281 = arith.addf %add3A_268, %dot_general3A_280 : vector<1024x256xf32>
    %get3A_282 = arith.constant 22 : index
    %get3A_283 = arith.constant 0 : index
    %get3A_284 = arith.constant 0 : index
    %get3A_285 = vector.load %arg1[%get3A_282, %get3A_283, %get3A_284] : memref<26x1024x128xf32, #tpu.memory_space<vmem>>, vector<1x1024x128xf32>
    %get3A_286 = vector.shape_cast %get3A_285 : vector<1x1024x128xf32> to vector<1024x128xf32>
    %get3A_287 = arith.constant 22 : index
    %get3A_288 = arith.constant 0 : index
    %get3A_289 = arith.constant 0 : index
    %get3A_290 = vector.load %arg2[%get3A_287, %get3A_288, %get3A_289] : memref<26x128x256xf32, #tpu.memory_space<vmem>>, vector<1x128x256xf32>
    %get3A_291 = vector.shape_cast %get3A_290 : vector<1x128x256xf32> to vector<128x256xf32>
    %dot_general3A_292 = arith.constant dense<0.000000e+00> : vector<1024x256xf32>
    %dot_general3A_293 = tpu.matmul %get3A_286, %get3A_291, %dot_general3A_292 {dimension_numbers = #tpu.dot_dimension_numbers<[1], [0], [0], [1], [0, 0, 1, 1], [], []>, transpose_lhs_hint = false} : vector<1024x128xf32>, vector<128x256xf32>, vector<1024x256xf32> -> vector<1024x256xf32>
    %add3A_294 = arith.addf %add3A_281, %dot_general3A_293 : vector<1024x256xf32>
    %get3A_295 = arith.constant 23 : index
    %get3A_296 = arith.constant 0 : index
    %get3A_297 = arith.constant 0 : index
    %get3A_298 = vector.load %arg1[%get3A_295, %get3A_296, %get3A_297] : memref<26x1024x128xf32, #tpu.memory_space<vmem>>, vector<1x1024x128xf32>
    %get3A_299 = vector.shape_cast %get3A_298 : vector<1x1024x128xf32> to vector<1024x128xf32>
    %get3A_300 = arith.constant 23 : index
    %get3A_301 = arith.constant 0 : index
    %get3A_302 = arith.constant 0 : index
    %get3A_303 = vector.load %arg2[%get3A_300, %get3A_301, %get3A_302] : memref<26x128x256xf32, #tpu.memory_space<vmem>>, vector<1x128x256xf32>
    %get3A_304 = vector.shape_cast %get3A_303 : vector<1x128x256xf32> to vector<128x256xf32>
    %dot_general3A_305 = arith.constant dense<0.000000e+00> : vector<1024x256xf32>
    %dot_general3A_306 = tpu.matmul %get3A_299, %get3A_304, %dot_general3A_305 {dimension_numbers = #tpu.dot_dimension_numbers<[1], [0], [0], [1], [0, 0, 1, 1], [], []>, transpose_lhs_hint = false} : vector<1024x128xf32>, vector<128x256xf32>, vector<1024x256xf32> -> vector<1024x256xf32>
    %add3A_307 = arith.addf %add3A_294, %dot_general3A_306 : vector<1024x256xf32>
    %get3A_308 = arith.constant 24 : index
    %get3A_309 = arith.constant 0 : index
    %get3A_310 = arith.constant 0 : index
    %get3A_311 = vector.load %arg1[%get3A_308, %get3A_309, %get3A_310] : memref<26x1024x128xf32, #tpu.memory_space<vmem>>, vector<1x1024x128xf32>
    %get3A_312 = vector.shape_cast %get3A_311 : vector<1x1024x128xf32> to vector<1024x128xf32>
    %get3A_313 = arith.constant 24 : index
    %get3A_314 = arith.constant 0 : index
    %get3A_315 = arith.constant 0 : index
    %get3A_316 = vector.load %arg2[%get3A_313, %get3A_314, %get3A_315] : memref<26x128x256xf32, #tpu.memory_space<vmem>>, vector<1x128x256xf32>
    %get3A_317 = vector.shape_cast %get3A_316 : vector<1x128x256xf32> to vector<128x256xf32>
    %dot_general3A_318 = arith.constant dense<0.000000e+00> : vector<1024x256xf32>
    %dot_general3A_319 = tpu.matmul %get3A_312, %get3A_317, %dot_general3A_318 {dimension_numbers = #tpu.dot_dimension_numbers<[1], [0], [0], [1], [0, 0, 1, 1], [], []>, transpose_lhs_hint = false} : vector<1024x128xf32>, vector<128x256xf32>, vector<1024x256xf32> -> vector<1024x256xf32>
    %add3A_320 = arith.addf %add3A_307, %dot_general3A_319 : vector<1024x256xf32>
    %get3A_321 = arith.constant 25 : index
    %get3A_322 = arith.constant 0 : index
    %get3A_323 = arith.constant 0 : index
    %get3A_324 = vector.load %arg1[%get3A_321, %get3A_322, %get3A_323] : memref<26x1024x128xf32, #tpu.memory_space<vmem>>, vector<1x1024x128xf32>
    %get3A_325 = vector.shape_cast %get3A_324 : vector<1x1024x128xf32> to vector<1024x128xf32>
    %get3A_326 = arith.constant 25 : index
    %get3A_327 = arith.constant 0 : index
    %get3A_328 = arith.constant 0 : index
    %get3A_329 = vector.load %arg2[%get3A_326, %get3A_327, %get3A_328] : memref<26x128x256xf32, #tpu.memory_space<vmem>>, vector<1x128x256xf32>
    %get3A_330 = vector.shape_cast %get3A_329 : vector<1x128x256xf32> to vector<128x256xf32>
    %dot_general3A_331 = arith.constant dense<0.000000e+00> : vector<1024x256xf32>
    %dot_general3A_332 = tpu.matmul %get3A_325, %get3A_330, %dot_general3A_331 {dimension_numbers = #tpu.dot_dimension_numbers<[1], [0], [0], [1], [0, 0, 1, 1], [], []>, transpose_lhs_hint = false} : vector<1024x128xf32>, vector<128x256xf32>, vector<1024x256xf32> -> vector<1024x256xf32>
    %add3A_333 = arith.addf %add3A_320, %dot_general3A_332 : vector<1024x256xf32>
    %get3A_334 = arith.constant 0 : index
    %get3A_335 = arith.constant 0 : index
    %get3A_336 = vector.load %arg3[%get3A_334, %get3A_335] : memref<1x256xf32, #tpu.memory_space<vmem>>, vector<1x256xf32>
    %add3A_337 = vector.broadcast %get3A_336 : vector<1x256xf32> to vector<1024x256xf32>
    %add3A_338 = arith.addf %add3A_333, %add3A_337 : vector<1024x256xf32>
    %gt3A = arith.constant 0.000000e+00 : f32
    %gt3A_339 = vector.broadcast %gt3A : f32 to vector<1024x256xf32>
    %gt3A_340 = arith.cmpf ogt, %add3A_338, %gt3A_339 : vector<1024x256xf32>
    %exp3A = math.exp %add3A_338 : vector<1024x256xf32>
    %sub3A = arith.constant 1.000000e+00 : f32
    %sub3A_341 = vector.broadcast %sub3A : f32 to vector<1024x256xf32>
    %sub3A_342 = arith.subf %exp3A, %sub3A_341 : vector<1024x256xf32>
    %select_n3A = arith.select %gt3A_340, %add3A_338, %sub3A_342 : vector<1024x256xi1>, vector<1024x256xf32>
    %get3A_343 = arith.constant 0 : index
    %get3A_344 = arith.constant 0 : index
    %get3A_345 = vector.load %arg4[%get3A_343, %get3A_344] : memref<256x8xf32, #tpu.memory_space<vmem>>, vector<256x8xf32>
    %dot_general3A_346 = arith.constant dense<0.000000e+00> : vector<1024x8xf32>
    %dot_general3A_347 = tpu.matmul %select_n3A, %get3A_345, %dot_general3A_346 {dimension_numbers = #tpu.dot_dimension_numbers<[1], [0], [0], [1], [0, 0, 1, 1], [], []>, transpose_lhs_hint = false} : vector<1024x256xf32>, vector<256x8xf32>, vector<1024x8xf32> -> vector<1024x8xf32>
    %get3A_348 = arith.constant 0 : index
    %get3A_349 = arith.constant 0 : index
    %get3A_350 = vector.load %arg5[%get3A_348, %get3A_349] : memref<1x1xf32, #tpu.memory_space<vmem>>, vector<1x1xf32>
    %get3A_351 = vector.extract %get3A_350[0, 0] : f32 from vector<1x1xf32>
    %add3A_352 = vector.broadcast %get3A_351 : f32 to vector<1024x8xf32>
    %add3A_353 = arith.addf %dot_general3A_347, %add3A_352 : vector<1024x8xf32>
    %reshape3A = vector.shape_cast %add3A_353 : vector<1024x8xf32> to vector<1x1024x8xf32>
    %swap3A = arith.constant 0 : index
    %swap3A_354 = arith.constant 0 : index
    %swap3A_355 = arith.constant 0 : index
    %swap3A_356 = vector.load %arg6[%swap3A, %swap3A_354, %swap3A_355] : memref<1x1024x8xf32, #tpu.memory_space<vmem>>, vector<1x1024x8xf32>
    tpu.vector_store %arg6[%swap3A, %swap3A_354, %swap3A_355], %reshape3A {strides = array<i32>} : memref<1x1024x8xf32, #tpu.memory_space<vmem>>, vector<1x1024x8xf32>,
    return
  }
  func.func @transform_0(%arg0: i32) -> (i32, i32, i32) {
    %c0_i32 = arith.constant 0 : i32
    %c0_i32_0 = arith.constant 0 : i32
    %c0_i32_1 = arith.constant 0 : i32
    return %c0_i32, %arg0, %c0_i32_0 : i32, i32, i32
  }
  func.func @transform_1(%arg0: i32) -> (i32, i32, i32) {
    %c0_i32 = arith.constant 0 : i32
    %c0_i32_0 = arith.constant 0 : i32
    %c0_i32_1 = arith.constant 0 : i32
    %c0_i32_2 = arith.constant 0 : i32
    return %c0_i32, %c0_i32_0, %c0_i32_1 : i32, i32, i32
  }
  func.func @transform_2(%arg0: i32) -> (i32, i32) {
    %c0_i32 = arith.constant 0 : i32
    %c0_i32_0 = arith.constant 0 : i32
    %c0_i32_1 = arith.constant 0 : i32
    return %c0_i32, %c0_i32_0 : i32, i32
  }
  func.func @transform_3(%arg0: i32) -> (i32, i32) {
    %c0_i32 = arith.constant 0 : i32
    %c0_i32_0 = arith.constant 0 : i32
    %c0_i32_1 = arith.constant 0 : i32
    return %c0_i32, %c0_i32_0 : i32, i32
  }
  func.func @transform_4(%arg0: i32) -> (i32, i32) {
    %c0_i32 = arith.constant 0 : i32
    %c0_i32_0 = arith.constant 0 : i32
    %c0_i32_1 = arith.constant 0 : i32
    return %c0_i32, %c0_i32_0 : i32, i32
  }
  func.func @transform_5(%arg0: i32) -> (i32, i32, i32) {
    %c0_i32 = arith.constant 0 : i32
    %c0_i32_0 = arith.constant 0 : i32
    %c0_i32_1 = arith.constant 0 : i32
    return %arg0, %c0_i32, %c0_i32_0 : i32, i32, i32
  }
}

</mosaic_0001>

<sc_bundles>
// kernel: kernel.4.cloned.1.call-start
scs
__scs_entry_jumppad:
0x0: {  	(pc) =	sbr.rel $0x88, $3  }
0x1: {  	(tag) =	ssettag $0x0;
	lr =	simm.s32 $0x1  }
0x2: {  	[smem:$0x3F9B] =	sst lr;
	_ =	strace $0xD0000000  }
0x3: {  	_ = 	snop  }
0x4: {  	_ = 	snop  }
0x5: {  	_ = 	snop  }
0x6: {  	_ = 	snop  }
0x7: {  	_ = 	snop  }
__scs_overlays_trampoline_lowered:
0x8: {  	[smem:$0x3FAA] =	sst s0  }
0x9: {  	[smem:$0x3FAB] =	sst s1  }
0xa: {  	[smem:$0x3FAC] =	sst s2  }
0xb: {  	[smem:$0x3FAD] =	sst s3  }
0xc: {  	[smem:$0x3FAE] =	sst s4  }
0xd: {  	[smem:$0x3FAF] =	sst s5  }
0xe: {  	[smem:$0x3FB0] =	sst s6  }
0xf: {  	[smem:$0x3FB1] =	sst s7  }
0x10: {  	[smem:$0x3FB2] =	sst s8  }
0x11: {  	[smem:$0x3FB3] =	sst s9;
	s0 =	simm.s32 @!p0 $0x0  }
0x12: {  	s1 =	sld [smem:$0x3F99];
	s0 =	simm.s32 @p0 $0x1  }
0x13: {  	[smem:$0x3FB4] =	sst s0;
	s0 =	simm.s32 @!p1 $0x0  }
0x14: {  	s2 =	sld [smem:$0x3F98];
	s0 =	simm.s32 @p1 $0x1  }
0x15: {  	[smem:$0x3FB5] =	sst s0;
	s0 =	simm.s32 @!p2 $0x0  }
0x16: {  	s3 =	sld [smem:$0x3FDB];
	s0 =	simm.s32 @p2 $0x1  }
0x17: {  	s4 =	simm.s32 $0x1BF5;
	[smem:$0x3FB7] =	sst s0  }
0x18: {  	s0 =	sld [smem:$0x3F9A];
	_ =	swait.ge [sflag:s4], $0x0  }
0x19: {  	s7 =	sld [smem:$0x3F9B]  }
0x1a: {  	s8 =	sadd.s32 $0xFFFFE003, lr  }
0x1b: {  	s9 =	sadd.s32 $0xFFFFFEF7, lr;
	s5 =	simm.s32 $0xFFFFFFFF;
	p2 =	slt.u32 s8, $0xFFFFF086  }
0x1c: {  	p1 =	slt.u32 s9, $0xF7A;
	s5 =	simm.s32 @!p2 $0x0  }
0x1d: {  	s5 =	simm.s32 @p1 $0x1;
	p0 =	seq.s32 s7, s2  }
0x1e: {  	s7 =	smul.u32 @!p0 $0xF7A, s2;
	p2 =	seq.s32 @!p0 s5, $0x0  }
0x1f: {  	s9 =	smul.u32 $0xF7A, s1;
	s8 =	simm.s32 @!p0 $0x1BF5;
	p2 =	por !p2, p0  }
0x20: {  	[sflag:s8] =	ssyncset.s32 @!p0 $0xFFFFF086;
	s6 =	sadd.s32 @!p0 s3, s7;
	s7 =	simm.s32 @!p0 $0x108  }
0x21: {  	s3 =	sadd.s32 s3, s9;
	s6 =	sadd.s32 @!p0 $0x88, s6;
	s7 =	simm.s32 @p2 $0x1082  }
0x22: {  	[simem:s7], [sflag:s8] =	dma.local @!p0 [hbm:s6], $0xF7A  }
0x23: {  	s9 =	sor.u32 $0xD0000000, s2;
	s6 =	simm.s32 $0x108;
	_ =	swait.ge @!p0 [sflag:s8], $0x0  }
0x24: {  	s3 =	sadd.s32 $0x88, s3;
	s6 =	simm.s32 @!p1 $0x1082;
	[sflag:s4] =	ssyncset.s32 $0xFFFFF086  }
0x25: {  	[simem:s6], [sflag:s4] =	dma.local [hbm:s3], $0xF7A  }
0x26: {  	[smem:$0x3F9B] =	sst s1;
	(tag) =	ssettag s2;
	_ =	strace s9  }
0x27: {  	s1 =	sld [smem:$0x3FAB]  }
0x28: {  	s2 =	sld [smem:$0x3FAC]  }
0x29: {  	s4 =	sld [smem:$0x3FAE]  }
0x2a: {  	p0 =	seq.s32 s5, $0x0;
	s5 =	sld [smem:$0x3FAF]  }
0x2b: {  	s6 =	sld [smem:$0x3FB0]  }
0x2c: {  	s7 =	sld [smem:$0x3FB1]  }
0x2d: {  	s3 =	simm.s32 $0x108;
	s8 =	sld [smem:$0x3FB2]  }
0x2e: {  	s3 =	simm.s32 @!p0 $0x1082;
	s9 =	sld [smem:$0x3FB3]  }
0x2f: {  	lr =	sadd.s32 s0, s3;
	s0 =	sld [smem:$0x3FAA]  }
0x30: {  	s3 =	sld [smem:$0x3FAD]  }
0x31: {  	[smem:$0x3FB6] =	sst s10  }
0x32: {  	s10 =	sld [smem:$0x3FB4];
	_ =	sdelay $0x3  }
0x33: {  	p0 =	seq.s32 s10, $0x1;
	s10 =	sld [smem:$0x3FB6];
	_ =	sdelay $0x3  }
0x34: {  	[smem:$0x3FB6] =	sst s10  }
0x35: {  	s10 =	sld [smem:$0x3FB5];
	_ =	sdelay $0x3  }
0x36: {  	p1 =	seq.s32 s10, $0x1;
	s10 =	sld [smem:$0x3FB6];
	_ =	sdelay $0x3  }
0x37: {  	[smem:$0x3FB6] =	sst s10  }
0x38: {  	s10 =	sld [smem:$0x3FB7]  }
0x39: {  	_ = 	snop;
	(pc) =	sbr.ind lr, $3  }
0x3a: {  	_ = 	snop  }
0x3b: {  	_ = 	snop  }
0x3c: {  	p2 =	seq.s32 s10, $0x1;
	s10 =	sld [smem:$0x3FB6]  }
0x3d: {  	_ =	shalt  }
0x3e: {  	_ =	shalt  }
0x3f: {  	_ =	shalt  }
0x40: {  	_ =	shalt  }
0x41: {  	_ =	shalt  }
0x42: {  	_ =	shalt  }
0x43: {  	_ =	shalt  }
0x44: {  	_ =	shalt  }
0x45: {  	_ =	shalt  }
0x46: {  	_ =	shalt  }
0x47: {  	_ =	shalt  }
0x48: {  	_ =	shalt  }
0x49: {  	_ =	shalt  }
0x4a: {  	_ =	shalt  }
0x4b: {  	_ =	shalt  }
0x4c: {  	_ =	shalt  }
0x4d: {  	_ =	shalt  }
0x4e: {  	_ =	shalt  }
0x4f: {  	_ =	shalt  }
0x50: {  	_ =	shalt  }
0x51: {  	_ =	shalt  }
0x52: {  	_ =	shalt  }
0x53: {  	_ =	shalt  }
0x54: {  	_ =	shalt  }
0x55: {  	_ =	shalt  }
0x56: {  	_ =	shalt  }
0x57: {  	_ =	shalt  }
0x58: {  	_ =	shalt  }
0x59: {  	_ =	shalt  }
0x5a: {  	_ =	shalt  }
0x5b: {  	_ =	shalt  }
0x5c: {  	_ =	shalt  }
0x5d: {  	_ =	shalt  }
0x5e: {  	_ =	shalt  }
0x5f: {  	_ =	shalt  }
0x60: {  	_ =	shalt  }
0x61: {  	_ =	shalt  }
0x62: {  	_ =	shalt  }
0x63: {  	_ =	shalt  }
0x64: {  	_ =	shalt  }
0x65: {  	_ =	shalt  }
0x66: {  	_ =	shalt  }
0x67: {  	_ =	shalt  }
0x68: {  	_ =	shalt  }
0x69: {  	_ =	shalt  }
0x6a: {  	_ =	shalt  }
0x6b: {  	_ =	shalt  }
0x6c: {  	_ =	shalt  }
0x6d: {  	_ =	shalt  }
0x6e: {  	_ =	shalt  }
0x6f: {  	_ =	shalt  }
0x70: {  	_ =	shalt  }
0x71: {  	_ =	shalt  }
0x72: {  	_ =	shalt  }
0x73: {  	_ =	shalt  }
0x74: {  	_ =	shalt  }
0x75: {  	_ =	shalt  }
0x76: {  	_ =	shalt  }
0x77: {  	_ =	shalt  }
0x78: {  	_ =	shalt  }
0x79: {  	_ =	shalt  }
0x7a: {  	_ =	shalt  }
0x7b: {  	_ =	shalt  }
0x7c: {  	_ =	shalt  }
0x7d: {  	_ =	shalt  }
0x7e: {  	_ =	shalt  }
0x7f: {  	_ =	shalt  }
0x80: {  	_ =	shalt  }
0x81: {  	_ =	shalt  }
0x82: {  	_ =	shalt  }
0x83: {  	_ =	shalt  }
0x84: {  	_ =	shalt  }
0x85: {  	_ =	shalt  }
0x86: {  	_ =	shalt  }
0x87: {  	_ =	shalt  }
.Lfunc_end0:
.L_simem_size_0:
called_computation_lowered:
.L_overlay_start_0:
0x88: {  	s2 =	sld [smem:$0x3FD9]  }
0x89: {  	s3 =	sld [smem:$0x3FFE];
	_ =	sdelay $0x1  }
0x8a: {  	s1 =	srdreg.scid  }
0x8b: {  	s0 =	sand.u32 $0x1, s1  }
0x8c: {  	s16 =	sshll.u32 s0, $0xA;
	s2 =	sadd.s32 s3, s2  }
0x8d: {  	s2 =	sadd.s32 s2, s16  }
0x8e: {  	[smem:$0x3FC2] =	sst s2  }
0x8f: {  	_ = 	snop  }
0x90: {  	(tm) =	ssettm $0x1  }
0x91: {  	s17 =	sld [smem:$0x3FFB];
	_ =	sdelay $0x3  }
0x92: {  	_ =	strace s17  }
0x93: {  	s2 =	sld [smem:$0x3FFC];
	_ =	sdelay $0x3  }
0x94: {  	_ =	strace s2  }
0x95: {  	s2 =	sld [smem:$0x3FFD];
	_ =	sdelay $0x3  }
0x96: {  	_ =	strace s2  }
0x97: {  	_ =	strace $0x8FFFFFFF  }
0x98: {  	s18 =	sld [smem:$0x3FDB];
	_ =	sdelay $0x1  }
0x99: {  	s19 =	simm.s32 $_scs_section_size  }
0x9a: {  	s4 =	simm.s32 $_size__tile_overlayer_lowered;
	s5 =	simm.s32 $_tile_overlayer_lowered  }
0x9b: {  	s22 =	simm.s32 $0x1BFF;
	s21 =	sshll.u32 s5, $0x1;
	s2 =	sadd.s32 s19, s18  }
0x9c: {  	s6 =	simm.s32 $0x0;
	s20 =	sshll.u32 s4, $0x1;
	s4 =	sadd.s32 s21, s2  }
0x9d: {  	[timem:s6], [sflag:s22] =	dma.local [hbm:s4], s20  }
0x9e: {  	_ =	swait.ge [sflag:s22], s20  }
0x9f: {  	s3 =	ssub.s32 $0x0, s20;
	[sflag:s22] =	ssyncset.done $0x0  }
0xa0: {  	[sflag:s22] =	ssyncadd.s32 s3;
	_ =	sdelay $0x1  }
0xa1: {  	s23 =	simm.s32 $0x1B8B  }
0xa2: {  	_ =	swait.ge [sflag:s23], $0x1  }
0xa3: {  	[sflag:s23] =	ssyncset.done $0x0  }
0xa4: {  	s25 =	simm.s32 $0x1B8E;
	s24 =	sld [smem:$0x3FFE];
	[sflag:s23] =	ssyncadd.s32 $0xFFFFFFFF  }
0xa5: {  	s26 =	simm.s32 $execute0_lowered;
	[smem:$0x3FD2] =	sst s25  }
0xa6: {  	s4 =	sshll.u32 s26, $0x1;
	_ =	strace $0x80000046;
	[dreg:$0x1] =	wrdreg $0xFFFFFFFF  }
0xa7: {  	s28 =	simm.s32 $_size_execute0_lowered;
	s2 =	sadd.s32 s2, s4;
	[dreg:$0x0] =	wrdreg $0x0  }
0xa8: {  	s4 =	sshll.u32 s28, $0x1;
	[dreg:$0x2] =	wrdreg s2  }
0xa9: {  	[dreg:$0x3] =	wrdreg s4  }
0xaa: {  	[dreg:$0x4] =	wrdreg $0xC0  }
0xab: {  	_ =	task [dreg:s6], $0x5FFFF  }
0xac: {  	[dreg:$0x1] =	wrdreg $0xFFFFFFFF  }
0xad: {  	[dreg:$0x0] =	wrdreg $0x60  }
0xae: {  	[dreg:$0x2] =	wrdreg s24  }
0xaf: {  	[dreg:$0x3] =	wrdreg $0x9  }
0xb0: {  	_ =	task.clear_ibuf [dreg:s6], $0x4FFFF;
	_ =	strace $0x90000046  }
0xb1: {  	s29 =	simm.s32 $0x9;
	_ =	strace $0x80000048  }
0xb2: {  	_ =	swait.ge [sflag:s29], $0x1  }
0xb3: {  	[sflag:s29] =	ssyncadd.s32 $0xFFFFFFFF  }
0xb4: {  	_ =	strace $0x90000048  }
0xb5: {  	_ =	sfence  }
0xb6: {  	s30 =	sld [smem:$0x0];
	_ =	sdelay $0x2  }
0xb7: {  	s31 =	sshll.u32 s1, $0xD;
	s1 =	sshrl.u32 s1, $0x2  }
0xb8: {  	s3 =	sand.u32 $0x4000, s31;
	s1 =	sadd.s32 s1, s30  }
0xb9: {  	s0 =	sor.u32 s3, s0;
	s1 =	sshll.u32 s1, $0x11  }
0xba: {  	s0 =	sor.u32 s1, s0  }
0xbb: {  	s0 =	sadd.s32 $0x8F2B, s0  }
0xbc: {  	[sflag:s0] =	ssyncadd.remote.s32 $0x1  }
0xbd: {  	_ =	sfence.sel $0xFFFF  }
0xbe: {  	[dreg:$0x0] =	wrdreg $0xFFFFFFFF;
	(pc) =	sbr.abs _section_cstart, $3  }
0xbf: {  	[dreg:$0x1] =	wrdreg $0xFFFFFFFF  }
0xc0: {  	_ =	task.clear_ibuf [dreg:s6], $0x2FFFF;
	_ =	strace $0x9FFFFFFF  }
0xc1: {  	(tm) =	ssettm $0x7FFFFFFF  }
tec
execute0_lowered:
.L_overlay_start_1:
0x0: {  	(tag) =	ssettag $0x1  }
0x1: {  	s14 =	stileid.u32  }
0x2: {  	s0 =	srdreg.scid;
	s7 =	rddreg [dreg:$0x0]  }
0x3: {  	s2 =	simm.s32 $0x0;
	s28 =	simm.s32 $0x900;
	s6 =	smul.u32 $0xA2800, s14  }
0x4: {  	s29 =	simm.s32 $0xA400;
	s30 =	simm.s32 $0x980;
	s23 =	smul.u32 $0xA280, s14  }
0x5: {  	s0 =	sand.u32 $0x1, s0;
	s1 =	sshll.u32 s14, $0x1;
	s25 =	smul.u32 $0xA28, s14  }
0x6: {  	s31 =	simm.s32 $0xAC00;
	s1 =	sor.u32 s0, s1;
	s21 =	smul.u32 $0x51400, s0  }
0x7: {  	[smem:$0x7FF] =	sst s2;
	s14 =	simm.s32 $0x0;
	s1 =	smul.u32 $0x514, s1  }
0x8: {  	_ =	strace $0x80000047;
	s10 =	ssub.s32 $0x2, s0;
	s13 =	smul.u32 $0x5140, s0  }
0x9: {  	s0 =	smul.u32 $0x514, s0;
	s9 =	sadd.s32 s6, s7;
	s4 =	sadd.s32 $0x14, s1  }
0xa: {  	s12 =	sshrl.u32 s10, $0x1;
	s3 =	sshrl.u32 s1, $0x6;
	s5 =	sand.u32 $0xFFC0, s4  }
0xb: {  	s26 =	sadd.s32 s23, s7;
	s3 =	smul.u32 $0xA3E, s3;
	s5 =	sshrl.u32 s5, $0x6  }
0xc: {  	s10 =	ssub.s32 s10, s12;
	s9 =	sadd.s32 s21, s9;
	s5 =	smul.u32 $0xA3E, s5  }
0xd: {  	s0 =	sadd.s32 s0, s25;
	s12 =	simm.s32 $0x80;
	s8 =	sshrl.u32 s3, $0x10  }
0xe: {  	s17 =	sadd.s32 $0xA2800, s9;
	s19 =	smul.u32 $0x640, s8;
	s5 =	sshrl.u32 s5, $0x10  }
0xf: {  	s15 =	sadd.s32 $0x28, s0;
	s0 =	simm.s32 $0x5;
	s20 =	smul.u32 $0x640, s5  }
0x10: {  	s3 =	sadd.s32 $0x27AC400, s7;
	s11 =	smul.u32 $0x32000, s8;
	s1 =	ssub.s32 s1, s19  }
0x11: {  	s8 =	smul.u32 $0x30D40, s8;
	s1 =	sand.u32 $0xFFFC, s1;
	s4 =	ssub.s32 s4, s20  }
0x12: {  	s5 =	smul.u32 $0x32000, s5;
	s1 =	sshll.u32 s1, $0x7;
	s4 =	sand.u32 $0xFFFC, s4  }
.Ltmp0:
0x13: {  	s1 =	sadd.s32 s1, s11;
	s22 =	sshll.u32 s4, $0x7;
	(pc) =	sbr.rel .LBB2_1-.Ltmp0, $4  }
0x14: {  	s11 =	simm.s32 $0x7;
	s1 =	sshrl.u32 s1, $0x3;
	s24 =	sadd.s32 s22, s5  }
0x15: {  	s4 =	sadd.s32 s7, s1;
	s5 =	sadd.s32 s3, s8;
	s1 =	sshrl.u32 s24, $0x3  }
0x16: {  	s6 =	sadd.s32 s7, s1;
	s7 =	smax.u32 s10, $0x1;
	s1 =	sadd.s32 s13, s26  }
0x17: {  	s13 =	simm.s32 $0x4;
	s16 =	sadd.s32 $0x280, s1;
	s1 =	simm.s32 $0xA00  }
.LBB2_5:
0x18: {  	s14 =	sadd.s32 $0x1, s14  }
0x19: {  	_ =	swait.ge [sflag:s0], $0xA000;
	p0 =	sne.s32 s14, s7  }
.Ltmp1:
0x1a: {  	[sflag:s0] =	ssyncset.done $0x0;
	(pc) =	sbr.rel @!p0 .LBB2_6-.Ltmp1, $4  }
0x1b: {  	[sflag:s0] =	ssyncadd.s32 $0xFFFF6000  }
0x1c: {  	_ =	swait.ge [sflag:s13], $0xA000  }
0x1d: {  	[sflag:s13] =	ssyncset.done $0x0  }
0x1e: {  	[sflag:s13] =	ssyncadd.s32 $0xFFFF6000  }
.LBB2_1:
0x1f: {  	[tilespmem:s2], [sflag:$0x7] =	stream.linear.gather [hbm4b:s4+s2], $0xA00, $0x38;
	[tilespmem:$0x1F400] =	vst v63  }
0x20: {  	_ =	swait.ge [sflag:s11], $0xA00  }
0x21: {  	[sflag:s11] =	ssyncset.done $0x0  }
0x22: {  	s8 =	simm.s32 $0x1400;
	[sflag:s11] =	ssyncadd.s32 $0xFFFFF600  }
0x23: {  	[tilespmem:s8], [sflag:$0x1] =	stream.indirect.gather [hbm4b:s5+s12], $0x10, s2, s12, $0xb8;
	[tilespmem:$0x1F400] =	vst v63  }
0x24: {  	s25 =	simm.s32 $0x1C00  }
0x25: {  	[tilespmem:s25], [sflag:$0x1] =	stream.indirect.gather [hbm4b:s5+s12], $0x10, s12, s12, $0xb8;
	[tilespmem:$0x1F400] =	vst v63  }
0x26: {  	s26 =	simm.s32 $0x100;
	s9 =	simm.s32 $0x2400  }
0x27: {  	[tilespmem:s9], [sflag:$0x1] =	stream.indirect.gather [hbm4b:s5+s12], $0x10, s26, s12, $0xb8;
	[tilespmem:$0x1F400] =	vst v63  }
0x28: {  	s10 =	simm.s32 $0x180;
	s18 =	simm.s32 $0x2C00  }
0x29: {  	[tilespmem:s18], [sflag:$0x1] =	stream.indirect.gather [hbm4b:s5+s12], $0x10, s10, s12, $0xb8;
	[tilespmem:$0x1F400] =	vst v63  }
0x2a: {  	s19 =	simm.s32 $0x200;
	s20 =	simm.s32 $0x3400  }
0x2b: {  	[tilespmem:s20], [sflag:$0x1] =	stream.indirect.gather [hbm4b:s5+s12], $0x10, s19, s12, $0xb8;
	[tilespmem:$0x1F400] =	vst v63  }
0x2c: {  	s21 =	simm.s32 $0x280;
	s22 =	simm.s32 $0x3C00  }
0x2d: {  	[tilespmem:s22], [sflag:$0x1] =	stream.indirect.gather [hbm4b:s5+s12], $0x10, s21, s12, $0xb8;
	[tilespmem:$0x1F400] =	vst v63  }
0x2e: {  	s23 =	simm.s32 $0x300;
	s24 =	simm.s32 $0x4400  }
0x2f: {  	[tilespmem:s24], [sflag:$0x1] =	stream.indirect.gather [hbm4b:s5+s12], $0x10, s23, s12, $0xb8;
	[tilespmem:$0x1F400] =	vst v63  }
0x30: {  	s25 =	simm.s32 $0x380;
	s26 =	simm.s32 $0x4C00  }
0x31: {  	[tilespmem:s26], [sflag:$0x1] =	stream.indirect.gather [hbm4b:s5+s12], $0x10, s25, s12, $0xb8;
	[tilespmem:$0x1F400] =	vst v63  }
0x32: {  	s10 =	simm.s32 $0x400;
	s18 =	simm.s32 $0x5400  }
0x33: {  	[tilespmem:s18], [sflag:$0x1] =	stream.indirect.gather [hbm4b:s5+s12], $0x10, s10, s12, $0xb8;
	[tilespmem:$0x1F400] =	vst v63  }
0x34: {  	s19 =	simm.s32 $0x480;
	s20 =	simm.s32 $0x5C00  }
0x35: {  	[tilespmem:s20], [sflag:$0x1] =	stream.indirect.gather [hbm4b:s5+s12], $0x10, s19, s12, $0xb8;
	[tilespmem:$0x1F400] =	vst v63  }
0x36: {  	s21 =	simm.s32 $0x500;
	s22 =	simm.s32 $0x6400  }
0x37: {  	[tilespmem:s22], [sflag:$0x1] =	stream.indirect.gather [hbm4b:s5+s12], $0x10, s21, s12, $0xb8;
	[tilespmem:$0x1F400] =	vst v63  }
0x38: {  	s23 =	simm.s32 $0x580;
	s24 =	simm.s32 $0x6C00  }
0x39: {  	[tilespmem:s24], [sflag:$0x1] =	stream.indirect.gather [hbm4b:s5+s12], $0x10, s23, s12, $0xb8;
	[tilespmem:$0x1F400] =	vst v63  }
0x3a: {  	s25 =	simm.s32 $0x600;
	s26 =	simm.s32 $0x7400  }
0x3b: {  	[tilespmem:s26], [sflag:$0x1] =	stream.indirect.gather [hbm4b:s5+s12], $0x10, s25, s12, $0xb8;
	[tilespmem:$0x1F400] =	vst v63  }
0x3c: {  	s10 =	simm.s32 $0x680;
	s18 =	simm.s32 $0x7C00  }
0x3d: {  	[tilespmem:s18], [sflag:$0x1] =	stream.indirect.gather [hbm4b:s5+s12], $0x10, s10, s12, $0xb8;
	[tilespmem:$0x1F400] =	vst v63  }
0x3e: {  	s19 =	simm.s32 $0x700;
	s20 =	simm.s32 $0x8400  }
0x3f: {  	[tilespmem:s20], [sflag:$0x1] =	stream.indirect.gather [hbm4b:s5+s12], $0x10, s19, s12, $0xb8;
	[tilespmem:$0x1F400] =	vst v63  }
0x40: {  	s21 =	simm.s32 $0x780;
	s22 =	simm.s32 $0x8C00  }
0x41: {  	[tilespmem:s22], [sflag:$0x1] =	stream.indirect.gather [hbm4b:s5+s12], $0x10, s21, s12, $0xb8;
	[tilespmem:$0x1F400] =	vst v63  }
0x42: {  	s23 =	simm.s32 $0x800;
	s24 =	simm.s32 $0x9400  }
0x43: {  	[tilespmem:s24], [sflag:$0x1] =	stream.indirect.gather [hbm4b:s5+s12], $0x10, s23, s12, $0xb8;
	[tilespmem:$0x1F400] =	vst v63  }
0x44: {  	s25 =	simm.s32 $0x880;
	s26 =	simm.s32 $0x9C00  }
0x45: {  	[tilespmem:s26], [sflag:$0x1] =	stream.indirect.gather [hbm4b:s5+s12], $0x10, s25, s12, $0xb8;
	[tilespmem:$0x1F400] =	vst v63  }
0x46: {  	_ = 	snop  }
0x47: {  	[tilespmem:s29], [sflag:$0x1] =	stream.indirect.gather [hbm4b:s5+s12], $0x10, s28, s12, $0xb8;
	[tilespmem:$0x1F400] =	vst v63  }
.Ltmp2:
0x48: {  	_ = 	snop;
	(pc) =	sbr.rel .LBB2_2-.Ltmp2, $4  }
0x49: {  	s8 =	smov.u32 s17  }
0x4a: {  	[tilespmem:s31], [sflag:$0x1] =	stream.indirect.gather [hbm4b:s5+s12], $0x10, s30, s12, $0xb8;
	[tilespmem:$0x1F400] =	vst v63  }
0x4b: {  	s9 =	smov.u32 s16;
	s10 =	smov.u32 s15;
	s18 =	simm.s32 $0x0  }
0x4c: {  	[tilespmem:s1], [sflag:$0x7] =	stream.linear.gather [hbm4b:s6+s2], $0xA00, $0x38;
	[tilespmem:$0x1F400] =	vst v63  }
.LBB2_4:
0x4d: {  	s20 =	sshrl.u32 s20, $0x9  }
0x4e: {  	s20 =	sand.u32 $0x7F, s20  }
0x4f: {  	s20 =	smul.u32 $0x3, s20;
	_ =	sdelay $0x1  }
0x50: {  	s20 =	ssub.s32 s18, s20  }
0x51: {  	s20 =	sand.u32 $0xFF, s20  }
0x52: {  	s21 =	sadd.s32 $0x1, s20  }
0x53: {  	_ =	swait.ge [sflag:s21], $0x800  }
0x54: {  	[sflag:s21] =	ssyncset.done $0x0  }
0x55: {  	[sflag:s21] =	ssyncadd.s32 $0xFFFFF800  }
0x56: {  	_ =	swait.ge [sflag:s21], $0x800  }
0x57: {  	[sflag:s21] =	ssyncset.done $0x0  }
0x58: {  	[sflag:s21] =	ssyncadd.s32 $0xFFFFF800  }
0x59: {  	_ =	swait.ge [sflag:s21], $0x800  }
0x5a: {  	[sflag:s21] =	ssyncset.done $0x0  }
0x5b: {  	[sflag:s21] =	ssyncadd.s32 $0xFFFFF800  }
0x5c: {  	_ =	swait.ge [sflag:s21], $0x800  }
0x5d: {  	[sflag:s21] =	ssyncset.done $0x0  }
0x5e: {  	[sflag:s21] =	ssyncadd.s32 $0xFFFFF800  }
0x5f: {  	_ =	swait.ge [sflag:s21], $0x800  }
0x60: {  	[sflag:s21] =	ssyncset.done $0x0  }
0x61: {  	[sflag:s21] =	ssyncadd.s32 $0xFFFFF800  }
0x62: {  	_ =	swait.ge [sflag:s21], $0x800  }
0x63: {  	[sflag:s21] =	ssyncset.done $0x0  }
0x64: {  	[sflag:s21] =	ssyncadd.s32 $0xFFFFF800  }
0x65: {  	_ =	swait.ge [sflag:s21], $0x800  }
0x66: {  	[sflag:s21] =	ssyncset.done $0x0  }
0x67: {  	[sflag:s21] =	ssyncadd.s32 $0xFFFFF800  }
0x68: {  	_ =	swait.ge [sflag:s21], $0x800  }
0x69: {  	[sflag:s21] =	ssyncset.done $0x0  }
0x6a: {  	[sflag:s21] =	ssyncadd.s32 $0xFFFFF800  }
0x6b: {  	_ =	swait.ge [sflag:s21], $0x800  }
0x6c: {  	[sflag:s21] =	ssyncset.done $0x0  }
0x6d: {  	[sflag:s21] =	ssyncadd.s32 $0xFFFFF800  }
0x6e: {  	_ =	swait.ge [sflag:s21], $0x800  }
0x6f: {  	[sflag:s21] =	ssyncset.done $0x0  }
0x70: {  	[sflag:s21] =	ssyncadd.s32 $0xFFFFF800  }
0x71: {  	_ =	swait.ge [sflag:s21], $0x800  }
0x72: {  	[sflag:s21] =	ssyncset.done $0x0  }
0x73: {  	[sflag:s21] =	ssyncadd.s32 $0xFFFFF800  }
0x74: {  	_ =	swait.ge [sflag:s21], $0x800  }
0x75: {  	[sflag:s21] =	ssyncset.done $0x0  }
0x76: {  	[sflag:s21] =	ssyncadd.s32 $0xFFFFF800  }
0x77: {  	_ =	swait.ge [sflag:s21], $0x800  }
0x78: {  	[sflag:s21] =	ssyncset.done $0x0  }
0x79: {  	[sflag:s21] =	ssyncadd.s32 $0xFFFFF800  }
0x7a: {  	_ =	swait.ge [sflag:s21], $0x800  }
0x7b: {  	[sflag:s21] =	ssyncset.done $0x0  }
0x7c: {  	[sflag:s21] =	ssyncadd.s32 $0xFFFFF800  }
0x7d: {  	_ =	swait.ge [sflag:s21], $0x800  }
0x7e: {  	[sflag:s21] =	ssyncset.done $0x0  }
0x7f: {  	[sflag:s21] =	ssyncadd.s32 $0xFFFFF800  }
0x80: {  	_ =	swait.ge [sflag:s21], $0x800  }
0x81: {  	[sflag:s21] =	ssyncset.done $0x0  }
0x82: {  	[sflag:s21] =	ssyncadd.s32 $0xFFFFF800  }
0x83: {  	_ =	swait.ge [sflag:s21], $0x800  }
0x84: {  	[sflag:s21] =	ssyncset.done $0x0  }
0x85: {  	[sflag:s21] =	ssyncadd.s32 $0xFFFFF800  }
0x86: {  	_ =	swait.ge [sflag:s21], $0x800  }
0x87: {  	[sflag:s21] =	ssyncset.done $0x0  }
0x88: {  	[sflag:s21] =	ssyncadd.s32 $0xFFFFF800  }
0x89: {  	_ =	swait.ge [sflag:s21], $0x800  }
0x8a: {  	p0 =	sgt.u32 s18, $0x3E;
	[sflag:s21] =	ssyncset.done $0x0  }
0x8b: {  	s18 =	sand.u32 @!p0 $0x1, s18;
	[sflag:s21] =	ssyncadd.s32 $0xFFFFF800  }
0x8c: {  	p1 =	seq.s32 @!p0 s18, $0x1;
	_ =	swait.ge [sflag:s21], $0x800  }
0x8d: {  	s18 =	simm.s32 @!p0 $0xA00;
	p1 =	por !p1, p0;
	[sflag:s21] =	ssyncset.done $0x0  }
0x8e: {  	s18 =	simm.s32 @p1 $0x0;
	[sflag:s21] =	ssyncadd.s32 $0xFFFFF800;
	s21 =	simm.s32 @!p0 $0x0  }
0x8f: {  	[tilespmem:s18], [sflag:$0x7] =	stream.linear.gather @!p0 [hbm4b:s9+s21], $0xA00, $0x38;
	[tilespmem:$0x1F400] =	vst v63  }
0x90: {  	s22 =	smul.u32 $0x28000, s20;
	p0 =	sne.s32 s19, $0x41  }
.Ltmp3:
0x91: {  	_ = 	snop;
	(pc) =	sbr.rel @!p0 .LBB2_5-.Ltmp3, $4  }
0x92: {  	s22 =	sshrl.u32 s22, $0x2  }
0x93: {  	s10 =	sadd.s32 $0x14, s10;
	s20 =	sadd.s32 $0x4, s20;
	s26 =	sor.u32 $0x1400, s22  }
0x94: {  	[hbm4b:s8+s2] =	stream.linear.scatter [tilespmem:s26], [sflag:s20], $0xA000, $0x38;
	[tilespmem:$0x1F400] =	vst v63  }
0x95: {  	s9 =	sadd.s32 $0x140, s9;
	s18 =	smov.u32 s19;
	s8 =	sadd.s32 $0x1400, s8  }
.LBB2_2:
0x96: {  	p0 =	seq.s32 s18, $0x40  }
.Ltmp4:
0x97: {  	_ = 	snop;
	(pc) =	sbr.rel @p0 .LBB2_4-.Ltmp4, $3  }
0x98: {  	_ =	sdelay $0x1  }
0x99: {  	s20 =	smul.u32 $0xAB, s18  }
0x9a: {  	s19 =	sadd.s32 $0x1, s18  }
0x9b: {  	s21 =	sadd.s32 $0xAB, s20  }
0x9c: {  	s21 =	sshrl.u32 s21, $0x9  }
0x9d: {  	s21 =	sand.u32 $0x7F, s21  }
0x9e: {  	s21 =	smul.u32 $0x3, s21  }
0x9f: {  	_ =	swait.ge [sflag:s11], $0xA00;
	p0 =	slt.u32 s18, $0x2  }
0xa0: {  	s25 =	sadd.s32 $0xFFFFFFEC, s10;
	s26 =	sand.u32 $0x1, s19;
	s21 =	ssub.s32 s19, s21  }
0xa1: {  	[sflag:s11] =	ssyncset.done $0x0;
	s22 =	sand.u32 $0xFF, s21;
	s21 =	smulhi.u32 $0x51EB851F, s25  }
0xa2: {  	p1 =	seq.s32 s26, $0x1;
	[sflag:s11] =	ssyncadd.s32 $0xFFFFF600;
	s23 =	sadd.s32 @!p0 $0x4, s22  }
0xa3: {  	s25 =	smul.u32 $0x28000, s22;
	_ =	swait.ge @!p0 [sflag:s23], $0xA000;
	s24 =	sshrl.u32 s21, $0x9  }
0xa4: {  	s22 =	sadd.s32 $0x1, s22;
	[sflag:s23] =	ssyncset.done @!p0 $0x0;
	s24 =	smul.u32 $0x30D40, s24  }
0xa5: {  	s21 =	simm.s32 $0xA00;
	[sflag:s23] =	ssyncadd.s32 @!p0 $0xFFFF6000;
	s23 =	sshrl.u32 s25, $0x2  }
0xa6: {  	s21 =	simm.s32 @!p1 $0x0;
	s25 =	sor.u32 $0x1400, s23;
	s24 =	sadd.s32 s3, s24  }
0xa7: {  	[tilespmem:s25], [sflag:s22] =	stream.indirect.gather [hbm4b:s24+s12], $0x10, s21, s12, $0xb8;
	[tilespmem:$0x1F400] =	vst v63  }
0xa8: {  	s26 =	sor.u32 $0x80, s21;
	s25 =	sor.u32 $0x1C00, s23  }
0xa9: {  	[tilespmem:s25], [sflag:s22] =	stream.indirect.gather [hbm4b:s24+s12], $0x10, s26, s12, $0xb8;
	[tilespmem:$0x1F400] =	vst v63  }
0xaa: {  	s25 =	sadd.s32 $0x2400, s23;
	s26 =	sor.u32 $0x100, s21  }
0xab: {  	[tilespmem:s25], [sflag:s22] =	stream.indirect.gather [hbm4b:s24+s12], $0x10, s26, s12, $0xb8;
	[tilespmem:$0x1F400] =	vst v63  }
0xac: {  	s25 =	sadd.s32 $0x2C00, s23;
	s26 =	sor.u32 $0x180, s21  }
0xad: {  	[tilespmem:s25], [sflag:s22] =	stream.indirect.gather [hbm4b:s24+s12], $0x10, s26, s12, $0xb8;
	[tilespmem:$0x1F400] =	vst v63  }
0xae: {  	s25 =	sadd.s32 $0x3400, s23;
	s26 =	sadd.s32 $0x200, s21  }
0xaf: {  	[tilespmem:s25], [sflag:s22] =	stream.indirect.gather [hbm4b:s24+s12], $0x10, s26, s12, $0xb8;
	[tilespmem:$0x1F400] =	vst v63  }
0xb0: {  	s25 =	sadd.s32 $0x3C00, s23;
	s26 =	sadd.s32 $0x280, s21  }
0xb1: {  	[tilespmem:s25], [sflag:s22] =	stream.indirect.gather [hbm4b:s24+s12], $0x10, s26, s12, $0xb8;
	[tilespmem:$0x1F400] =	vst v63  }
0xb2: {  	s25 =	sadd.s32 $0x4400, s23;
	s26 =	sadd.s32 $0x300, s21  }
0xb3: {  	[tilespmem:s25], [sflag:s22] =	stream.indirect.gather [hbm4b:s24+s12], $0x10, s26, s12, $0xb8;
	[tilespmem:$0x1F400] =	vst v63  }
0xb4: {  	s25 =	sadd.s32 $0x4C00, s23;
	s26 =	sadd.s32 $0x380, s21  }
0xb5: {  	[tilespmem:s25], [sflag:s22] =	stream.indirect.gather [hbm4b:s24+s12], $0x10, s26, s12, $0xb8;
	[tilespmem:$0x1F400] =	vst v63  }
0xb6: {  	s25 =	sadd.s32 $0x5400, s23;
	s26 =	sor.u32 $0x400, s21  }
0xb7: {  	[tilespmem:s25], [sflag:s22] =	stream.indirect.gather [hbm4b:s24+s12], $0x10, s26, s12, $0xb8;
	[tilespmem:$0x1F400] =	vst v63  }
0xb8: {  	s25 =	sadd.s32 $0x5C00, s23;
	s26 =	sor.u32 $0x480, s21  }
0xb9: {  	[tilespmem:s25], [sflag:s22] =	stream.indirect.gather [hbm4b:s24+s12], $0x10, s26, s12, $0xb8;
	[tilespmem:$0x1F400] =	vst v63  }
0xba: {  	s25 =	sadd.s32 $0x6400, s23;
	s26 =	sor.u32 $0x500, s21  }
0xbb: {  	[tilespmem:s25], [sflag:s22] =	stream.indirect.gather [hbm4b:s24+s12], $0x10, s26, s12, $0xb8;
	[tilespmem:$0x1F400] =	vst v63  }
0xbc: {  	s25 =	sadd.s32 $0x6C00, s23;
	s26 =	sor.u32 $0x580, s21  }
0xbd: {  	[tilespmem:s25], [sflag:s22] =	stream.indirect.gather [hbm4b:s24+s12], $0x10, s26, s12, $0xb8;
	[tilespmem:$0x1F400] =	vst v63  }
0xbe: {  	s25 =	sadd.s32 $0x7400, s23;
	s26 =	sadd.s32 $0x600, s21  }
0xbf: {  	[tilespmem:s25], [sflag:s22] =	stream.indirect.gather [hbm4b:s24+s12], $0x10, s26, s12, $0xb8;
	[tilespmem:$0x1F400] =	vst v63  }
0xc0: {  	s25 =	sadd.s32 $0x7C00, s23;
	s26 =	sadd.s32 $0x680, s21  }
0xc1: {  	[tilespmem:s25], [sflag:s22] =	stream.indirect.gather [hbm4b:s24+s12], $0x10, s26, s12, $0xb8;
	[tilespmem:$0x1F400] =	vst v63  }
0xc2: {  	s25 =	sadd.s32 $0x8400, s23;
	s26 =	sadd.s32 $0x700, s21  }
0xc3: {  	[tilespmem:s25], [sflag:s22] =	stream.indirect.gather [hbm4b:s24+s12], $0x10, s26, s12, $0xb8;
	[tilespmem:$0x1F400] =	vst v63  }
0xc4: {  	s25 =	sadd.s32 $0x8C00, s23;
	s26 =	sadd.s32 $0x780, s21  }
0xc5: {  	[tilespmem:s25], [sflag:s22] =	stream.indirect.gather [hbm4b:s24+s12], $0x10, s26, s12, $0xb8;
	[tilespmem:$0x1F400] =	vst v63  }
0xc6: {  	s25 =	sadd.s32 $0x9400, s23;
	s26 =	sadd.s32 $0x800, s21  }
0xc7: {  	[tilespmem:s25], [sflag:s22] =	stream.indirect.gather [hbm4b:s24+s12], $0x10, s26, s12, $0xb8;
	[tilespmem:$0x1F400] =	vst v63  }
0xc8: {  	s25 =	sadd.s32 $0x9C00, s23;
	s26 =	sadd.s32 $0x880, s21  }
0xc9: {  	[tilespmem:s25], [sflag:s22] =	stream.indirect.gather [hbm4b:s24+s12], $0x10, s26, s12, $0xb8;
	[tilespmem:$0x1F400] =	vst v63  }
.Ltmp5:
0xca: {  	_ = 	snop;
	(pc) =	sbr.rel .LBB2_4-.Ltmp5, $4  }
0xcb: {  	s25 =	sadd.s32 $0xA400, s23;
	s26 =	sadd.s32 $0x900, s21  }
0xcc: {  	[tilespmem:s25], [sflag:s22] =	stream.indirect.gather [hbm4b:s24+s12], $0x10, s26, s12, $0xb8;
	[tilespmem:$0x1F400] =	vst v63  }
0xcd: {  	s23 =	sadd.s32 $0xAC00, s23;
	s21 =	sadd.s32 $0x980, s21  }
0xce: {  	[tilespmem:s23], [sflag:s22] =	stream.indirect.gather [hbm4b:s24+s12], $0x10, s21, s12, $0xb8;
	[tilespmem:$0x1F400] =	vst v63  }
.LBB2_6:
0xcf: {  	_ =	sfence.sel $0x180000  }
0xd0: {  	[bflag:$0x0] =	sbarrier.arrive $0xFFFF  }
0xd1: {  	_ =	strace $0x90000047  }
0xd2: {  	s0 =	stileid.u32;
	[bflag:$0x2] =	sbarrier.arrive $0xFFFF  }
0xd3: {  	p0 =	sne.s32 s0, $0x0;
	s0 =	rddreg [dreg:$0x1]  }
0xd4: {  	s0 =	sadd.s32 @!p0 $0x100000, s0  }
0xd5: {  	[sflag:s0] =	ssyncadd.tile.s32 @!p0 $0x1;
	_ =	shalt  }
.Lfunc_end2:
_tile_overlayer_lowered:
.L_overlay_start_2:
0xd6: {  	(tag) =	ssettag $0x2  }
0xd7: {  	s0 =	rddreg [dreg:$0x0];
	s2 =	stileid.u32  }
0xd8: {  	s1 =	rddreg [dreg:$0x1];
	p0 =	sne.s32 s2, $0x0  }
0xd9: {  	s3 =	rddreg [dreg:$0x2];
	[bflag:$0x3] =	sbarrier.arrive $0xFFFF;
	s2 =	simm.s32 @!p0 $0x1C08  }
0xda: {  	[timem:s3], [sflag:s2] =	dma.local @!p0 [hbm:s0], s1  }
0xdb: {  	s0 =	simm.s32 @!p0 $0x8  }
0xdc: {  	_ =	swait.ge @!p0 [sflag:s0], s1  }
0xdd: {  	s1 =	ssub.s32 @!p0 $0x0, s1;
	[sflag:s0] =	ssyncset.done @!p0 $0x0  }
0xde: {  	[sflag:s0] =	ssyncadd.s32 @!p0 s1  }
0xdf: {  	[bflag:$0x3] =	sbarrier.arrive $0xFFFF  }
0xe0: {  	_ =	shalt  }

</sc_bundles>
